<compile_context>
chip_gen: v7x
topology: tpu7x:2x2x1
jax: 0.10.2.dev20260603
libtpu: 0.0.44.dev20260713+nightly
codegen_flags: <defaults>
</compile_context>

<pallas_src>
import functools
import jax
import jax.numpy as jnp
import numpy as np
from jax import lax
from jax.experimental import pallas as pl
from jax.experimental.pallas import tpu as pltpu
from jax.experimental.pallas import tpu_sc as plsc

B = 4096
S = 100
NV = 128
RPT = NV // 16
NC, NS = 2, 16
B_PER_C = B // NC
NG = B_PER_C // 16
CAP = 12


def _table_body(m_ref, out_ref):
    m = m_ref[...]
    v = lax.broadcasted_iota(jnp.int32, (NV, 1, 1), 0)
    out_ref[...] = (m < v).astype(jnp.float32)


def _build_table(m_const):
    return pl.pallas_call(
        _table_body,
        in_specs=[pl.BlockSpec((1, S, S), lambda: (0, 0, 0))],
        out_specs=pl.BlockSpec((NV, S, S), lambda: (0, 0, 0)),
        out_shape=jax.ShapeDtypeStruct((NV, S, S), jnp.float32),
    )(m_const)


def kernel(tensor_span):
    r = np.arange(S, dtype=np.int32)
    m_const = jnp.asarray(np.maximum.outer(r, r)[None])
    table = _build_table(m_const)
    spans = tensor_span.reshape(B)

    mesh = plsc.VectorSubcoreMesh(
        core_axis_name="c", subcore_axis_name="s", num_cores=NC, num_subcores=NS
    )

    @functools.partial(
        pl.kernel,
        mesh=mesh,
        compiler_params=pltpu.CompilerParams(use_tc_tiling_on_sc=True),
        out_type=jax.ShapeDtypeStruct((B, S, S), jnp.float32),
        scratch_types=[
            pltpu.VMEM((B_PER_C,), jnp.int32),
            pltpu.VMEM((RPT, S, S), jnp.float32),
            pltpu.SemaphoreType.DMA,
        ],
    )
    def sc_scatter(table_hbm, idx_hbm, out_hbm, idx_v, rows_v, sem):
        sid = lax.axis_index("s")
        cid = lax.axis_index("c")
        cbase = cid * B_PER_C
        lo = sid * RPT

        pltpu.sync_copy(table_hbm.at[pl.ds(lo, RPT)], rows_v)
        pltpu.sync_copy(idx_hbm.at[pl.ds(cbase, B_PER_C)], idx_v)

        def _drain(cnt):
            for j in range(16):
                @pl.when(j < cnt)
                def _():
                    pltpu.make_async_copy(
                        rows_v.at[0], out_hbm.at[cbase], sem
                    ).wait()

        def body(g, carry):
            c0, c1, c2, c3 = carry
            sv = idx_v[pl.ds(g * 16, 16)]
            cnt = jnp.int32(0)
            for k in range(16):
                s = lax.min(lax.max(sv[k], 0), NV - 1)
                hit = (s >= lo) & (s < lo + RPT)

                @pl.when(hit)
                def _():
                    pltpu.async_copy(
                        rows_v.at[s - lo], out_hbm.at[cbase + g * 16 + k], sem
                    )

                cnt = cnt + jnp.where(hit, 1, 0)
            _drain(c0)
            return (c1, c2, c3, cnt)

        z = jnp.int32(0)
        tail = lax.fori_loop(0, NG, body, (z, z, z, z))
        for c in tail:
            _drain(c)

    return sc_scatter(table, spans)

# --- scband reference (transcript-rebuilt; emitter-appended) ---
"""Pipeline reference for scband-my-model-61933428409366 (READ-ONLY COPY).

The authoritative reference and input builder live on the scoring server;
editing this copy changes nothing except your own understanding.
"""

import jax, jax.numpy as jnp
import numpy as np

def setup_inputs(seed: int = 0) -> dict:
    key = jax.random.key(seed)
    tensor_span = jax.random.randint(key, (4096, 1), 0, 100, dtype=jnp.int64 if jax.config.read('jax_enable_x64') else jnp.int32).astype(jnp.int32)
    return {"tensor_span": tensor_span}

def reference(tensor_span):
    # Vectorized equivalent of the per-sample loop:
    # test_mask[i, :span_i, :span_i] = 1.0 where span_i = tensor_span[i, 0]
    spans = tensor_span[:, 0]  # [B]
    idx = jnp.arange(100)
    row_ok = idx[None, :, None] < spans[:, None, None]  # [B, 100, 1]
    col_ok = idx[None, None, :] < spans[:, None, None]  # [B, 1, 100]
    test_mask = (row_ok & col_ok).astype(jnp.float32)   # [B, 100, 100]
    return test_mask

if __name__ == "__main__":
    import jax
    _d = setup_inputs()
    print(jax.jit(kernel)(*tuple(_d.values())))

</pallas_src>

<mosaic_0001>
#map = affine_map<(d0, d1) -> (0, 0, 0)>
#map1 = affine_map<(d0, d1) -> (0)>
module attributes {stable_mosaic.version = 14 : i64} {
  func.func @sc_scatter(%arg0: i32, %arg1: i32, %arg2: memref<128x100x100xf32, #tpu.memory_space<hbm>>, %arg3: memref<4096xi32, #tpu.memory_space<hbm>>, %arg4: memref<4096x100x100xf32, #tpu.memory_space<hbm>>, %arg5: memref<2048xi32, #tpu.memory_space<vmem>>, %arg6: memref<8x100x100xf32, #tpu.memory_space<vmem>>, %arg7: memref<!tpu.dma_semaphore, #tpu.memory_space<semaphore_mem>>) attributes {dimension_semantics = [#tpu.dimension_semantics<core_parallel>, #tpu.dimension_semantics<subcore_parallel>], iteration_bounds = array<i64: 2, 16>, scalar_prefetch = 0 : i64, scratch_operands = 3 : i64, tpu.core_type = #tpu.core_type<sc_vector_subcore>, window_params = [{transform_indices = #map}, {transform_indices = #map1}, {transform_indices = #map}]} {
    %mul3A = arith.constant 2048 : i32
    %mul3A_0 = arith.muli %arg0, %mul3A : i32
    %mul3A_1 = arith.constant 8 : i32
    %mul3A_2 = arith.muli %arg1, %mul3A_1 : i32
    "tpu.region"() ({
      %run_scoped3A = tpu.sem_alloc : memref<!tpu.dma_semaphore, #tpu.memory_space<semaphore_mem>>
      %dma_start3A = arith.constant 0 : i32
      %dma_start3A_329 = arith.constant 0 : i32
      %dma_start3A_330 = tpu.memref_slice %arg2[%mul3A_2, %dma_start3A, %dma_start3A_329] : memref<128x100x100xf32, #tpu.memory_space<hbm>> -> memref<8x100x100xf32, #tpu.memory_space<hbm>>
      %dma_start3A_331 = arith.constant 0 : i32
      %dma_start3A_332 = arith.constant 0 : i32
      %dma_start3A_333 = tpu.memref_slice %arg2[%mul3A_2, %dma_start3A_331, %dma_start3A_332] : memref<128x100x100xf32, #tpu.memory_space<hbm>> -> memref<8x100x100xf32, #tpu.memory_space<hbm>>
      tpu.enqueue_dma source(%dma_start3A_333 : memref<8x100x100xf32, #tpu.memory_space<hbm>>) target(%arg6 : memref<8x100x100xf32, #tpu.memory_space<vmem>>) target_semaphore(%run_scoped3A : memref<!tpu.dma_semaphore, #tpu.memory_space<semaphore_mem>>)
      %dma_wait3A = arith.constant 0 : i32
      %dma_wait3A_334 = arith.constant 0 : i32
      %dma_wait3A_335 = tpu.memref_slice %arg2[%mul3A_2, %dma_wait3A, %dma_wait3A_334] : memref<128x100x100xf32, #tpu.memory_space<hbm>> -> memref<8x100x100xf32, #tpu.memory_space<hbm>>
      %dma_wait3A_336 = arith.constant 0 : i32
      %dma_wait3A_337 = arith.constant 0 : i32
      %dma_wait3A_338 = tpu.memref_slice %arg2[%mul3A_2, %dma_wait3A_336, %dma_wait3A_337] : memref<128x100x100xf32, #tpu.memory_space<hbm>> -> memref<8x100x100xf32, #tpu.memory_space<hbm>>
      tpu.wait_dma2 semaphore(%run_scoped3A : memref<!tpu.dma_semaphore, #tpu.memory_space<semaphore_mem>>) src(%dma_wait3A_338 : memref<8x100x100xf32, #tpu.memory_space<hbm>>) dst(%arg6 : memref<8x100x100xf32, #tpu.memory_space<vmem>>)
      tpu.yield
    }) : () -> ()
    "tpu.region"() ({
      %run_scoped3A = tpu.sem_alloc : memref<!tpu.dma_semaphore, #tpu.memory_space<semaphore_mem>>
      %dma_start3A = tpu.memref_slice %arg3[%mul3A_0] : memref<4096xi32, #tpu.memory_space<hbm>> -> memref<2048xi32, #tpu.memory_space<hbm>>
      %dma_start3A_329 = tpu.memref_slice %arg3[%mul3A_0] : memref<4096xi32, #tpu.memory_space<hbm>> -> memref<2048xi32, #tpu.memory_space<hbm>>
      tpu.enqueue_dma source(%dma_start3A_329 : memref<2048xi32, #tpu.memory_space<hbm>>) target(%arg5 : memref<2048xi32, #tpu.memory_space<vmem>>) target_semaphore(%run_scoped3A : memref<!tpu.dma_semaphore, #tpu.memory_space<semaphore_mem>>)
      %dma_wait3A = tpu.memref_slice %arg3[%mul3A_0] : memref<4096xi32, #tpu.memory_space<hbm>> -> memref<2048xi32, #tpu.memory_space<hbm>>
      %dma_wait3A_330 = tpu.memref_slice %arg3[%mul3A_0] : memref<4096xi32, #tpu.memory_space<hbm>> -> memref<2048xi32, #tpu.memory_space<hbm>>
      tpu.wait_dma2 semaphore(%run_scoped3A : memref<!tpu.dma_semaphore, #tpu.memory_space<semaphore_mem>>) src(%dma_wait3A_330 : memref<2048xi32, #tpu.memory_space<hbm>>) dst(%arg5 : memref<2048xi32, #tpu.memory_space<vmem>>)
      tpu.yield
    }) : () -> ()
    %scan3A = arith.constant 0 : i32
    %scan3A_3 = arith.constant 0 : i32
    %scan3A_4 = arith.constant 0 : i32
    %scan3A_5 = arith.constant 0 : i32
    %scan3A_6 = arith.constant 0 : i32
    %scan3A_7 = arith.constant 128 : i32
    %scan3A_8 = arith.addi %scan3A_6, %scan3A_7 : i32
    %scan3A_9 = arith.constant 1 : i32
    %scan3A_10:4 = scf.for %scan3A_329 = %scan3A_6 to %scan3A_8 step %scan3A_9 iter_args(%scan3A_330 = %scan3A, %scan3A_331 = %scan3A_3, %scan3A_332 = %scan3A_4, %scan3A_333 = %scan3A_5) -> (i32, i32, i32, i32)  : i32 {
      %mul3A_334 = arith.constant 16 : i32
      %mul3A_335 = arith.muli %scan3A_329, %mul3A_334 : i32
      %get3A = arith.index_cast %mul3A_335 : i32 to index
      %get3A_336 = tpu.vector_load %arg5[%get3A] {strides = array<i32>} : memref<2048xi32, #tpu.memory_space<vmem>>, vector<16xi32>,
      %get3A_337 = vector.shape_cast %get3A_336 : vector<16xi32> to vector<16xi32>
      %slice3A = vector.extract_strided_slice %get3A_337 {offsets = [0], sizes = [1], strides = [1]} : vector<16xi32> to vector<1xi32>
      %squeeze3A = vector.extract %slice3A[0] : i32 from vector<1xi32>
      %max3A = arith.constant 0 : i32
      %max3A_338 = arith.maxsi %squeeze3A, %max3A : i32
      %min3A = arith.constant 127 : i32
      %min3A_339 = arith.minsi %max3A_338, %min3A : i32
      %ge3A = arith.cmpi sge, %min3A_339, %mul3A_2 : i32
      %add3A = arith.constant 8 : i32
      %add3A_340 = arith.addi %mul3A_2, %add3A : i32
      %lt3A = arith.cmpi slt, %min3A_339, %add3A_340 : i32
      %and3A = arith.andi %ge3A, %lt3A : i1
      %convert_element_type3A_341 = arith.extui %and3A : i1 to i32
      %cond3A_342 = arith.constant 0 : i32
      %cond3A_343 = arith.cmpi ne, %convert_element_type3A_341, %cond3A_342 : i32
      scf.if %cond3A_343 {
        %sub3A = arith.subi %min3A_339, %mul3A_2 : i32
        %mul3A_697 = arith.constant 16 : i32
        %mul3A_698 = arith.muli %scan3A_329, %mul3A_697 : i32
        %add3A_699 = arith.addi %mul3A_0, %mul3A_698 : i32
        %add3A_700 = arith.constant 0 : i32
        %add3A_701 = arith.addi %add3A_699, %add3A_700 : i32
        %dma_start3A = arith.constant 0 : i32
        %dma_start3A_702 = arith.constant 0 : i32
        %dma_start3A_703 = tpu.memref_slice %arg6[%sub3A, %dma_start3A, %dma_start3A_702] : memref<8x100x100xf32, #tpu.memory_space<vmem>> -> memref<1x100x100xf32, #tpu.memory_space<vmem>>
        %dma_start3A_704 = tpu.memref_squeeze %dma_start3A_703 : memref<1x100x100xf32, #tpu.memory_space<vmem>> -> memref<100x100xf32, #tpu.memory_space<vmem>>
        %dma_start3A_705 = arith.constant 0 : i32
        %dma_start3A_706 = arith.constant 0 : i32
        %dma_start3A_707 = tpu.memref_slice %arg4[%add3A_701, %dma_start3A_705, %dma_start3A_706] : memref<4096x100x100xf32, #tpu.memory_space<hbm>> -> memref<1x100x100xf32, #tpu.memory_space<hbm>>
        %dma_start3A_708 = tpu.memref_squeeze %dma_start3A_707 : memref<1x100x100xf32, #tpu.memory_space<hbm>> -> memref<100x100xf32, #tpu.memory_space<hbm>>
        %dma_start3A_709 = arith.constant 0 : i32
        %dma_start3A_710 = arith.constant 0 : i32
        %dma_start3A_711 = tpu.memref_slice %arg4[%add3A_701, %dma_start3A_709, %dma_start3A_710] : memref<4096x100x100xf32, #tpu.memory_space<hbm>> -> memref<1x100x100xf32, #tpu.memory_space<hbm>>
        %dma_start3A_712 = tpu.memref_squeeze %dma_start3A_711 : memref<1x100x100xf32, #tpu.memory_space<hbm>> -> memref<100x100xf32, #tpu.memory_space<hbm>>
        %dma_start3A_713 = arith.constant 0 : i32
        %dma_start3A_714 = arith.constant 0 : i32
        %dma_start3A_715 = tpu.memref_slice %arg6[%sub3A, %dma_start3A_713, %dma_start3A_714] : memref<8x100x100xf32, #tpu.memory_space<vmem>> -> memref<1x100x100xf32, #tpu.memory_space<vmem>>
        %dma_start3A_716 = tpu.memref_squeeze %dma_start3A_715 : memref<1x100x100xf32, #tpu.memory_space<vmem>> -> memref<100x100xf32, #tpu.memory_space<vmem>>
        tpu.enqueue_dma source(%dma_start3A_716 : memref<100x100xf32, #tpu.memory_space<vmem>>) target(%dma_start3A_712 : memref<100x100xf32, #tpu.memory_space<hbm>>) target_semaphore(%arg7 : memref<!tpu.dma_semaphore, #tpu.memory_space<semaphore_mem>>)
      } else {
      }
      %jit3A = arith.constant 1 : i32
      %jit3A_344 = arith.constant 0 : i32
      %select_n3A = arith.select %and3A, %jit3A, %jit3A_344 : i32
      %add3A_345 = arith.constant 0 : i32
      %add3A_346 = arith.addi %add3A_345, %select_n3A : i32
      %slice3A_347 = vector.extract_strided_slice %get3A_337 {offsets = [1], sizes = [1], strides = [1]} : vector<16xi32> to vector<1xi32>
      %squeeze3A_348 = vector.extract %slice3A_347[0] : i32 from vector<1xi32>
      %max3A_349 = arith.constant 0 : i32
      %max3A_350 = arith.maxsi %squeeze3A_348, %max3A_349 : i32
      %min3A_351 = arith.constant 127 : i32
      %min3A_352 = arith.minsi %max3A_350, %min3A_351 : i32
      %ge3A_353 = arith.cmpi sge, %min3A_352, %mul3A_2 : i32
      %add3A_354 = arith.constant 8 : i32
      %add3A_355 = arith.addi %mul3A_2, %add3A_354 : i32
      %lt3A_356 = arith.cmpi slt, %min3A_352, %add3A_355 : i32
      %and3A_357 = arith.andi %ge3A_353, %lt3A_356 : i1
      %convert_element_type3A_358 = arith.extui %and3A_357 : i1 to i32
      %cond3A_359 = arith.constant 0 : i32
      %cond3A_360 = arith.cmpi ne, %convert_element_type3A_358, %cond3A_359 : i32
      scf.if %cond3A_360 {
        %sub3A = arith.subi %min3A_352, %mul3A_2 : i32
        %mul3A_697 = arith.constant 16 : i32
        %mul3A_698 = arith.muli %scan3A_329, %mul3A_697 : i32
        %add3A_699 = arith.addi %mul3A_0, %mul3A_698 : i32
        %add3A_700 = arith.constant 1 : i32
        %add3A_701 = arith.addi %add3A_699, %add3A_700 : i32
        %dma_start3A = arith.constant 0 : i32
        %dma_start3A_702 = arith.constant 0 : i32
        %dma_start3A_703 = tpu.memref_slice %arg6[%sub3A, %dma_start3A, %dma_start3A_702] : memref<8x100x100xf32, #tpu.memory_space<vmem>> -> memref<1x100x100xf32, #tpu.memory_space<vmem>>
        %dma_start3A_704 = tpu.memref_squeeze %dma_start3A_703 : memref<1x100x100xf32, #tpu.memory_space<vmem>> -> memref<100x100xf32, #tpu.memory_space<vmem>>
        %dma_start3A_705 = arith.constant 0 : i32
        %dma_start3A_706 = arith.constant 0 : i32
        %dma_start3A_707 = tpu.memref_slice %arg4[%add3A_701, %dma_start3A_705, %dma_start3A_706] : memref<4096x100x100xf32, #tpu.memory_space<hbm>> -> memref<1x100x100xf32, #tpu.memory_space<hbm>>
        %dma_start3A_708 = tpu.memref_squeeze %dma_start3A_707 : memref<1x100x100xf32, #tpu.memory_space<hbm>> -> memref<100x100xf32, #tpu.memory_space<hbm>>
        %dma_start3A_709 = arith.constant 0 : i32
        %dma_start3A_710 = arith.constant 0 : i32
        %dma_start3A_711 = tpu.memref_slice %arg4[%add3A_701, %dma_start3A_709, %dma_start3A_710] : memref<4096x100x100xf32, #tpu.memory_space<hbm>> -> memref<1x100x100xf32, #tpu.memory_space<hbm>>
        %dma_start3A_712 = tpu.memref_squeeze %dma_start3A_711 : memref<1x100x100xf32, #tpu.memory_space<hbm>> -> memref<100x100xf32, #tpu.memory_space<hbm>>
        %dma_start3A_713 = arith.constant 0 : i32
        %dma_start3A_714 = arith.constant 0 : i32
        %dma_start3A_715 = tpu.memref_slice %arg6[%sub3A, %dma_start3A_713, %dma_start3A_714] : memref<8x100x100xf32, #tpu.memory_space<vmem>> -> memref<1x100x100xf32, #tpu.memory_space<vmem>>
        %dma_start3A_716 = tpu.memref_squeeze %dma_start3A_715 : memref<1x100x100xf32, #tpu.memory_space<vmem>> -> memref<100x100xf32, #tpu.memory_space<vmem>>
        tpu.enqueue_dma source(%dma_start3A_716 : memref<100x100xf32, #tpu.memory_space<vmem>>) target(%dma_start3A_712 : memref<100x100xf32, #tpu.memory_space<hbm>>) target_semaphore(%arg7 : memref<!tpu.dma_semaphore, #tpu.memory_space<semaphore_mem>>)
      } else {
      }
      %jit3A_361 = arith.constant 1 : i32
      %jit3A_362 = arith.constant 0 : i32
      %select_n3A_363 = arith.select %and3A_357, %jit3A_361, %jit3A_362 : i32
      %add3A_364 = arith.addi %add3A_346, %select_n3A_363 : i32
      %slice3A_365 = vector.extract_strided_slice %get3A_337 {offsets = [2], sizes = [1], strides = [1]} : vector<16xi32> to vector<1xi32>
      %squeeze3A_366 = vector.extract %slice3A_365[0] : i32 from vector<1xi32>
      %max3A_367 = arith.constant 0 : i32
      %max3A_368 = arith.maxsi %squeeze3A_366, %max3A_367 : i32
      %min3A_369 = arith.constant 127 : i32
      %min3A_370 = arith.minsi %max3A_368, %min3A_369 : i32
      %ge3A_371 = arith.cmpi sge, %min3A_370, %mul3A_2 : i32
      %add3A_372 = arith.constant 8 : i32
      %add3A_373 = arith.addi %mul3A_2, %add3A_372 : i32
      %lt3A_374 = arith.cmpi slt, %min3A_370, %add3A_373 : i32
      %and3A_375 = arith.andi %ge3A_371, %lt3A_374 : i1
      %convert_element_type3A_376 = arith.extui %and3A_375 : i1 to i32
      %cond3A_377 = arith.constant 0 : i32
      %cond3A_378 = arith.cmpi ne, %convert_element_type3A_376, %cond3A_377 : i32
      scf.if %cond3A_378 {
        %sub3A = arith.subi %min3A_370, %mul3A_2 : i32
        %mul3A_697 = arith.constant 16 : i32
        %mul3A_698 = arith.muli %scan3A_329, %mul3A_697 : i32
        %add3A_699 = arith.addi %mul3A_0, %mul3A_698 : i32
        %add3A_700 = arith.constant 2 : i32
        %add3A_701 = arith.addi %add3A_699, %add3A_700 : i32
        %dma_start3A = arith.constant 0 : i32
        %dma_start3A_702 = arith.constant 0 : i32
        %dma_start3A_703 = tpu.memref_slice %arg6[%sub3A, %dma_start3A, %dma_start3A_702] : memref<8x100x100xf32, #tpu.memory_space<vmem>> -> memref<1x100x100xf32, #tpu.memory_space<vmem>>
        %dma_start3A_704 = tpu.memref_squeeze %dma_start3A_703 : memref<1x100x100xf32, #tpu.memory_space<vmem>> -> memref<100x100xf32, #tpu.memory_space<vmem>>
        %dma_start3A_705 = arith.constant 0 : i32
        %dma_start3A_706 = arith.constant 0 : i32
        %dma_start3A_707 = tpu.memref_slice %arg4[%add3A_701, %dma_start3A_705, %dma_start3A_706] : memref<4096x100x100xf32, #tpu.memory_space<hbm>> -> memref<1x100x100xf32, #tpu.memory_space<hbm>>
        %dma_start3A_708 = tpu.memref_squeeze %dma_start3A_707 : memref<1x100x100xf32, #tpu.memory_space<hbm>> -> memref<100x100xf32, #tpu.memory_space<hbm>>
        %dma_start3A_709 = arith.constant 0 : i32
        %dma_start3A_710 = arith.constant 0 : i32
        %dma_start3A_711 = tpu.memref_slice %arg4[%add3A_701, %dma_start3A_709, %dma_start3A_710] : memref<4096x100x100xf32, #tpu.memory_space<hbm>> -> memref<1x100x100xf32, #tpu.memory_space<hbm>>
        %dma_start3A_712 = tpu.memref_squeeze %dma_start3A_711 : memref<1x100x100xf32, #tpu.memory_space<hbm>> -> memref<100x100xf32, #tpu.memory_space<hbm>>
        %dma_start3A_713 = arith.constant 0 : i32
        %dma_start3A_714 = arith.constant 0 : i32
        %dma_start3A_715 = tpu.memref_slice %arg6[%sub3A, %dma_start3A_713, %dma_start3A_714] : memref<8x100x100xf32, #tpu.memory_space<vmem>> -> memref<1x100x100xf32, #tpu.memory_space<vmem>>
        %dma_start3A_716 = tpu.memref_squeeze %dma_start3A_715 : memref<1x100x100xf32, #tpu.memory_space<vmem>> -> memref<100x100xf32, #tpu.memory_space<vmem>>
        tpu.enqueue_dma source(%dma_start3A_716 : memref<100x100xf32, #tpu.memory_space<vmem>>) target(%dma_start3A_712 : memref<100x100xf32, #tpu.memory_space<hbm>>) target_semaphore(%arg7 : memref<!tpu.dma_semaphore, #tpu.memory_space<semaphore_mem>>)
      } else {
      }
      %jit3A_379 = arith.constant 1 : i32
      %jit3A_380 = arith.constant 0 : i32
      %select_n3A_381 = arith.select %and3A_375, %jit3A_379, %jit3A_380 : i32
      %add3A_382 = arith.addi %add3A_364, %select_n3A_381 : i32
      %slice3A_383 = vector.extract_strided_slice %get3A_337 {offsets = [3], sizes = [1], strides = [1]} : vector<16xi32> to vector<1xi32>
      %squeeze3A_384 = vector.extract %slice3A_383[0] : i32 from vector<1xi32>
      %max3A_385 = arith.constant 0 : i32
      %max3A_386 = arith.maxsi %squeeze3A_384, %max3A_385 : i32
      %min3A_387 = arith.constant 127 : i32
      %min3A_388 = arith.minsi %max3A_386, %min3A_387 : i32
      %ge3A_389 = arith.cmpi sge, %min3A_388, %mul3A_2 : i32
      %add3A_390 = arith.constant 8 : i32
      %add3A_391 = arith.addi %mul3A_2, %add3A_390 : i32
      %lt3A_392 = arith.cmpi slt, %min3A_388, %add3A_391 : i32
      %and3A_393 = arith.andi %ge3A_389, %lt3A_392 : i1
      %convert_element_type3A_394 = arith.extui %and3A_393 : i1 to i32
      %cond3A_395 = arith.constant 0 : i32
      %cond3A_396 = arith.cmpi ne, %convert_element_type3A_394, %cond3A_395 : i32
      scf.if %cond3A_396 {
        %sub3A = arith.subi %min3A_388, %mul3A_2 : i32
        %mul3A_697 = arith.constant 16 : i32
        %mul3A_698 = arith.muli %scan3A_329, %mul3A_697 : i32
        %add3A_699 = arith.addi %mul3A_0, %mul3A_698 : i32
        %add3A_700 = arith.constant 3 : i32
        %add3A_701 = arith.addi %add3A_699, %add3A_700 : i32
        %dma_start3A = arith.constant 0 : i32
        %dma_start3A_702 = arith.constant 0 : i32
        %dma_start3A_703 = tpu.memref_slice %arg6[%sub3A, %dma_start3A, %dma_start3A_702] : memref<8x100x100xf32, #tpu.memory_space<vmem>> -> memref<1x100x100xf32, #tpu.memory_space<vmem>>
        %dma_start3A_704 = tpu.memref_squeeze %dma_start3A_703 : memref<1x100x100xf32, #tpu.memory_space<vmem>> -> memref<100x100xf32, #tpu.memory_space<vmem>>
        %dma_start3A_705 = arith.constant 0 : i32
        %dma_start3A_706 = arith.constant 0 : i32
        %dma_start3A_707 = tpu.memref_slice %arg4[%add3A_701, %dma_start3A_705, %dma_start3A_706] : memref<4096x100x100xf32, #tpu.memory_space<hbm>> -> memref<1x100x100xf32, #tpu.memory_space<hbm>>
        %dma_start3A_708 = tpu.memref_squeeze %dma_start3A_707 : memref<1x100x100xf32, #tpu.memory_space<hbm>> -> memref<100x100xf32, #tpu.memory_space<hbm>>
        %dma_start3A_709 = arith.constant 0 : i32
        %dma_start3A_710 = arith.constant 0 : i32
        %dma_start3A_711 = tpu.memref_slice %arg4[%add3A_701, %dma_start3A_709, %dma_start3A_710] : memref<4096x100x100xf32, #tpu.memory_space<hbm>> -> memref<1x100x100xf32, #tpu.memory_space<hbm>>
        %dma_start3A_712 = tpu.memref_squeeze %dma_start3A_711 : memref<1x100x100xf32, #tpu.memory_space<hbm>> -> memref<100x100xf32, #tpu.memory_space<hbm>>
        %dma_start3A_713 = arith.constant 0 : i32
        %dma_start3A_714 = arith.constant 0 : i32
        %dma_start3A_715 = tpu.memref_slice %arg6[%sub3A, %dma_start3A_713, %dma_start3A_714] : memref<8x100x100xf32, #tpu.memory_space<vmem>> -> memref<1x100x100xf32, #tpu.memory_space<vmem>>
        %dma_start3A_716 = tpu.memref_squeeze %dma_start3A_715 : memref<1x100x100xf32, #tpu.memory_space<vmem>> -> memref<100x100xf32, #tpu.memory_space<vmem>>
        tpu.enqueue_dma source(%dma_start3A_716 : memref<100x100xf32, #tpu.memory_space<vmem>>) target(%dma_start3A_712 : memref<100x100xf32, #tpu.memory_space<hbm>>) target_semaphore(%arg7 : memref<!tpu.dma_semaphore, #tpu.memory_space<semaphore_mem>>)
      } else {
      }
      %jit3A_397 = arith.constant 1 : i32
      %jit3A_398 = arith.constant 0 : i32
      %select_n3A_399 = arith.select %and3A_393, %jit3A_397, %jit3A_398 : i32
      %add3A_400 = arith.addi %add3A_382, %select_n3A_399 : i32
      %slice3A_401 = vector.extract_strided_slice %get3A_337 {offsets = [4], sizes = [1], strides = [1]} : vector<16xi32> to vector<1xi32>
      %squeeze3A_402 = vector.extract %slice3A_401[0] : i32 from vector<1xi32>
      %max3A_403 = arith.constant 0 : i32
      %max3A_404 = arith.maxsi %squeeze3A_402, %max3A_403 : i32
      %min3A_405 = arith.constant 127 : i32
      %min3A_406 = arith.minsi %max3A_404, %min3A_405 : i32
      %ge3A_407 = arith.cmpi sge, %min3A_406, %mul3A_2 : i32
      %add3A_408 = arith.constant 8 : i32
      %add3A_409 = arith.addi %mul3A_2, %add3A_408 : i32
      %lt3A_410 = arith.cmpi slt, %min3A_406, %add3A_409 : i32
      %and3A_411 = arith.andi %ge3A_407, %lt3A_410 : i1
      %convert_element_type3A_412 = arith.extui %and3A_411 : i1 to i32
      %cond3A_413 = arith.constant 0 : i32
      %cond3A_414 = arith.cmpi ne, %convert_element_type3A_412, %cond3A_413 : i32
      scf.if %cond3A_414 {
        %sub3A = arith.subi %min3A_406, %mul3A_2 : i32
        %mul3A_697 = arith.constant 16 : i32
        %mul3A_698 = arith.muli %scan3A_329, %mul3A_697 : i32
        %add3A_699 = arith.addi %mul3A_0, %mul3A_698 : i32
        %add3A_700 = arith.constant 4 : i32
        %add3A_701 = arith.addi %add3A_699, %add3A_700 : i32
        %dma_start3A = arith.constant 0 : i32
        %dma_start3A_702 = arith.constant 0 : i32
        %dma_start3A_703 = tpu.memref_slice %arg6[%sub3A, %dma_start3A, %dma_start3A_702] : memref<8x100x100xf32, #tpu.memory_space<vmem>> -> memref<1x100x100xf32, #tpu.memory_space<vmem>>
        %dma_start3A_704 = tpu.memref_squeeze %dma_start3A_703 : memref<1x100x100xf32, #tpu.memory_space<vmem>> -> memref<100x100xf32, #tpu.memory_space<vmem>>
        %dma_start3A_705 = arith.constant 0 : i32
        %dma_start3A_706 = arith.constant 0 : i32
        %dma_start3A_707 = tpu.memref_slice %arg4[%add3A_701, %dma_start3A_705, %dma_start3A_706] : memref<4096x100x100xf32, #tpu.memory_space<hbm>> -> memref<1x100x100xf32, #tpu.memory_space<hbm>>
        %dma_start3A_708 = tpu.memref_squeeze %dma_start3A_707 : memref<1x100x100xf32, #tpu.memory_space<hbm>> -> memref<100x100xf32, #tpu.memory_space<hbm>>
        %dma_start3A_709 = arith.constant 0 : i32
        %dma_start3A_710 = arith.constant 0 : i32
        %dma_start3A_711 = tpu.memref_slice %arg4[%add3A_701, %dma_start3A_709, %dma_start3A_710] : memref<4096x100x100xf32, #tpu.memory_space<hbm>> -> memref<1x100x100xf32, #tpu.memory_space<hbm>>
        %dma_start3A_712 = tpu.memref_squeeze %dma_start3A_711 : memref<1x100x100xf32, #tpu.memory_space<hbm>> -> memref<100x100xf32, #tpu.memory_space<hbm>>
        %dma_start3A_713 = arith.constant 0 : i32
        %dma_start3A_714 = arith.constant 0 : i32
        %dma_start3A_715 = tpu.memref_slice %arg6[%sub3A, %dma_start3A_713, %dma_start3A_714] : memref<8x100x100xf32, #tpu.memory_space<vmem>> -> memref<1x100x100xf32, #tpu.memory_space<vmem>>
        %dma_start3A_716 = tpu.memref_squeeze %dma_start3A_715 : memref<1x100x100xf32, #tpu.memory_space<vmem>> -> memref<100x100xf32, #tpu.memory_space<vmem>>
        tpu.enqueue_dma source(%dma_start3A_716 : memref<100x100xf32, #tpu.memory_space<vmem>>) target(%dma_start3A_712 : memref<100x100xf32, #tpu.memory_space<hbm>>) target_semaphore(%arg7 : memref<!tpu.dma_semaphore, #tpu.memory_space<semaphore_mem>>)
      } else {
      }
      %jit3A_415 = arith.constant 1 : i32
      %jit3A_416 = arith.constant 0 : i32
      %select_n3A_417 = arith.select %and3A_411, %jit3A_415, %jit3A_416 : i32
      %add3A_418 = arith.addi %add3A_400, %select_n3A_417 : i32
      %slice3A_419 = vector.extract_strided_slice %get3A_337 {offsets = [5], sizes = [1], strides = [1]} : vector<16xi32> to vector<1xi32>
      %squeeze3A_420 = vector.extract %slice3A_419[0] : i32 from vector<1xi32>
      %max3A_421 = arith.constant 0 : i32
      %max3A_422 = arith.maxsi %squeeze3A_420, %max3A_421 : i32
      %min3A_423 = arith.constant 127 : i32
      %min3A_424 = arith.minsi %max3A_422, %min3A_423 : i32
      %ge3A_425 = arith.cmpi sge, %min3A_424, %mul3A_2 : i32
      %add3A_426 = arith.constant 8 : i32
      %add3A_427 = arith.addi %mul3A_2, %add3A_426 : i32
      %lt3A_428 = arith.cmpi slt, %min3A_424, %add3A_427 : i32
      %and3A_429 = arith.andi %ge3A_425, %lt3A_428 : i1
      %convert_element_type3A_430 = arith.extui %and3A_429 : i1 to i32
      %cond3A_431 = arith.constant 0 : i32
      %cond3A_432 = arith.cmpi ne, %convert_element_type3A_430, %cond3A_431 : i32
      scf.if %cond3A_432 {
        %sub3A = arith.subi %min3A_424, %mul3A_2 : i32
        %mul3A_697 = arith.constant 16 : i32
        %mul3A_698 = arith.muli %scan3A_329, %mul3A_697 : i32
        %add3A_699 = arith.addi %mul3A_0, %mul3A_698 : i32
        %add3A_700 = arith.constant 5 : i32
        %add3A_701 = arith.addi %add3A_699, %add3A_700 : i32
        %dma_start3A = arith.constant 0 : i32
        %dma_start3A_702 = arith.constant 0 : i32
        %dma_start3A_703 = tpu.memref_slice %arg6[%sub3A, %dma_start3A, %dma_start3A_702] : memref<8x100x100xf32, #tpu.memory_space<vmem>> -> memref<1x100x100xf32, #tpu.memory_space<vmem>>
        %dma_start3A_704 = tpu.memref_squeeze %dma_start3A_703 : memref<1x100x100xf32, #tpu.memory_space<vmem>> -> memref<100x100xf32, #tpu.memory_space<vmem>>
        %dma_start3A_705 = arith.constant 0 : i32
        %dma_start3A_706 = arith.constant 0 : i32
        %dma_start3A_707 = tpu.memref_slice %arg4[%add3A_701, %dma_start3A_705, %dma_start3A_706] : memref<4096x100x100xf32, #tpu.memory_space<hbm>> -> memref<1x100x100xf32, #tpu.memory_space<hbm>>
        %dma_start3A_708 = tpu.memref_squeeze %dma_start3A_707 : memref<1x100x100xf32, #tpu.memory_space<hbm>> -> memref<100x100xf32, #tpu.memory_space<hbm>>
        %dma_start3A_709 = arith.constant 0 : i32
        %dma_start3A_710 = arith.constant 0 : i32
        %dma_start3A_711 = tpu.memref_slice %arg4[%add3A_701, %dma_start3A_709, %dma_start3A_710] : memref<4096x100x100xf32, #tpu.memory_space<hbm>> -> memref<1x100x100xf32, #tpu.memory_space<hbm>>
        %dma_start3A_712 = tpu.memref_squeeze %dma_start3A_711 : memref<1x100x100xf32, #tpu.memory_space<hbm>> -> memref<100x100xf32, #tpu.memory_space<hbm>>
        %dma_start3A_713 = arith.constant 0 : i32
        %dma_start3A_714 = arith.constant 0 : i32
        %dma_start3A_715 = tpu.memref_slice %arg6[%sub3A, %dma_start3A_713, %dma_start3A_714] : memref<8x100x100xf32, #tpu.memory_space<vmem>> -> memref<1x100x100xf32, #tpu.memory_space<vmem>>
        %dma_start3A_716 = tpu.memref_squeeze %dma_start3A_715 : memref<1x100x100xf32, #tpu.memory_space<vmem>> -> memref<100x100xf32, #tpu.memory_space<vmem>>
        tpu.enqueue_dma source(%dma_start3A_716 : memref<100x100xf32, #tpu.memory_space<vmem>>) target(%dma_start3A_712 : memref<100x100xf32, #tpu.memory_space<hbm>>) target_semaphore(%arg7 : memref<!tpu.dma_semaphore, #tpu.memory_space<semaphore_mem>>)
      } else {
      }
      %jit3A_433 = arith.constant 1 : i32
      %jit3A_434 = arith.constant 0 : i32
      %select_n3A_435 = arith.select %and3A_429, %jit3A_433, %jit3A_434 : i32
      %add3A_436 = arith.addi %add3A_418, %select_n3A_435 : i32
      %slice3A_437 = vector.extract_strided_slice %get3A_337 {offsets = [6], sizes = [1], strides = [1]} : vector<16xi32> to vector<1xi32>
      %squeeze3A_438 = vector.extract %slice3A_437[0] : i32 from vector<1xi32>
      %max3A_439 = arith.constant 0 : i32
      %max3A_440 = arith.maxsi %squeeze3A_438, %max3A_439 : i32
      %min3A_441 = arith.constant 127 : i32
      %min3A_442 = arith.minsi %max3A_440, %min3A_441 : i32
      %ge3A_443 = arith.cmpi sge, %min3A_442, %mul3A_2 : i32
      %add3A_444 = arith.constant 8 : i32
      %add3A_445 = arith.addi %mul3A_2, %add3A_444 : i32
      %lt3A_446 = arith.cmpi slt, %min3A_442, %add3A_445 : i32
      %and3A_447 = arith.andi %ge3A_443, %lt3A_446 : i1
      %convert_element_type3A_448 = arith.extui %and3A_447 : i1 to i32
      %cond3A_449 = arith.constant 0 : i32
      %cond3A_450 = arith.cmpi ne, %convert_element_type3A_448, %cond3A_449 : i32
      scf.if %cond3A_450 {
        %sub3A = arith.subi %min3A_442, %mul3A_2 : i32
        %mul3A_697 = arith.constant 16 : i32
        %mul3A_698 = arith.muli %scan3A_329, %mul3A_697 : i32
        %add3A_699 = arith.addi %mul3A_0, %mul3A_698 : i32
        %add3A_700 = arith.constant 6 : i32
        %add3A_701 = arith.addi %add3A_699, %add3A_700 : i32
        %dma_start3A = arith.constant 0 : i32
        %dma_start3A_702 = arith.constant 0 : i32
        %dma_start3A_703 = tpu.memref_slice %arg6[%sub3A, %dma_start3A, %dma_start3A_702] : memref<8x100x100xf32, #tpu.memory_space<vmem>> -> memref<1x100x100xf32, #tpu.memory_space<vmem>>
        %dma_start3A_704 = tpu.memref_squeeze %dma_start3A_703 : memref<1x100x100xf32, #tpu.memory_space<vmem>> -> memref<100x100xf32, #tpu.memory_space<vmem>>
        %dma_start3A_705 = arith.constant 0 : i32
        %dma_start3A_706 = arith.constant 0 : i32
        %dma_start3A_707 = tpu.memref_slice %arg4[%add3A_701, %dma_start3A_705, %dma_start3A_706] : memref<4096x100x100xf32, #tpu.memory_space<hbm>> -> memref<1x100x100xf32, #tpu.memory_space<hbm>>
        %dma_start3A_708 = tpu.memref_squeeze %dma_start3A_707 : memref<1x100x100xf32, #tpu.memory_space<hbm>> -> memref<100x100xf32, #tpu.memory_space<hbm>>
        %dma_start3A_709 = arith.constant 0 : i32
        %dma_start3A_710 = arith.constant 0 : i32
        %dma_start3A_711 = tpu.memref_slice %arg4[%add3A_701, %dma_start3A_709, %dma_start3A_710] : memref<4096x100x100xf32, #tpu.memory_space<hbm>> -> memref<1x100x100xf32, #tpu.memory_space<hbm>>
        %dma_start3A_712 = tpu.memref_squeeze %dma_start3A_711 : memref<1x100x100xf32, #tpu.memory_space<hbm>> -> memref<100x100xf32, #tpu.memory_space<hbm>>
        %dma_start3A_713 = arith.constant 0 : i32
        %dma_start3A_714 = arith.constant 0 : i32
        %dma_start3A_715 = tpu.memref_slice %arg6[%sub3A, %dma_start3A_713, %dma_start3A_714] : memref<8x100x100xf32, #tpu.memory_space<vmem>> -> memref<1x100x100xf32, #tpu.memory_space<vmem>>
        %dma_start3A_716 = tpu.memref_squeeze %dma_start3A_715 : memref<1x100x100xf32, #tpu.memory_space<vmem>> -> memref<100x100xf32, #tpu.memory_space<vmem>>
        tpu.enqueue_dma source(%dma_start3A_716 : memref<100x100xf32, #tpu.memory_space<vmem>>) target(%dma_start3A_712 : memref<100x100xf32, #tpu.memory_space<hbm>>) target_semaphore(%arg7 : memref<!tpu.dma_semaphore, #tpu.memory_space<semaphore_mem>>)
      } else {
      }
      %jit3A_451 = arith.constant 1 : i32
      %jit3A_452 = arith.constant 0 : i32
      %select_n3A_453 = arith.select %and3A_447, %jit3A_451, %jit3A_452 : i32
      %add3A_454 = arith.addi %add3A_436, %select_n3A_453 : i32
      %slice3A_455 = vector.extract_strided_slice %get3A_337 {offsets = [7], sizes = [1], strides = [1]} : vector<16xi32> to vector<1xi32>
      %squeeze3A_456 = vector.extract %slice3A_455[0] : i32 from vector<1xi32>
      %max3A_457 = arith.constant 0 : i32
      %max3A_458 = arith.maxsi %squeeze3A_456, %max3A_457 : i32
      %min3A_459 = arith.constant 127 : i32
      %min3A_460 = arith.minsi %max3A_458, %min3A_459 : i32
      %ge3A_461 = arith.cmpi sge, %min3A_460, %mul3A_2 : i32
      %add3A_462 = arith.constant 8 : i32
      %add3A_463 = arith.addi %mul3A_2, %add3A_462 : i32
      %lt3A_464 = arith.cmpi slt, %min3A_460, %add3A_463 : i32
      %and3A_465 = arith.andi %ge3A_461, %lt3A_464 : i1
      %convert_element_type3A_466 = arith.extui %and3A_465 : i1 to i32
      %cond3A_467 = arith.constant 0 : i32
      %cond3A_468 = arith.cmpi ne, %convert_element_type3A_466, %cond3A_467 : i32
      scf.if %cond3A_468 {
        %sub3A = arith.subi %min3A_460, %mul3A_2 : i32
        %mul3A_697 = arith.constant 16 : i32
        %mul3A_698 = arith.muli %scan3A_329, %mul3A_697 : i32
        %add3A_699 = arith.addi %mul3A_0, %mul3A_698 : i32
        %add3A_700 = arith.constant 7 : i32
        %add3A_701 = arith.addi %add3A_699, %add3A_700 : i32
        %dma_start3A = arith.constant 0 : i32
        %dma_start3A_702 = arith.constant 0 : i32
        %dma_start3A_703 = tpu.memref_slice %arg6[%sub3A, %dma_start3A, %dma_start3A_702] : memref<8x100x100xf32, #tpu.memory_space<vmem>> -> memref<1x100x100xf32, #tpu.memory_space<vmem>>
        %dma_start3A_704 = tpu.memref_squeeze %dma_start3A_703 : memref<1x100x100xf32, #tpu.memory_space<vmem>> -> memref<100x100xf32, #tpu.memory_space<vmem>>
        %dma_start3A_705 = arith.constant 0 : i32
        %dma_start3A_706 = arith.constant 0 : i32
        %dma_start3A_707 = tpu.memref_slice %arg4[%add3A_701, %dma_start3A_705, %dma_start3A_706] : memref<4096x100x100xf32, #tpu.memory_space<hbm>> -> memref<1x100x100xf32, #tpu.memory_space<hbm>>
        %dma_start3A_708 = tpu.memref_squeeze %dma_start3A_707 : memref<1x100x100xf32, #tpu.memory_space<hbm>> -> memref<100x100xf32, #tpu.memory_space<hbm>>
        %dma_start3A_709 = arith.constant 0 : i32
        %dma_start3A_710 = arith.constant 0 : i32
        %dma_start3A_711 = tpu.memref_slice %arg4[%add3A_701, %dma_start3A_709, %dma_start3A_710] : memref<4096x100x100xf32, #tpu.memory_space<hbm>> -> memref<1x100x100xf32, #tpu.memory_space<hbm>>
        %dma_start3A_712 = tpu.memref_squeeze %dma_start3A_711 : memref<1x100x100xf32, #tpu.memory_space<hbm>> -> memref<100x100xf32, #tpu.memory_space<hbm>>
        %dma_start3A_713 = arith.constant 0 : i32
        %dma_start3A_714 = arith.constant 0 : i32
        %dma_start3A_715 = tpu.memref_slice %arg6[%sub3A, %dma_start3A_713, %dma_start3A_714] : memref<8x100x100xf32, #tpu.memory_space<vmem>> -> memref<1x100x100xf32, #tpu.memory_space<vmem>>
        %dma_start3A_716 = tpu.memref_squeeze %dma_start3A_715 : memref<1x100x100xf32, #tpu.memory_space<vmem>> -> memref<100x100xf32, #tpu.memory_space<vmem>>
        tpu.enqueue_dma source(%dma_start3A_716 : memref<100x100xf32, #tpu.memory_space<vmem>>) target(%dma_start3A_712 : memref<100x100xf32, #tpu.memory_space<hbm>>) target_semaphore(%arg7 : memref<!tpu.dma_semaphore, #tpu.memory_space<semaphore_mem>>)
      } else {
      }
      %jit3A_469 = arith.constant 1 : i32
      %jit3A_470 = arith.constant 0 : i32
      %select_n3A_471 = arith.select %and3A_465, %jit3A_469, %jit3A_470 : i32
      %add3A_472 = arith.addi %add3A_454, %select_n3A_471 : i32
      %slice3A_473 = vector.extract_strided_slice %get3A_337 {offsets = [8], sizes = [1], strides = [1]} : vector<16xi32> to vector<1xi32>
      %squeeze3A_474 = vector.extract %slice3A_473[0] : i32 from vector<1xi32>
      %max3A_475 = arith.constant 0 : i32
      %max3A_476 = arith.maxsi %squeeze3A_474, %max3A_475 : i32
      %min3A_477 = arith.constant 127 : i32
      %min3A_478 = arith.minsi %max3A_476, %min3A_477 : i32
      %ge3A_479 = arith.cmpi sge, %min3A_478, %mul3A_2 : i32
      %add3A_480 = arith.constant 8 : i32
      %add3A_481 = arith.addi %mul3A_2, %add3A_480 : i32
      %lt3A_482 = arith.cmpi slt, %min3A_478, %add3A_481 : i32
      %and3A_483 = arith.andi %ge3A_479, %lt3A_482 : i1
      %convert_element_type3A_484 = arith.extui %and3A_483 : i1 to i32
      %cond3A_485 = arith.constant 0 : i32
      %cond3A_486 = arith.cmpi ne, %convert_element_type3A_484, %cond3A_485 : i32
      scf.if %cond3A_486 {
        %sub3A = arith.subi %min3A_478, %mul3A_2 : i32
        %mul3A_697 = arith.constant 16 : i32
        %mul3A_698 = arith.muli %scan3A_329, %mul3A_697 : i32
        %add3A_699 = arith.addi %mul3A_0, %mul3A_698 : i32
        %add3A_700 = arith.constant 8 : i32
        %add3A_701 = arith.addi %add3A_699, %add3A_700 : i32
        %dma_start3A = arith.constant 0 : i32
        %dma_start3A_702 = arith.constant 0 : i32
        %dma_start3A_703 = tpu.memref_slice %arg6[%sub3A, %dma_start3A, %dma_start3A_702] : memref<8x100x100xf32, #tpu.memory_space<vmem>> -> memref<1x100x100xf32, #tpu.memory_space<vmem>>
        %dma_start3A_704 = tpu.memref_squeeze %dma_start3A_703 : memref<1x100x100xf32, #tpu.memory_space<vmem>> -> memref<100x100xf32, #tpu.memory_space<vmem>>
        %dma_start3A_705 = arith.constant 0 : i32
        %dma_start3A_706 = arith.constant 0 : i32
        %dma_start3A_707 = tpu.memref_slice %arg4[%add3A_701, %dma_start3A_705, %dma_start3A_706] : memref<4096x100x100xf32, #tpu.memory_space<hbm>> -> memref<1x100x100xf32, #tpu.memory_space<hbm>>
        %dma_start3A_708 = tpu.memref_squeeze %dma_start3A_707 : memref<1x100x100xf32, #tpu.memory_space<hbm>> -> memref<100x100xf32, #tpu.memory_space<hbm>>
        %dma_start3A_709 = arith.constant 0 : i32
        %dma_start3A_710 = arith.constant 0 : i32
        %dma_start3A_711 = tpu.memref_slice %arg4[%add3A_701, %dma_start3A_709, %dma_start3A_710] : memref<4096x100x100xf32, #tpu.memory_space<hbm>> -> memref<1x100x100xf32, #tpu.memory_space<hbm>>
        %dma_start3A_712 = tpu.memref_squeeze %dma_start3A_711 : memref<1x100x100xf32, #tpu.memory_space<hbm>> -> memref<100x100xf32, #tpu.memory_space<hbm>>
        %dma_start3A_713 = arith.constant 0 : i32
        %dma_start3A_714 = arith.constant 0 : i32
        %dma_start3A_715 = tpu.memref_slice %arg6[%sub3A, %dma_start3A_713, %dma_start3A_714] : memref<8x100x100xf32, #tpu.memory_space<vmem>> -> memref<1x100x100xf32, #tpu.memory_space<vmem>>
        %dma_start3A_716 = tpu.memref_squeeze %dma_start3A_715 : memref<1x100x100xf32, #tpu.memory_space<vmem>> -> memref<100x100xf32, #tpu.memory_space<vmem>>
        tpu.enqueue_dma source(%dma_start3A_716 : memref<100x100xf32, #tpu.memory_space<vmem>>) target(%dma_start3A_712 : memref<100x100xf32, #tpu.memory_space<hbm>>) target_semaphore(%arg7 : memref<!tpu.dma_semaphore, #tpu.memory_space<semaphore_mem>>)
      } else {
      }
      %jit3A_487 = arith.constant 1 : i32
      %jit3A_488 = arith.constant 0 : i32
      %select_n3A_489 = arith.select %and3A_483, %jit3A_487, %jit3A_488 : i32
      %add3A_490 = arith.addi %add3A_472, %select_n3A_489 : i32
      %slice3A_491 = vector.extract_strided_slice %get3A_337 {offsets = [9], sizes = [1], strides = [1]} : vector<16xi32> to vector<1xi32>
      %squeeze3A_492 = vector.extract %slice3A_491[0] : i32 from vector<1xi32>
      %max3A_493 = arith.constant 0 : i32
      %max3A_494 = arith.maxsi %squeeze3A_492, %max3A_493 : i32
      %min3A_495 = arith.constant 127 : i32
      %min3A_496 = arith.minsi %max3A_494, %min3A_495 : i32
      %ge3A_497 = arith.cmpi sge, %min3A_496, %mul3A_2 : i32
      %add3A_498 = arith.constant 8 : i32
      %add3A_499 = arith.addi %mul3A_2, %add3A_498 : i32
      %lt3A_500 = arith.cmpi slt, %min3A_496, %add3A_499 : i32
      %and3A_501 = arith.andi %ge3A_497, %lt3A_500 : i1
      %convert_element_type3A_502 = arith.extui %and3A_501 : i1 to i32
      %cond3A_503 = arith.constant 0 : i32
      %cond3A_504 = arith.cmpi ne, %convert_element_type3A_502, %cond3A_503 : i32
      scf.if %cond3A_504 {
        %sub3A = arith.subi %min3A_496, %mul3A_2 : i32
        %mul3A_697 = arith.constant 16 : i32
        %mul3A_698 = arith.muli %scan3A_329, %mul3A_697 : i32
        %add3A_699 = arith.addi %mul3A_0, %mul3A_698 : i32
        %add3A_700 = arith.constant 9 : i32
        %add3A_701 = arith.addi %add3A_699, %add3A_700 : i32
        %dma_start3A = arith.constant 0 : i32
        %dma_start3A_702 = arith.constant 0 : i32
        %dma_start3A_703 = tpu.memref_slice %arg6[%sub3A, %dma_start3A, %dma_start3A_702] : memref<8x100x100xf32, #tpu.memory_space<vmem>> -> memref<1x100x100xf32, #tpu.memory_space<vmem>>
        %dma_start3A_704 = tpu.memref_squeeze %dma_start3A_703 : memref<1x100x100xf32, #tpu.memory_space<vmem>> -> memref<100x100xf32, #tpu.memory_space<vmem>>
        %dma_start3A_705 = arith.constant 0 : i32
        %dma_start3A_706 = arith.constant 0 : i32
        %dma_start3A_707 = tpu.memref_slice %arg4[%add3A_701, %dma_start3A_705, %dma_start3A_706] : memref<4096x100x100xf32, #tpu.memory_space<hbm>> -> memref<1x100x100xf32, #tpu.memory_space<hbm>>
        %dma_start3A_708 = tpu.memref_squeeze %dma_start3A_707 : memref<1x100x100xf32, #tpu.memory_space<hbm>> -> memref<100x100xf32, #tpu.memory_space<hbm>>
        %dma_start3A_709 = arith.constant 0 : i32
        %dma_start3A_710 = arith.constant 0 : i32
        %dma_start3A_711 = tpu.memref_slice %arg4[%add3A_701, %dma_start3A_709, %dma_start3A_710] : memref<4096x100x100xf32, #tpu.memory_space<hbm>> -> memref<1x100x100xf32, #tpu.memory_space<hbm>>
        %dma_start3A_712 = tpu.memref_squeeze %dma_start3A_711 : memref<1x100x100xf32, #tpu.memory_space<hbm>> -> memref<100x100xf32, #tpu.memory_space<hbm>>
        %dma_start3A_713 = arith.constant 0 : i32
        %dma_start3A_714 = arith.constant 0 : i32
        %dma_start3A_715 = tpu.memref_slice %arg6[%sub3A, %dma_start3A_713, %dma_start3A_714] : memref<8x100x100xf32, #tpu.memory_space<vmem>> -> memref<1x100x100xf32, #tpu.memory_space<vmem>>
        %dma_start3A_716 = tpu.memref_squeeze %dma_start3A_715 : memref<1x100x100xf32, #tpu.memory_space<vmem>> -> memref<100x100xf32, #tpu.memory_space<vmem>>
        tpu.enqueue_dma source(%dma_start3A_716 : memref<100x100xf32, #tpu.memory_space<vmem>>) target(%dma_start3A_712 : memref<100x100xf32, #tpu.memory_space<hbm>>) target_semaphore(%arg7 : memref<!tpu.dma_semaphore, #tpu.memory_space<semaphore_mem>>)
      } else {
      }
      %jit3A_505 = arith.constant 1 : i32
      %jit3A_506 = arith.constant 0 : i32
      %select_n3A_507 = arith.select %and3A_501, %jit3A_505, %jit3A_506 : i32
      %add3A_508 = arith.addi %add3A_490, %select_n3A_507 : i32
      %slice3A_509 = vector.extract_strided_slice %get3A_337 {offsets = [10], sizes = [1], strides = [1]} : vector<16xi32> to vector<1xi32>
      %squeeze3A_510 = vector.extract %slice3A_509[0] : i32 from vector<1xi32>
      %max3A_511 = arith.constant 0 : i32
      %max3A_512 = arith.maxsi %squeeze3A_510, %max3A_511 : i32
      %min3A_513 = arith.constant 127 : i32
      %min3A_514 = arith.minsi %max3A_512, %min3A_513 : i32
      %ge3A_515 = arith.cmpi sge, %min3A_514, %mul3A_2 : i32
      %add3A_516 = arith.constant 8 : i32
      %add3A_517 = arith.addi %mul3A_2, %add3A_516 : i32
      %lt3A_518 = arith.cmpi slt, %min3A_514, %add3A_517 : i32
      %and3A_519 = arith.andi %ge3A_515, %lt3A_518 : i1
      %convert_element_type3A_520 = arith.extui %and3A_519 : i1 to i32
      %cond3A_521 = arith.constant 0 : i32
      %cond3A_522 = arith.cmpi ne, %convert_element_type3A_520, %cond3A_521 : i32
      scf.if %cond3A_522 {
        %sub3A = arith.subi %min3A_514, %mul3A_2 : i32
        %mul3A_697 = arith.constant 16 : i32
        %mul3A_698 = arith.muli %scan3A_329, %mul3A_697 : i32
        %add3A_699 = arith.addi %mul3A_0, %mul3A_698 : i32
        %add3A_700 = arith.constant 10 : i32
        %add3A_701 = arith.addi %add3A_699, %add3A_700 : i32
        %dma_start3A = arith.constant 0 : i32
        %dma_start3A_702 = arith.constant 0 : i32
        %dma_start3A_703 = tpu.memref_slice %arg6[%sub3A, %dma_start3A, %dma_start3A_702] : memref<8x100x100xf32, #tpu.memory_space<vmem>> -> memref<1x100x100xf32, #tpu.memory_space<vmem>>
        %dma_start3A_704 = tpu.memref_squeeze %dma_start3A_703 : memref<1x100x100xf32, #tpu.memory_space<vmem>> -> memref<100x100xf32, #tpu.memory_space<vmem>>
        %dma_start3A_705 = arith.constant 0 : i32
        %dma_start3A_706 = arith.constant 0 : i32
        %dma_start3A_707 = tpu.memref_slice %arg4[%add3A_701, %dma_start3A_705, %dma_start3A_706] : memref<4096x100x100xf32, #tpu.memory_space<hbm>> -> memref<1x100x100xf32, #tpu.memory_space<hbm>>
        %dma_start3A_708 = tpu.memref_squeeze %dma_start3A_707 : memref<1x100x100xf32, #tpu.memory_space<hbm>> -> memref<100x100xf32, #tpu.memory_space<hbm>>
        %dma_start3A_709 = arith.constant 0 : i32
        %dma_start3A_710 = arith.constant 0 : i32
        %dma_start3A_711 = tpu.memref_slice %arg4[%add3A_701, %dma_start3A_709, %dma_start3A_710] : memref<4096x100x100xf32, #tpu.memory_space<hbm>> -> memref<1x100x100xf32, #tpu.memory_space<hbm>>
        %dma_start3A_712 = tpu.memref_squeeze %dma_start3A_711 : memref<1x100x100xf32, #tpu.memory_space<hbm>> -> memref<100x100xf32, #tpu.memory_space<hbm>>
        %dma_start3A_713 = arith.constant 0 : i32
        %dma_start3A_714 = arith.constant 0 : i32
        %dma_start3A_715 = tpu.memref_slice %arg6[%sub3A, %dma_start3A_713, %dma_start3A_714] : memref<8x100x100xf32, #tpu.memory_space<vmem>> -> memref<1x100x100xf32, #tpu.memory_space<vmem>>
        %dma_start3A_716 = tpu.memref_squeeze %dma_start3A_715 : memref<1x100x100xf32, #tpu.memory_space<vmem>> -> memref<100x100xf32, #tpu.memory_space<vmem>>
        tpu.enqueue_dma source(%dma_start3A_716 : memref<100x100xf32, #tpu.memory_space<vmem>>) target(%dma_start3A_712 : memref<100x100xf32, #tpu.memory_space<hbm>>) target_semaphore(%arg7 : memref<!tpu.dma_semaphore, #tpu.memory_space<semaphore_mem>>)
      } else {
      }
      %jit3A_523 = arith.constant 1 : i32
      %jit3A_524 = arith.constant 0 : i32
      %select_n3A_525 = arith.select %and3A_519, %jit3A_523, %jit3A_524 : i32
      %add3A_526 = arith.addi %add3A_508, %select_n3A_525 : i32
      %slice3A_527 = vector.extract_strided_slice %get3A_337 {offsets = [11], sizes = [1], strides = [1]} : vector<16xi32> to vector<1xi32>
      %squeeze3A_528 = vector.extract %slice3A_527[0] : i32 from vector<1xi32>
      %max3A_529 = arith.constant 0 : i32
      %max3A_530 = arith.maxsi %squeeze3A_528, %max3A_529 : i32
      %min3A_531 = arith.constant 127 : i32
      %min3A_532 = arith.minsi %max3A_530, %min3A_531 : i32
      %ge3A_533 = arith.cmpi sge, %min3A_532, %mul3A_2 : i32
      %add3A_534 = arith.constant 8 : i32
      %add3A_535 = arith.addi %mul3A_2, %add3A_534 : i32
      %lt3A_536 = arith.cmpi slt, %min3A_532, %add3A_535 : i32
      %and3A_537 = arith.andi %ge3A_533, %lt3A_536 : i1
      %convert_element_type3A_538 = arith.extui %and3A_537 : i1 to i32
      %cond3A_539 = arith.constant 0 : i32
      %cond3A_540 = arith.cmpi ne, %convert_element_type3A_538, %cond3A_539 : i32
      scf.if %cond3A_540 {
        %sub3A = arith.subi %min3A_532, %mul3A_2 : i32
        %mul3A_697 = arith.constant 16 : i32
        %mul3A_698 = arith.muli %scan3A_329, %mul3A_697 : i32
        %add3A_699 = arith.addi %mul3A_0, %mul3A_698 : i32
        %add3A_700 = arith.constant 11 : i32
        %add3A_701 = arith.addi %add3A_699, %add3A_700 : i32
        %dma_start3A = arith.constant 0 : i32
        %dma_start3A_702 = arith.constant 0 : i32
        %dma_start3A_703 = tpu.memref_slice %arg6[%sub3A, %dma_start3A, %dma_start3A_702] : memref<8x100x100xf32, #tpu.memory_space<vmem>> -> memref<1x100x100xf32, #tpu.memory_space<vmem>>
        %dma_start3A_704 = tpu.memref_squeeze %dma_start3A_703 : memref<1x100x100xf32, #tpu.memory_space<vmem>> -> memref<100x100xf32, #tpu.memory_space<vmem>>
        %dma_start3A_705 = arith.constant 0 : i32
        %dma_start3A_706 = arith.constant 0 : i32
        %dma_start3A_707 = tpu.memref_slice %arg4[%add3A_701, %dma_start3A_705, %dma_start3A_706] : memref<4096x100x100xf32, #tpu.memory_space<hbm>> -> memref<1x100x100xf32, #tpu.memory_space<hbm>>
        %dma_start3A_708 = tpu.memref_squeeze %dma_start3A_707 : memref<1x100x100xf32, #tpu.memory_space<hbm>> -> memref<100x100xf32, #tpu.memory_space<hbm>>
        %dma_start3A_709 = arith.constant 0 : i32
        %dma_start3A_710 = arith.constant 0 : i32
        %dma_start3A_711 = tpu.memref_slice %arg4[%add3A_701, %dma_start3A_709, %dma_start3A_710] : memref<4096x100x100xf32, #tpu.memory_space<hbm>> -> memref<1x100x100xf32, #tpu.memory_space<hbm>>
        %dma_start3A_712 = tpu.memref_squeeze %dma_start3A_711 : memref<1x100x100xf32, #tpu.memory_space<hbm>> -> memref<100x100xf32, #tpu.memory_space<hbm>>
        %dma_start3A_713 = arith.constant 0 : i32
        %dma_start3A_714 = arith.constant 0 : i32
        %dma_start3A_715 = tpu.memref_slice %arg6[%sub3A, %dma_start3A_713, %dma_start3A_714] : memref<8x100x100xf32, #tpu.memory_space<vmem>> -> memref<1x100x100xf32, #tpu.memory_space<vmem>>
        %dma_start3A_716 = tpu.memref_squeeze %dma_start3A_715 : memref<1x100x100xf32, #tpu.memory_space<vmem>> -> memref<100x100xf32, #tpu.memory_space<vmem>>
        tpu.enqueue_dma source(%dma_start3A_716 : memref<100x100xf32, #tpu.memory_space<vmem>>) target(%dma_start3A_712 : memref<100x100xf32, #tpu.memory_space<hbm>>) target_semaphore(%arg7 : memref<!tpu.dma_semaphore, #tpu.memory_space<semaphore_mem>>)
      } else {
      }
      %jit3A_541 = arith.constant 1 : i32
      %jit3A_542 = arith.constant 0 : i32
      %select_n3A_543 = arith.select %and3A_537, %jit3A_541, %jit3A_542 : i32
      %add3A_544 = arith.addi %add3A_526, %select_n3A_543 : i32
      %slice3A_545 = vector.extract_strided_slice %get3A_337 {offsets = [12], sizes = [1], strides = [1]} : vector<16xi32> to vector<1xi32>
      %squeeze3A_546 = vector.extract %slice3A_545[0] : i32 from vector<1xi32>
      %max3A_547 = arith.constant 0 : i32
      %max3A_548 = arith.maxsi %squeeze3A_546, %max3A_547 : i32
      %min3A_549 = arith.constant 127 : i32
      %min3A_550 = arith.minsi %max3A_548, %min3A_549 : i32
      %ge3A_551 = arith.cmpi sge, %min3A_550, %mul3A_2 : i32
      %add3A_552 = arith.constant 8 : i32
      %add3A_553 = arith.addi %mul3A_2, %add3A_552 : i32
      %lt3A_554 = arith.cmpi slt, %min3A_550, %add3A_553 : i32
      %and3A_555 = arith.andi %ge3A_551, %lt3A_554 : i1
      %convert_element_type3A_556 = arith.extui %and3A_555 : i1 to i32
      %cond3A_557 = arith.constant 0 : i32
      %cond3A_558 = arith.cmpi ne, %convert_element_type3A_556, %cond3A_557 : i32
      scf.if %cond3A_558 {
        %sub3A = arith.subi %min3A_550, %mul3A_2 : i32
        %mul3A_697 = arith.constant 16 : i32
        %mul3A_698 = arith.muli %scan3A_329, %mul3A_697 : i32
        %add3A_699 = arith.addi %mul3A_0, %mul3A_698 : i32
        %add3A_700 = arith.constant 12 : i32
        %add3A_701 = arith.addi %add3A_699, %add3A_700 : i32
        %dma_start3A = arith.constant 0 : i32
        %dma_start3A_702 = arith.constant 0 : i32
        %dma_start3A_703 = tpu.memref_slice %arg6[%sub3A, %dma_start3A, %dma_start3A_702] : memref<8x100x100xf32, #tpu.memory_space<vmem>> -> memref<1x100x100xf32, #tpu.memory_space<vmem>>
        %dma_start3A_704 = tpu.memref_squeeze %dma_start3A_703 : memref<1x100x100xf32, #tpu.memory_space<vmem>> -> memref<100x100xf32, #tpu.memory_space<vmem>>
        %dma_start3A_705 = arith.constant 0 : i32
        %dma_start3A_706 = arith.constant 0 : i32
        %dma_start3A_707 = tpu.memref_slice %arg4[%add3A_701, %dma_start3A_705, %dma_start3A_706] : memref<4096x100x100xf32, #tpu.memory_space<hbm>> -> memref<1x100x100xf32, #tpu.memory_space<hbm>>
        %dma_start3A_708 = tpu.memref_squeeze %dma_start3A_707 : memref<1x100x100xf32, #tpu.memory_space<hbm>> -> memref<100x100xf32, #tpu.memory_space<hbm>>
        %dma_start3A_709 = arith.constant 0 : i32
        %dma_start3A_710 = arith.constant 0 : i32
        %dma_start3A_711 = tpu.memref_slice %arg4[%add3A_701, %dma_start3A_709, %dma_start3A_710] : memref<4096x100x100xf32, #tpu.memory_space<hbm>> -> memref<1x100x100xf32, #tpu.memory_space<hbm>>
        %dma_start3A_712 = tpu.memref_squeeze %dma_start3A_711 : memref<1x100x100xf32, #tpu.memory_space<hbm>> -> memref<100x100xf32, #tpu.memory_space<hbm>>
        %dma_start3A_713 = arith.constant 0 : i32
        %dma_start3A_714 = arith.constant 0 : i32
        %dma_start3A_715 = tpu.memref_slice %arg6[%sub3A, %dma_start3A_713, %dma_start3A_714] : memref<8x100x100xf32, #tpu.memory_space<vmem>> -> memref<1x100x100xf32, #tpu.memory_space<vmem>>
        %dma_start3A_716 = tpu.memref_squeeze %dma_start3A_715 : memref<1x100x100xf32, #tpu.memory_space<vmem>> -> memref<100x100xf32, #tpu.memory_space<vmem>>
        tpu.enqueue_dma source(%dma_start3A_716 : memref<100x100xf32, #tpu.memory_space<vmem>>) target(%dma_start3A_712 : memref<100x100xf32, #tpu.memory_space<hbm>>) target_semaphore(%arg7 : memref<!tpu.dma_semaphore, #tpu.memory_space<semaphore_mem>>)
      } else {
      }
      %jit3A_559 = arith.constant 1 : i32
      %jit3A_560 = arith.constant 0 : i32
      %select_n3A_561 = arith.select %and3A_555, %jit3A_559, %jit3A_560 : i32
      %add3A_562 = arith.addi %add3A_544, %select_n3A_561 : i32
      %slice3A_563 = vector.extract_strided_slice %get3A_337 {offsets = [13], sizes = [1], strides = [1]} : vector<16xi32> to vector<1xi32>
      %squeeze3A_564 = vector.extract %slice3A_563[0] : i32 from vector<1xi32>
      %max3A_565 = arith.constant 0 : i32
      %max3A_566 = arith.maxsi %squeeze3A_564, %max3A_565 : i32
      %min3A_567 = arith.constant 127 : i32
      %min3A_568 = arith.minsi %max3A_566, %min3A_567 : i32
      %ge3A_569 = arith.cmpi sge, %min3A_568, %mul3A_2 : i32
      %add3A_570 = arith.constant 8 : i32
      %add3A_571 = arith.addi %mul3A_2, %add3A_570 : i32
      %lt3A_572 = arith.cmpi slt, %min3A_568, %add3A_571 : i32
      %and3A_573 = arith.andi %ge3A_569, %lt3A_572 : i1
      %convert_element_type3A_574 = arith.extui %and3A_573 : i1 to i32
      %cond3A_575 = arith.constant 0 : i32
      %cond3A_576 = arith.cmpi ne, %convert_element_type3A_574, %cond3A_575 : i32
      scf.if %cond3A_576 {
        %sub3A = arith.subi %min3A_568, %mul3A_2 : i32
        %mul3A_697 = arith.constant 16 : i32
        %mul3A_698 = arith.muli %scan3A_329, %mul3A_697 : i32
        %add3A_699 = arith.addi %mul3A_0, %mul3A_698 : i32
        %add3A_700 = arith.constant 13 : i32
        %add3A_701 = arith.addi %add3A_699, %add3A_700 : i32
        %dma_start3A = arith.constant 0 : i32
        %dma_start3A_702 = arith.constant 0 : i32
        %dma_start3A_703 = tpu.memref_slice %arg6[%sub3A, %dma_start3A, %dma_start3A_702] : memref<8x100x100xf32, #tpu.memory_space<vmem>> -> memref<1x100x100xf32, #tpu.memory_space<vmem>>
        %dma_start3A_704 = tpu.memref_squeeze %dma_start3A_703 : memref<1x100x100xf32, #tpu.memory_space<vmem>> -> memref<100x100xf32, #tpu.memory_space<vmem>>
        %dma_start3A_705 = arith.constant 0 : i32
        %dma_start3A_706 = arith.constant 0 : i32
        %dma_start3A_707 = tpu.memref_slice %arg4[%add3A_701, %dma_start3A_705, %dma_start3A_706] : memref<4096x100x100xf32, #tpu.memory_space<hbm>> -> memref<1x100x100xf32, #tpu.memory_space<hbm>>
        %dma_start3A_708 = tpu.memref_squeeze %dma_start3A_707 : memref<1x100x100xf32, #tpu.memory_space<hbm>> -> memref<100x100xf32, #tpu.memory_space<hbm>>
        %dma_start3A_709 = arith.constant 0 : i32
        %dma_start3A_710 = arith.constant 0 : i32
        %dma_start3A_711 = tpu.memref_slice %arg4[%add3A_701, %dma_start3A_709, %dma_start3A_710] : memref<4096x100x100xf32, #tpu.memory_space<hbm>> -> memref<1x100x100xf32, #tpu.memory_space<hbm>>
        %dma_start3A_712 = tpu.memref_squeeze %dma_start3A_711 : memref<1x100x100xf32, #tpu.memory_space<hbm>> -> memref<100x100xf32, #tpu.memory_space<hbm>>
        %dma_start3A_713 = arith.constant 0 : i32
        %dma_start3A_714 = arith.constant 0 : i32
        %dma_start3A_715 = tpu.memref_slice %arg6[%sub3A, %dma_start3A_713, %dma_start3A_714] : memref<8x100x100xf32, #tpu.memory_space<vmem>> -> memref<1x100x100xf32, #tpu.memory_space<vmem>>
        %dma_start3A_716 = tpu.memref_squeeze %dma_start3A_715 : memref<1x100x100xf32, #tpu.memory_space<vmem>> -> memref<100x100xf32, #tpu.memory_space<vmem>>
        tpu.enqueue_dma source(%dma_start3A_716 : memref<100x100xf32, #tpu.memory_space<vmem>>) target(%dma_start3A_712 : memref<100x100xf32, #tpu.memory_space<hbm>>) target_semaphore(%arg7 : memref<!tpu.dma_semaphore, #tpu.memory_space<semaphore_mem>>)
      } else {
      }
      %jit3A_577 = arith.constant 1 : i32
      %jit3A_578 = arith.constant 0 : i32
      %select_n3A_579 = arith.select %and3A_573, %jit3A_577, %jit3A_578 : i32
      %add3A_580 = arith.addi %add3A_562, %select_n3A_579 : i32
      %slice3A_581 = vector.extract_strided_slice %get3A_337 {offsets = [14], sizes = [1], strides = [1]} : vector<16xi32> to vector<1xi32>
      %squeeze3A_582 = vector.extract %slice3A_581[0] : i32 from vector<1xi32>
      %max3A_583 = arith.constant 0 : i32
      %max3A_584 = arith.maxsi %squeeze3A_582, %max3A_583 : i32
      %min3A_585 = arith.constant 127 : i32
      %min3A_586 = arith.minsi %max3A_584, %min3A_585 : i32
      %ge3A_587 = arith.cmpi sge, %min3A_586, %mul3A_2 : i32
      %add3A_588 = arith.constant 8 : i32
      %add3A_589 = arith.addi %mul3A_2, %add3A_588 : i32
      %lt3A_590 = arith.cmpi slt, %min3A_586, %add3A_589 : i32
      %and3A_591 = arith.andi %ge3A_587, %lt3A_590 : i1
      %convert_element_type3A_592 = arith.extui %and3A_591 : i1 to i32
      %cond3A_593 = arith.constant 0 : i32
      %cond3A_594 = arith.cmpi ne, %convert_element_type3A_592, %cond3A_593 : i32
      scf.if %cond3A_594 {
        %sub3A = arith.subi %min3A_586, %mul3A_2 : i32
        %mul3A_697 = arith.constant 16 : i32
        %mul3A_698 = arith.muli %scan3A_329, %mul3A_697 : i32
        %add3A_699 = arith.addi %mul3A_0, %mul3A_698 : i32
        %add3A_700 = arith.constant 14 : i32
        %add3A_701 = arith.addi %add3A_699, %add3A_700 : i32
        %dma_start3A = arith.constant 0 : i32
        %dma_start3A_702 = arith.constant 0 : i32
        %dma_start3A_703 = tpu.memref_slice %arg6[%sub3A, %dma_start3A, %dma_start3A_702] : memref<8x100x100xf32, #tpu.memory_space<vmem>> -> memref<1x100x100xf32, #tpu.memory_space<vmem>>
        %dma_start3A_704 = tpu.memref_squeeze %dma_start3A_703 : memref<1x100x100xf32, #tpu.memory_space<vmem>> -> memref<100x100xf32, #tpu.memory_space<vmem>>
        %dma_start3A_705 = arith.constant 0 : i32
        %dma_start3A_706 = arith.constant 0 : i32
        %dma_start3A_707 = tpu.memref_slice %arg4[%add3A_701, %dma_start3A_705, %dma_start3A_706] : memref<4096x100x100xf32, #tpu.memory_space<hbm>> -> memref<1x100x100xf32, #tpu.memory_space<hbm>>
        %dma_start3A_708 = tpu.memref_squeeze %dma_start3A_707 : memref<1x100x100xf32, #tpu.memory_space<hbm>> -> memref<100x100xf32, #tpu.memory_space<hbm>>
        %dma_start3A_709 = arith.constant 0 : i32
        %dma_start3A_710 = arith.constant 0 : i32
        %dma_start3A_711 = tpu.memref_slice %arg4[%add3A_701, %dma_start3A_709, %dma_start3A_710] : memref<4096x100x100xf32, #tpu.memory_space<hbm>> -> memref<1x100x100xf32, #tpu.memory_space<hbm>>
        %dma_start3A_712 = tpu.memref_squeeze %dma_start3A_711 : memref<1x100x100xf32, #tpu.memory_space<hbm>> -> memref<100x100xf32, #tpu.memory_space<hbm>>
        %dma_start3A_713 = arith.constant 0 : i32
        %dma_start3A_714 = arith.constant 0 : i32
        %dma_start3A_715 = tpu.memref_slice %arg6[%sub3A, %dma_start3A_713, %dma_start3A_714] : memref<8x100x100xf32, #tpu.memory_space<vmem>> -> memref<1x100x100xf32, #tpu.memory_space<vmem>>
        %dma_start3A_716 = tpu.memref_squeeze %dma_start3A_715 : memref<1x100x100xf32, #tpu.memory_space<vmem>> -> memref<100x100xf32, #tpu.memory_space<vmem>>
        tpu.enqueue_dma source(%dma_start3A_716 : memref<100x100xf32, #tpu.memory_space<vmem>>) target(%dma_start3A_712 : memref<100x100xf32, #tpu.memory_space<hbm>>) target_semaphore(%arg7 : memref<!tpu.dma_semaphore, #tpu.memory_space<semaphore_mem>>)
      } else {
      }
      %jit3A_595 = arith.constant 1 : i32
      %jit3A_596 = arith.constant 0 : i32
      %select_n3A_597 = arith.select %and3A_591, %jit3A_595, %jit3A_596 : i32
      %add3A_598 = arith.addi %add3A_580, %select_n3A_597 : i32
      %slice3A_599 = vector.extract_strided_slice %get3A_337 {offsets = [15], sizes = [1], strides = [1]} : vector<16xi32> to vector<1xi32>
      %squeeze3A_600 = vector.extract %slice3A_599[0] : i32 from vector<1xi32>
      %max3A_601 = arith.constant 0 : i32
      %max3A_602 = arith.maxsi %squeeze3A_600, %max3A_601 : i32
      %min3A_603 = arith.constant 127 : i32
      %min3A_604 = arith.minsi %max3A_602, %min3A_603 : i32
      %ge3A_605 = arith.cmpi sge, %min3A_604, %mul3A_2 : i32
      %add3A_606 = arith.constant 8 : i32
      %add3A_607 = arith.addi %mul3A_2, %add3A_606 : i32
      %lt3A_608 = arith.cmpi slt, %min3A_604, %add3A_607 : i32
      %and3A_609 = arith.andi %ge3A_605, %lt3A_608 : i1
      %convert_element_type3A_610 = arith.extui %and3A_609 : i1 to i32
      %cond3A_611 = arith.constant 0 : i32
      %cond3A_612 = arith.cmpi ne, %convert_element_type3A_610, %cond3A_611 : i32
      scf.if %cond3A_612 {
        %sub3A = arith.subi %min3A_604, %mul3A_2 : i32
        %mul3A_697 = arith.constant 16 : i32
        %mul3A_698 = arith.muli %scan3A_329, %mul3A_697 : i32
        %add3A_699 = arith.addi %mul3A_0, %mul3A_698 : i32
        %add3A_700 = arith.constant 15 : i32
        %add3A_701 = arith.addi %add3A_699, %add3A_700 : i32
        %dma_start3A = arith.constant 0 : i32
        %dma_start3A_702 = arith.constant 0 : i32
        %dma_start3A_703 = tpu.memref_slice %arg6[%sub3A, %dma_start3A, %dma_start3A_702] : memref<8x100x100xf32, #tpu.memory_space<vmem>> -> memref<1x100x100xf32, #tpu.memory_space<vmem>>
        %dma_start3A_704 = tpu.memref_squeeze %dma_start3A_703 : memref<1x100x100xf32, #tpu.memory_space<vmem>> -> memref<100x100xf32, #tpu.memory_space<vmem>>
        %dma_start3A_705 = arith.constant 0 : i32
        %dma_start3A_706 = arith.constant 0 : i32
        %dma_start3A_707 = tpu.memref_slice %arg4[%add3A_701, %dma_start3A_705, %dma_start3A_706] : memref<4096x100x100xf32, #tpu.memory_space<hbm>> -> memref<1x100x100xf32, #tpu.memory_space<hbm>>
        %dma_start3A_708 = tpu.memref_squeeze %dma_start3A_707 : memref<1x100x100xf32, #tpu.memory_space<hbm>> -> memref<100x100xf32, #tpu.memory_space<hbm>>
        %dma_start3A_709 = arith.constant 0 : i32
        %dma_start3A_710 = arith.constant 0 : i32
        %dma_start3A_711 = tpu.memref_slice %arg4[%add3A_701, %dma_start3A_709, %dma_start3A_710] : memref<4096x100x100xf32, #tpu.memory_space<hbm>> -> memref<1x100x100xf32, #tpu.memory_space<hbm>>
        %dma_start3A_712 = tpu.memref_squeeze %dma_start3A_711 : memref<1x100x100xf32, #tpu.memory_space<hbm>> -> memref<100x100xf32, #tpu.memory_space<hbm>>
        %dma_start3A_713 = arith.constant 0 : i32
        %dma_start3A_714 = arith.constant 0 : i32
        %dma_start3A_715 = tpu.memref_slice %arg6[%sub3A, %dma_start3A_713, %dma_start3A_714] : memref<8x100x100xf32, #tpu.memory_space<vmem>> -> memref<1x100x100xf32, #tpu.memory_space<vmem>>
        %dma_start3A_716 = tpu.memref_squeeze %dma_start3A_715 : memref<1x100x100xf32, #tpu.memory_space<vmem>> -> memref<100x100xf32, #tpu.memory_space<vmem>>
        tpu.enqueue_dma source(%dma_start3A_716 : memref<100x100xf32, #tpu.memory_space<vmem>>) target(%dma_start3A_712 : memref<100x100xf32, #tpu.memory_space<hbm>>) target_semaphore(%arg7 : memref<!tpu.dma_semaphore, #tpu.memory_space<semaphore_mem>>)
      } else {
      }
      %jit3A_613 = arith.constant 1 : i32
      %jit3A_614 = arith.constant 0 : i32
      %select_n3A_615 = arith.select %and3A_609, %jit3A_613, %jit3A_614 : i32
      %add3A_616 = arith.addi %add3A_598, %select_n3A_615 : i32
      %gt3A_617 = arith.constant 0 : i32
      %gt3A_618 = arith.cmpi sgt, %scan3A_330, %gt3A_617 : i32
      %convert_element_type3A_619 = arith.extui %gt3A_618 : i1 to i32
      %cond3A_620 = arith.constant 0 : i32
      %cond3A_621 = arith.cmpi ne, %convert_element_type3A_619, %cond3A_620 : i32
      scf.if %cond3A_621 {
        %dma_wait3A = arith.constant 0 : i32
        %dma_wait3A_697 = arith.constant 0 : i32
        %dma_wait3A_698 = arith.constant 0 : i32
        %dma_wait3A_699 = tpu.memref_slice %arg6[%dma_wait3A, %dma_wait3A_697, %dma_wait3A_698] : memref<8x100x100xf32, #tpu.memory_space<vmem>> -> memref<1x100x100xf32, #tpu.memory_space<vmem>>
        %dma_wait3A_700 = tpu.memref_squeeze %dma_wait3A_699 : memref<1x100x100xf32, #tpu.memory_space<vmem>> -> memref<100x100xf32, #tpu.memory_space<vmem>>
        %dma_wait3A_701 = arith.constant 0 : i32
        %dma_wait3A_702 = arith.constant 0 : i32
        %dma_wait3A_703 = tpu.memref_slice %arg4[%mul3A_0, %dma_wait3A_701, %dma_wait3A_702] : memref<4096x100x100xf32, #tpu.memory_space<hbm>> -> memref<1x100x100xf32, #tpu.memory_space<hbm>>
        %dma_wait3A_704 = tpu.memref_squeeze %dma_wait3A_703 : memref<1x100x100xf32, #tpu.memory_space<hbm>> -> memref<100x100xf32, #tpu.memory_space<hbm>>
        %dma_wait3A_705 = arith.constant 0 : i32
        %dma_wait3A_706 = arith.constant 0 : i32
        %dma_wait3A_707 = tpu.memref_slice %arg4[%mul3A_0, %dma_wait3A_705, %dma_wait3A_706] : memref<4096x100x100xf32, #tpu.memory_space<hbm>> -> memref<1x100x100xf32, #tpu.memory_space<hbm>>
        %dma_wait3A_708 = tpu.memref_squeeze %dma_wait3A_707 : memref<1x100x100xf32, #tpu.memory_space<hbm>> -> memref<100x100xf32, #tpu.memory_space<hbm>>
        %dma_wait3A_709 = arith.constant 0 : i32
        %dma_wait3A_710 = arith.constant 0 : i32
        %dma_wait3A_711 = tpu.memref_slice %arg6[%dma_wait3A, %dma_wait3A_709, %dma_wait3A_710] : memref<8x100x100xf32, #tpu.memory_space<vmem>> -> memref<1x100x100xf32, #tpu.memory_space<vmem>>
        %dma_wait3A_712 = tpu.memref_squeeze %dma_wait3A_711 : memref<1x100x100xf32, #tpu.memory_space<vmem>> -> memref<100x100xf32, #tpu.memory_space<vmem>>
        tpu.wait_dma2 semaphore(%arg7 : memref<!tpu.dma_semaphore, #tpu.memory_space<semaphore_mem>>) src(%dma_wait3A_712 : memref<100x100xf32, #tpu.memory_space<vmem>>) dst(%dma_wait3A_708 : memref<100x100xf32, #tpu.memory_space<hbm>>)
      } else {
      }
      %gt3A_622 = arith.constant 1 : i32
      %gt3A_623 = arith.cmpi sgt, %scan3A_330, %gt3A_622 : i32
      %convert_element_type3A_624 = arith.extui %gt3A_623 : i1 to i32
      %cond3A_625 = arith.constant 0 : i32
      %cond3A_626 = arith.cmpi ne, %convert_element_type3A_624, %cond3A_625 : i32
      scf.if %cond3A_626 {
        %dma_wait3A = arith.constant 0 : i32
        %dma_wait3A_697 = arith.constant 0 : i32
        %dma_wait3A_698 = arith.constant 0 : i32
        %dma_wait3A_699 = tpu.memref_slice %arg6[%dma_wait3A, %dma_wait3A_697, %dma_wait3A_698] : memref<8x100x100xf32, #tpu.memory_space<vmem>> -> memref<1x100x100xf32, #tpu.memory_space<vmem>>
        %dma_wait3A_700 = tpu.memref_squeeze %dma_wait3A_699 : memref<1x100x100xf32, #tpu.memory_space<vmem>> -> memref<100x100xf32, #tpu.memory_space<vmem>>
        %dma_wait3A_701 = arith.constant 0 : i32
        %dma_wait3A_702 = arith.constant 0 : i32
        %dma_wait3A_703 = tpu.memref_slice %arg4[%mul3A_0, %dma_wait3A_701, %dma_wait3A_702] : memref<4096x100x100xf32, #tpu.memory_space<hbm>> -> memref<1x100x100xf32, #tpu.memory_space<hbm>>
        %dma_wait3A_704 = tpu.memref_squeeze %dma_wait3A_703 : memref<1x100x100xf32, #tpu.memory_space<hbm>> -> memref<100x100xf32, #tpu.memory_space<hbm>>
        %dma_wait3A_705 = arith.constant 0 : i32
        %dma_wait3A_706 = arith.constant 0 : i32
        %dma_wait3A_707 = tpu.memref_slice %arg4[%mul3A_0, %dma_wait3A_705, %dma_wait3A_706] : memref<4096x100x100xf32, #tpu.memory_space<hbm>> -> memref<1x100x100xf32, #tpu.memory_space<hbm>>
        %dma_wait3A_708 = tpu.memref_squeeze %dma_wait3A_707 : memref<1x100x100xf32, #tpu.memory_space<hbm>> -> memref<100x100xf32, #tpu.memory_space<hbm>>
        %dma_wait3A_709 = arith.constant 0 : i32
        %dma_wait3A_710 = arith.constant 0 : i32
        %dma_wait3A_711 = tpu.memref_slice %arg6[%dma_wait3A, %dma_wait3A_709, %dma_wait3A_710] : memref<8x100x100xf32, #tpu.memory_space<vmem>> -> memref<1x100x100xf32, #tpu.memory_space<vmem>>
        %dma_wait3A_712 = tpu.memref_squeeze %dma_wait3A_711 : memref<1x100x100xf32, #tpu.memory_space<vmem>> -> memref<100x100xf32, #tpu.memory_space<vmem>>
        tpu.wait_dma2 semaphore(%arg7 : memref<!tpu.dma_semaphore, #tpu.memory_space<semaphore_mem>>) src(%dma_wait3A_712 : memref<100x100xf32, #tpu.memory_space<vmem>>) dst(%dma_wait3A_708 : memref<100x100xf32, #tpu.memory_space<hbm>>)
      } else {
      }
      %gt3A_627 = arith.constant 2 : i32
      %gt3A_628 = arith.cmpi sgt, %scan3A_330, %gt3A_627 : i32
      %convert_element_type3A_629 = arith.extui %gt3A_628 : i1 to i32
      %cond3A_630 = arith.constant 0 : i32
      %cond3A_631 = arith.cmpi ne, %convert_element_type3A_629, %cond3A_630 : i32
      scf.if %cond3A_631 {
        %dma_wait3A = arith.constant 0 : i32
        %dma_wait3A_697 = arith.constant 0 : i32
        %dma_wait3A_698 = arith.constant 0 : i32
        %dma_wait3A_699 = tpu.memref_slice %arg6[%dma_wait3A, %dma_wait3A_697, %dma_wait3A_698] : memref<8x100x100xf32, #tpu.memory_space<vmem>> -> memref<1x100x100xf32, #tpu.memory_space<vmem>>
        %dma_wait3A_700 = tpu.memref_squeeze %dma_wait3A_699 : memref<1x100x100xf32, #tpu.memory_space<vmem>> -> memref<100x100xf32, #tpu.memory_space<vmem>>
        %dma_wait3A_701 = arith.constant 0 : i32
        %dma_wait3A_702 = arith.constant 0 : i32
        %dma_wait3A_703 = tpu.memref_slice %arg4[%mul3A_0, %dma_wait3A_701, %dma_wait3A_702] : memref<4096x100x100xf32, #tpu.memory_space<hbm>> -> memref<1x100x100xf32, #tpu.memory_space<hbm>>
        %dma_wait3A_704 = tpu.memref_squeeze %dma_wait3A_703 : memref<1x100x100xf32, #tpu.memory_space<hbm>> -> memref<100x100xf32, #tpu.memory_space<hbm>>
        %dma_wait3A_705 = arith.constant 0 : i32
        %dma_wait3A_706 = arith.constant 0 : i32
        %dma_wait3A_707 = tpu.memref_slice %arg4[%mul3A_0, %dma_wait3A_705, %dma_wait3A_706] : memref<4096x100x100xf32, #tpu.memory_space<hbm>> -> memref<1x100x100xf32, #tpu.memory_space<hbm>>
        %dma_wait3A_708 = tpu.memref_squeeze %dma_wait3A_707 : memref<1x100x100xf32, #tpu.memory_space<hbm>> -> memref<100x100xf32, #tpu.memory_space<hbm>>
        %dma_wait3A_709 = arith.constant 0 : i32
        %dma_wait3A_710 = arith.constant 0 : i32
        %dma_wait3A_711 = tpu.memref_slice %arg6[%dma_wait3A, %dma_wait3A_709, %dma_wait3A_710] : memref<8x100x100xf32, #tpu.memory_space<vmem>> -> memref<1x100x100xf32, #tpu.memory_space<vmem>>
        %dma_wait3A_712 = tpu.memref_squeeze %dma_wait3A_711 : memref<1x100x100xf32, #tpu.memory_space<vmem>> -> memref<100x100xf32, #tpu.memory_space<vmem>>
        tpu.wait_dma2 semaphore(%arg7 : memref<!tpu.dma_semaphore, #tpu.memory_space<semaphore_mem>>) src(%dma_wait3A_712 : memref<100x100xf32, #tpu.memory_space<vmem>>) dst(%dma_wait3A_708 : memref<100x100xf32, #tpu.memory_space<hbm>>)
      } else {
      }
      %gt3A_632 = arith.constant 3 : i32
      %gt3A_633 = arith.cmpi sgt, %scan3A_330, %gt3A_632 : i32
      %convert_element_type3A_634 = arith.extui %gt3A_633 : i1 to i32
      %cond3A_635 = arith.constant 0 : i32
      %cond3A_636 = arith.cmpi ne, %convert_element_type3A_634, %cond3A_635 : i32
      scf.if %cond3A_636 {
        %dma_wait3A = arith.constant 0 : i32
        %dma_wait3A_697 = arith.constant 0 : i32
        %dma_wait3A_698 = arith.constant 0 : i32
        %dma_wait3A_699 = tpu.memref_slice %arg6[%dma_wait3A, %dma_wait3A_697, %dma_wait3A_698] : memref<8x100x100xf32, #tpu.memory_space<vmem>> -> memref<1x100x100xf32, #tpu.memory_space<vmem>>
        %dma_wait3A_700 = tpu.memref_squeeze %dma_wait3A_699 : memref<1x100x100xf32, #tpu.memory_space<vmem>> -> memref<100x100xf32, #tpu.memory_space<vmem>>
        %dma_wait3A_701 = arith.constant 0 : i32
        %dma_wait3A_702 = arith.constant 0 : i32
        %dma_wait3A_703 = tpu.memref_slice %arg4[%mul3A_0, %dma_wait3A_701, %dma_wait3A_702] : memref<4096x100x100xf32, #tpu.memory_space<hbm>> -> memref<1x100x100xf32, #tpu.memory_space<hbm>>
        %dma_wait3A_704 = tpu.memref_squeeze %dma_wait3A_703 : memref<1x100x100xf32, #tpu.memory_space<hbm>> -> memref<100x100xf32, #tpu.memory_space<hbm>>
        %dma_wait3A_705 = arith.constant 0 : i32
        %dma_wait3A_706 = arith.constant 0 : i32
        %dma_wait3A_707 = tpu.memref_slice %arg4[%mul3A_0, %dma_wait3A_705, %dma_wait3A_706] : memref<4096x100x100xf32, #tpu.memory_space<hbm>> -> memref<1x100x100xf32, #tpu.memory_space<hbm>>
        %dma_wait3A_708 = tpu.memref_squeeze %dma_wait3A_707 : memref<1x100x100xf32, #tpu.memory_space<hbm>> -> memref<100x100xf32, #tpu.memory_space<hbm>>
        %dma_wait3A_709 = arith.constant 0 : i32
        %dma_wait3A_710 = arith.constant 0 : i32
        %dma_wait3A_711 = tpu.memref_slice %arg6[%dma_wait3A, %dma_wait3A_709, %dma_wait3A_710] : memref<8x100x100xf32, #tpu.memory_space<vmem>> -> memref<1x100x100xf32, #tpu.memory_space<vmem>>
        %dma_wait3A_712 = tpu.memref_squeeze %dma_wait3A_711 : memref<1x100x100xf32, #tpu.memory_space<vmem>> -> memref<100x100xf32, #tpu.memory_space<vmem>>
        tpu.wait_dma2 semaphore(%arg7 : memref<!tpu.dma_semaphore, #tpu.memory_space<semaphore_mem>>) src(%dma_wait3A_712 : memref<100x100xf32, #tpu.memory_space<vmem>>) dst(%dma_wait3A_708 : memref<100x100xf32, #tpu.memory_space<hbm>>)
      } else {
      }
      %gt3A_637 = arith.constant 4 : i32
      %gt3A_638 = arith.cmpi sgt, %scan3A_330, %gt3A_637 : i32
      %convert_element_type3A_639 = arith.extui %gt3A_638 : i1 to i32
      %cond3A_640 = arith.constant 0 : i32
      %cond3A_641 = arith.cmpi ne, %convert_element_type3A_639, %cond3A_640 : i32
      scf.if %cond3A_641 {
        %dma_wait3A = arith.constant 0 : i32
        %dma_wait3A_697 = arith.constant 0 : i32
        %dma_wait3A_698 = arith.constant 0 : i32
        %dma_wait3A_699 = tpu.memref_slice %arg6[%dma_wait3A, %dma_wait3A_697, %dma_wait3A_698] : memref<8x100x100xf32, #tpu.memory_space<vmem>> -> memref<1x100x100xf32, #tpu.memory_space<vmem>>
        %dma_wait3A_700 = tpu.memref_squeeze %dma_wait3A_699 : memref<1x100x100xf32, #tpu.memory_space<vmem>> -> memref<100x100xf32, #tpu.memory_space<vmem>>
        %dma_wait3A_701 = arith.constant 0 : i32
        %dma_wait3A_702 = arith.constant 0 : i32
        %dma_wait3A_703 = tpu.memref_slice %arg4[%mul3A_0, %dma_wait3A_701, %dma_wait3A_702] : memref<4096x100x100xf32, #tpu.memory_space<hbm>> -> memref<1x100x100xf32, #tpu.memory_space<hbm>>
        %dma_wait3A_704 = tpu.memref_squeeze %dma_wait3A_703 : memref<1x100x100xf32, #tpu.memory_space<hbm>> -> memref<100x100xf32, #tpu.memory_space<hbm>>
        %dma_wait3A_705 = arith.constant 0 : i32
        %dma_wait3A_706 = arith.constant 0 : i32
        %dma_wait3A_707 = tpu.memref_slice %arg4[%mul3A_0, %dma_wait3A_705, %dma_wait3A_706] : memref<4096x100x100xf32, #tpu.memory_space<hbm>> -> memref<1x100x100xf32, #tpu.memory_space<hbm>>
        %dma_wait3A_708 = tpu.memref_squeeze %dma_wait3A_707 : memref<1x100x100xf32, #tpu.memory_space<hbm>> -> memref<100x100xf32, #tpu.memory_space<hbm>>
        %dma_wait3A_709 = arith.constant 0 : i32
        %dma_wait3A_710 = arith.constant 0 : i32
        %dma_wait3A_711 = tpu.memref_slice %arg6[%dma_wait3A, %dma_wait3A_709, %dma_wait3A_710] : memref<8x100x100xf32, #tpu.memory_space<vmem>> -> memref<1x100x100xf32, #tpu.memory_space<vmem>>
        %dma_wait3A_712 = tpu.memref_squeeze %dma_wait3A_711 : memref<1x100x100xf32, #tpu.memory_space<vmem>> -> memref<100x100xf32, #tpu.memory_space<vmem>>
        tpu.wait_dma2 semaphore(%arg7 : memref<!tpu.dma_semaphore, #tpu.memory_space<semaphore_mem>>) src(%dma_wait3A_712 : memref<100x100xf32, #tpu.memory_space<vmem>>) dst(%dma_wait3A_708 : memref<100x100xf32, #tpu.memory_space<hbm>>)
      } else {
      }
      %gt3A_642 = arith.constant 5 : i32
      %gt3A_643 = arith.cmpi sgt, %scan3A_330, %gt3A_642 : i32
      %convert_element_type3A_644 = arith.extui %gt3A_643 : i1 to i32
      %cond3A_645 = arith.constant 0 : i32
      %cond3A_646 = arith.cmpi ne, %convert_element_type3A_644, %cond3A_645 : i32
      scf.if %cond3A_646 {
        %dma_wait3A = arith.constant 0 : i32
        %dma_wait3A_697 = arith.constant 0 : i32
        %dma_wait3A_698 = arith.constant 0 : i32
        %dma_wait3A_699 = tpu.memref_slice %arg6[%dma_wait3A, %dma_wait3A_697, %dma_wait3A_698] : memref<8x100x100xf32, #tpu.memory_space<vmem>> -> memref<1x100x100xf32, #tpu.memory_space<vmem>>
        %dma_wait3A_700 = tpu.memref_squeeze %dma_wait3A_699 : memref<1x100x100xf32, #tpu.memory_space<vmem>> -> memref<100x100xf32, #tpu.memory_space<vmem>>
        %dma_wait3A_701 = arith.constant 0 : i32
        %dma_wait3A_702 = arith.constant 0 : i32
        %dma_wait3A_703 = tpu.memref_slice %arg4[%mul3A_0, %dma_wait3A_701, %dma_wait3A_702] : memref<4096x100x100xf32, #tpu.memory_space<hbm>> -> memref<1x100x100xf32, #tpu.memory_space<hbm>>
        %dma_wait3A_704 = tpu.memref_squeeze %dma_wait3A_703 : memref<1x100x100xf32, #tpu.memory_space<hbm>> -> memref<100x100xf32, #tpu.memory_space<hbm>>
        %dma_wait3A_705 = arith.constant 0 : i32
        %dma_wait3A_706 = arith.constant 0 : i32
        %dma_wait3A_707 = tpu.memref_slice %arg4[%mul3A_0, %dma_wait3A_705, %dma_wait3A_706] : memref<4096x100x100xf32, #tpu.memory_space<hbm>> -> memref<1x100x100xf32, #tpu.memory_space<hbm>>
        %dma_wait3A_708 = tpu.memref_squeeze %dma_wait3A_707 : memref<1x100x100xf32, #tpu.memory_space<hbm>> -> memref<100x100xf32, #tpu.memory_space<hbm>>
        %dma_wait3A_709 = arith.constant 0 : i32
        %dma_wait3A_710 = arith.constant 0 : i32
        %dma_wait3A_711 = tpu.memref_slice %arg6[%dma_wait3A, %dma_wait3A_709, %dma_wait3A_710] : memref<8x100x100xf32, #tpu.memory_space<vmem>> -> memref<1x100x100xf32, #tpu.memory_space<vmem>>
        %dma_wait3A_712 = tpu.memref_squeeze %dma_wait3A_711 : memref<1x100x100xf32, #tpu.memory_space<vmem>> -> memref<100x100xf32, #tpu.memory_space<vmem>>
        tpu.wait_dma2 semaphore(%arg7 : memref<!tpu.dma_semaphore, #tpu.memory_space<semaphore_mem>>) src(%dma_wait3A_712 : memref<100x100xf32, #tpu.memory_space<vmem>>) dst(%dma_wait3A_708 : memref<100x100xf32, #tpu.memory_space<hbm>>)
      } else {
      }
      %gt3A_647 = arith.constant 6 : i32
      %gt3A_648 = arith.cmpi sgt, %scan3A_330, %gt3A_647 : i32
      %convert_element_type3A_649 = arith.extui %gt3A_648 : i1 to i32
      %cond3A_650 = arith.constant 0 : i32
      %cond3A_651 = arith.cmpi ne, %convert_element_type3A_649, %cond3A_650 : i32
      scf.if %cond3A_651 {
        %dma_wait3A = arith.constant 0 : i32
        %dma_wait3A_697 = arith.constant 0 : i32
        %dma_wait3A_698 = arith.constant 0 : i32
        %dma_wait3A_699 = tpu.memref_slice %arg6[%dma_wait3A, %dma_wait3A_697, %dma_wait3A_698] : memref<8x100x100xf32, #tpu.memory_space<vmem>> -> memref<1x100x100xf32, #tpu.memory_space<vmem>>
        %dma_wait3A_700 = tpu.memref_squeeze %dma_wait3A_699 : memref<1x100x100xf32, #tpu.memory_space<vmem>> -> memref<100x100xf32, #tpu.memory_space<vmem>>
        %dma_wait3A_701 = arith.constant 0 : i32
        %dma_wait3A_702 = arith.constant 0 : i32
        %dma_wait3A_703 = tpu.memref_slice %arg4[%mul3A_0, %dma_wait3A_701, %dma_wait3A_702] : memref<4096x100x100xf32, #tpu.memory_space<hbm>> -> memref<1x100x100xf32, #tpu.memory_space<hbm>>
        %dma_wait3A_704 = tpu.memref_squeeze %dma_wait3A_703 : memref<1x100x100xf32, #tpu.memory_space<hbm>> -> memref<100x100xf32, #tpu.memory_space<hbm>>
        %dma_wait3A_705 = arith.constant 0 : i32
        %dma_wait3A_706 = arith.constant 0 : i32
        %dma_wait3A_707 = tpu.memref_slice %arg4[%mul3A_0, %dma_wait3A_705, %dma_wait3A_706] : memref<4096x100x100xf32, #tpu.memory_space<hbm>> -> memref<1x100x100xf32, #tpu.memory_space<hbm>>
        %dma_wait3A_708 = tpu.memref_squeeze %dma_wait3A_707 : memref<1x100x100xf32, #tpu.memory_space<hbm>> -> memref<100x100xf32, #tpu.memory_space<hbm>>
        %dma_wait3A_709 = arith.constant 0 : i32
        %dma_wait3A_710 = arith.constant 0 : i32
        %dma_wait3A_711 = tpu.memref_slice %arg6[%dma_wait3A, %dma_wait3A_709, %dma_wait3A_710] : memref<8x100x100xf32, #tpu.memory_space<vmem>> -> memref<1x100x100xf32, #tpu.memory_space<vmem>>
        %dma_wait3A_712 = tpu.memref_squeeze %dma_wait3A_711 : memref<1x100x100xf32, #tpu.memory_space<vmem>> -> memref<100x100xf32, #tpu.memory_space<vmem>>
        tpu.wait_dma2 semaphore(%arg7 : memref<!tpu.dma_semaphore, #tpu.memory_space<semaphore_mem>>) src(%dma_wait3A_712 : memref<100x100xf32, #tpu.memory_space<vmem>>) dst(%dma_wait3A_708 : memref<100x100xf32, #tpu.memory_space<hbm>>)
      } else {
      }
      %gt3A_652 = arith.constant 7 : i32
      %gt3A_653 = arith.cmpi sgt, %scan3A_330, %gt3A_652 : i32
      %convert_element_type3A_654 = arith.extui %gt3A_653 : i1 to i32
      %cond3A_655 = arith.constant 0 : i32
      %cond3A_656 = arith.cmpi ne, %convert_element_type3A_654, %cond3A_655 : i32
      scf.if %cond3A_656 {
        %dma_wait3A = arith.constant 0 : i32
        %dma_wait3A_697 = arith.constant 0 : i32
        %dma_wait3A_698 = arith.constant 0 : i32
        %dma_wait3A_699 = tpu.memref_slice %arg6[%dma_wait3A, %dma_wait3A_697, %dma_wait3A_698] : memref<8x100x100xf32, #tpu.memory_space<vmem>> -> memref<1x100x100xf32, #tpu.memory_space<vmem>>
        %dma_wait3A_700 = tpu.memref_squeeze %dma_wait3A_699 : memref<1x100x100xf32, #tpu.memory_space<vmem>> -> memref<100x100xf32, #tpu.memory_space<vmem>>
        %dma_wait3A_701 = arith.constant 0 : i32
        %dma_wait3A_702 = arith.constant 0 : i32
        %dma_wait3A_703 = tpu.memref_slice %arg4[%mul3A_0, %dma_wait3A_701, %dma_wait3A_702] : memref<4096x100x100xf32, #tpu.memory_space<hbm>> -> memref<1x100x100xf32, #tpu.memory_space<hbm>>
        %dma_wait3A_704 = tpu.memref_squeeze %dma_wait3A_703 : memref<1x100x100xf32, #tpu.memory_space<hbm>> -> memref<100x100xf32, #tpu.memory_space<hbm>>
        %dma_wait3A_705 = arith.constant 0 : i32
        %dma_wait3A_706 = arith.constant 0 : i32
        %dma_wait3A_707 = tpu.memref_slice %arg4[%mul3A_0, %dma_wait3A_705, %dma_wait3A_706] : memref<4096x100x100xf32, #tpu.memory_space<hbm>> -> memref<1x100x100xf32, #tpu.memory_space<hbm>>
        %dma_wait3A_708 = tpu.memref_squeeze %dma_wait3A_707 : memref<1x100x100xf32, #tpu.memory_space<hbm>> -> memref<100x100xf32, #tpu.memory_space<hbm>>
        %dma_wait3A_709 = arith.constant 0 : i32
        %dma_wait3A_710 = arith.constant 0 : i32
        %dma_wait3A_711 = tpu.memref_slice %arg6[%dma_wait3A, %dma_wait3A_709, %dma_wait3A_710] : memref<8x100x100xf32, #tpu.memory_space<vmem>> -> memref<1x100x100xf32, #tpu.memory_space<vmem>>
        %dma_wait3A_712 = tpu.memref_squeeze %dma_wait3A_711 : memref<1x100x100xf32, #tpu.memory_space<vmem>> -> memref<100x100xf32, #tpu.memory_space<vmem>>
        tpu.wait_dma2 semaphore(%arg7 : memref<!tpu.dma_semaphore, #tpu.memory_space<semaphore_mem>>) src(%dma_wait3A_712 : memref<100x100xf32, #tpu.memory_space<vmem>>) dst(%dma_wait3A_708 : memref<100x100xf32, #tpu.memory_space<hbm>>)
      } else {
      }
      %gt3A_657 = arith.constant 8 : i32
      %gt3A_658 = arith.cmpi sgt, %scan3A_330, %gt3A_657 : i32
      %convert_element_type3A_659 = arith.extui %gt3A_658 : i1 to i32
      %cond3A_660 = arith.constant 0 : i32
      %cond3A_661 = arith.cmpi ne, %convert_element_type3A_659, %cond3A_660 : i32
      scf.if %cond3A_661 {
        %dma_wait3A = arith.constant 0 : i32
        %dma_wait3A_697 = arith.constant 0 : i32
        %dma_wait3A_698 = arith.constant 0 : i32
        %dma_wait3A_699 = tpu.memref_slice %arg6[%dma_wait3A, %dma_wait3A_697, %dma_wait3A_698] : memref<8x100x100xf32, #tpu.memory_space<vmem>> -> memref<1x100x100xf32, #tpu.memory_space<vmem>>
        %dma_wait3A_700 = tpu.memref_squeeze %dma_wait3A_699 : memref<1x100x100xf32, #tpu.memory_space<vmem>> -> memref<100x100xf32, #tpu.memory_space<vmem>>
        %dma_wait3A_701 = arith.constant 0 : i32
        %dma_wait3A_702 = arith.constant 0 : i32
        %dma_wait3A_703 = tpu.memref_slice %arg4[%mul3A_0, %dma_wait3A_701, %dma_wait3A_702] : memref<4096x100x100xf32, #tpu.memory_space<hbm>> -> memref<1x100x100xf32, #tpu.memory_space<hbm>>
        %dma_wait3A_704 = tpu.memref_squeeze %dma_wait3A_703 : memref<1x100x100xf32, #tpu.memory_space<hbm>> -> memref<100x100xf32, #tpu.memory_space<hbm>>
        %dma_wait3A_705 = arith.constant 0 : i32
        %dma_wait3A_706 = arith.constant 0 : i32
        %dma_wait3A_707 = tpu.memref_slice %arg4[%mul3A_0, %dma_wait3A_705, %dma_wait3A_706] : memref<4096x100x100xf32, #tpu.memory_space<hbm>> -> memref<1x100x100xf32, #tpu.memory_space<hbm>>
        %dma_wait3A_708 = tpu.memref_squeeze %dma_wait3A_707 : memref<1x100x100xf32, #tpu.memory_space<hbm>> -> memref<100x100xf32, #tpu.memory_space<hbm>>
        %dma_wait3A_709 = arith.constant 0 : i32
        %dma_wait3A_710 = arith.constant 0 : i32
        %dma_wait3A_711 = tpu.memref_slice %arg6[%dma_wait3A, %dma_wait3A_709, %dma_wait3A_710] : memref<8x100x100xf32, #tpu.memory_space<vmem>> -> memref<1x100x100xf32, #tpu.memory_space<vmem>>
        %dma_wait3A_712 = tpu.memref_squeeze %dma_wait3A_711 : memref<1x100x100xf32, #tpu.memory_space<vmem>> -> memref<100x100xf32, #tpu.memory_space<vmem>>
        tpu.wait_dma2 semaphore(%arg7 : memref<!tpu.dma_semaphore, #tpu.memory_space<semaphore_mem>>) src(%dma_wait3A_712 : memref<100x100xf32, #tpu.memory_space<vmem>>) dst(%dma_wait3A_708 : memref<100x100xf32, #tpu.memory_space<hbm>>)
      } else {
      }
      %gt3A_662 = arith.constant 9 : i32
      %gt3A_663 = arith.cmpi sgt, %scan3A_330, %gt3A_662 : i32
      %convert_element_type3A_664 = arith.extui %gt3A_663 : i1 to i32
      %cond3A_665 = arith.constant 0 : i32
      %cond3A_666 = arith.cmpi ne, %convert_element_type3A_664, %cond3A_665 : i32
      scf.if %cond3A_666 {
        %dma_wait3A = arith.constant 0 : i32
        %dma_wait3A_697 = arith.constant 0 : i32
        %dma_wait3A_698 = arith.constant 0 : i32
        %dma_wait3A_699 = tpu.memref_slice %arg6[%dma_wait3A, %dma_wait3A_697, %dma_wait3A_698] : memref<8x100x100xf32, #tpu.memory_space<vmem>> -> memref<1x100x100xf32, #tpu.memory_space<vmem>>
        %dma_wait3A_700 = tpu.memref_squeeze %dma_wait3A_699 : memref<1x100x100xf32, #tpu.memory_space<vmem>> -> memref<100x100xf32, #tpu.memory_space<vmem>>
        %dma_wait3A_701 = arith.constant 0 : i32
        %dma_wait3A_702 = arith.constant 0 : i32
        %dma_wait3A_703 = tpu.memref_slice %arg4[%mul3A_0, %dma_wait3A_701, %dma_wait3A_702] : memref<4096x100x100xf32, #tpu.memory_space<hbm>> -> memref<1x100x100xf32, #tpu.memory_space<hbm>>
        %dma_wait3A_704 = tpu.memref_squeeze %dma_wait3A_703 : memref<1x100x100xf32, #tpu.memory_space<hbm>> -> memref<100x100xf32, #tpu.memory_space<hbm>>
        %dma_wait3A_705 = arith.constant 0 : i32
        %dma_wait3A_706 = arith.constant 0 : i32
        %dma_wait3A_707 = tpu.memref_slice %arg4[%mul3A_0, %dma_wait3A_705, %dma_wait3A_706] : memref<4096x100x100xf32, #tpu.memory_space<hbm>> -> memref<1x100x100xf32, #tpu.memory_space<hbm>>
        %dma_wait3A_708 = tpu.memref_squeeze %dma_wait3A_707 : memref<1x100x100xf32, #tpu.memory_space<hbm>> -> memref<100x100xf32, #tpu.memory_space<hbm>>
        %dma_wait3A_709 = arith.constant 0 : i32
        %dma_wait3A_710 = arith.constant 0 : i32
        %dma_wait3A_711 = tpu.memref_slice %arg6[%dma_wait3A, %dma_wait3A_709, %dma_wait3A_710] : memref<8x100x100xf32, #tpu.memory_space<vmem>> -> memref<1x100x100xf32, #tpu.memory_space<vmem>>
        %dma_wait3A_712 = tpu.memref_squeeze %dma_wait3A_711 : memref<1x100x100xf32, #tpu.memory_space<vmem>> -> memref<100x100xf32, #tpu.memory_space<vmem>>
        tpu.wait_dma2 semaphore(%arg7 : memref<!tpu.dma_semaphore, #tpu.memory_space<semaphore_mem>>) src(%dma_wait3A_712 : memref<100x100xf32, #tpu.memory_space<vmem>>) dst(%dma_wait3A_708 : memref<100x100xf32, #tpu.memory_space<hbm>>)
      } else {
      }
      %gt3A_667 = arith.constant 10 : i32
      %gt3A_668 = arith.cmpi sgt, %scan3A_330, %gt3A_667 : i32
      %convert_element_type3A_669 = arith.extui %gt3A_668 : i1 to i32
      %cond3A_670 = arith.constant 0 : i32
      %cond3A_671 = arith.cmpi ne, %convert_element_type3A_669, %cond3A_670 : i32
      scf.if %cond3A_671 {
        %dma_wait3A = arith.constant 0 : i32
        %dma_wait3A_697 = arith.constant 0 : i32
        %dma_wait3A_698 = arith.constant 0 : i32
        %dma_wait3A_699 = tpu.memref_slice %arg6[%dma_wait3A, %dma_wait3A_697, %dma_wait3A_698] : memref<8x100x100xf32, #tpu.memory_space<vmem>> -> memref<1x100x100xf32, #tpu.memory_space<vmem>>
        %dma_wait3A_700 = tpu.memref_squeeze %dma_wait3A_699 : memref<1x100x100xf32, #tpu.memory_space<vmem>> -> memref<100x100xf32, #tpu.memory_space<vmem>>
        %dma_wait3A_701 = arith.constant 0 : i32
        %dma_wait3A_702 = arith.constant 0 : i32
        %dma_wait3A_703 = tpu.memref_slice %arg4[%mul3A_0, %dma_wait3A_701, %dma_wait3A_702] : memref<4096x100x100xf32, #tpu.memory_space<hbm>> -> memref<1x100x100xf32, #tpu.memory_space<hbm>>
        %dma_wait3A_704 = tpu.memref_squeeze %dma_wait3A_703 : memref<1x100x100xf32, #tpu.memory_space<hbm>> -> memref<100x100xf32, #tpu.memory_space<hbm>>
        %dma_wait3A_705 = arith.constant 0 : i32
        %dma_wait3A_706 = arith.constant 0 : i32
        %dma_wait3A_707 = tpu.memref_slice %arg4[%mul3A_0, %dma_wait3A_705, %dma_wait3A_706] : memref<4096x100x100xf32, #tpu.memory_space<hbm>> -> memref<1x100x100xf32, #tpu.memory_space<hbm>>
        %dma_wait3A_708 = tpu.memref_squeeze %dma_wait3A_707 : memref<1x100x100xf32, #tpu.memory_space<hbm>> -> memref<100x100xf32, #tpu.memory_space<hbm>>
        %dma_wait3A_709 = arith.constant 0 : i32
        %dma_wait3A_710 = arith.constant 0 : i32
        %dma_wait3A_711 = tpu.memref_slice %arg6[%dma_wait3A, %dma_wait3A_709, %dma_wait3A_710] : memref<8x100x100xf32, #tpu.memory_space<vmem>> -> memref<1x100x100xf32, #tpu.memory_space<vmem>>
        %dma_wait3A_712 = tpu.memref_squeeze %dma_wait3A_711 : memref<1x100x100xf32, #tpu.memory_space<vmem>> -> memref<100x100xf32, #tpu.memory_space<vmem>>
        tpu.wait_dma2 semaphore(%arg7 : memref<!tpu.dma_semaphore, #tpu.memory_space<semaphore_mem>>) src(%dma_wait3A_712 : memref<100x100xf32, #tpu.memory_space<vmem>>) dst(%dma_wait3A_708 : memref<100x100xf32, #tpu.memory_space<hbm>>)
      } else {
      }
      %gt3A_672 = arith.constant 11 : i32
      %gt3A_673 = arith.cmpi sgt, %scan3A_330, %gt3A_672 : i32
      %convert_element_type3A_674 = arith.extui %gt3A_673 : i1 to i32
      %cond3A_675 = arith.constant 0 : i32
      %cond3A_676 = arith.cmpi ne, %convert_element_type3A_674, %cond3A_675 : i32
      scf.if %cond3A_676 {
        %dma_wait3A = arith.constant 0 : i32
        %dma_wait3A_697 = arith.constant 0 : i32
        %dma_wait3A_698 = arith.constant 0 : i32
        %dma_wait3A_699 = tpu.memref_slice %arg6[%dma_wait3A, %dma_wait3A_697, %dma_wait3A_698] : memref<8x100x100xf32, #tpu.memory_space<vmem>> -> memref<1x100x100xf32, #tpu.memory_space<vmem>>
        %dma_wait3A_700 = tpu.memref_squeeze %dma_wait3A_699 : memref<1x100x100xf32, #tpu.memory_space<vmem>> -> memref<100x100xf32, #tpu.memory_space<vmem>>
        %dma_wait3A_701 = arith.constant 0 : i32
        %dma_wait3A_702 = arith.constant 0 : i32
        %dma_wait3A_703 = tpu.memref_slice %arg4[%mul3A_0, %dma_wait3A_701, %dma_wait3A_702] : memref<4096x100x100xf32, #tpu.memory_space<hbm>> -> memref<1x100x100xf32, #tpu.memory_space<hbm>>
        %dma_wait3A_704 = tpu.memref_squeeze %dma_wait3A_703 : memref<1x100x100xf32, #tpu.memory_space<hbm>> -> memref<100x100xf32, #tpu.memory_space<hbm>>
        %dma_wait3A_705 = arith.constant 0 : i32
        %dma_wait3A_706 = arith.constant 0 : i32
        %dma_wait3A_707 = tpu.memref_slice %arg4[%mul3A_0, %dma_wait3A_705, %dma_wait3A_706] : memref<4096x100x100xf32, #tpu.memory_space<hbm>> -> memref<1x100x100xf32, #tpu.memory_space<hbm>>
        %dma_wait3A_708 = tpu.memref_squeeze %dma_wait3A_707 : memref<1x100x100xf32, #tpu.memory_space<hbm>> -> memref<100x100xf32, #tpu.memory_space<hbm>>
        %dma_wait3A_709 = arith.constant 0 : i32
        %dma_wait3A_710 = arith.constant 0 : i32
        %dma_wait3A_711 = tpu.memref_slice %arg6[%dma_wait3A, %dma_wait3A_709, %dma_wait3A_710] : memref<8x100x100xf32, #tpu.memory_space<vmem>> -> memref<1x100x100xf32, #tpu.memory_space<vmem>>
        %dma_wait3A_712 = tpu.memref_squeeze %dma_wait3A_711 : memref<1x100x100xf32, #tpu.memory_space<vmem>> -> memref<100x100xf32, #tpu.memory_space<vmem>>
        tpu.wait_dma2 semaphore(%arg7 : memref<!tpu.dma_semaphore, #tpu.memory_space<semaphore_mem>>) src(%dma_wait3A_712 : memref<100x100xf32, #tpu.memory_space<vmem>>) dst(%dma_wait3A_708 : memref<100x100xf32, #tpu.memory_space<hbm>>)
      } else {
      }
      %gt3A_677 = arith.constant 12 : i32
      %gt3A_678 = arith.cmpi sgt, %scan3A_330, %gt3A_677 : i32
      %convert_element_type3A_679 = arith.extui %gt3A_678 : i1 to i32
      %cond3A_680 = arith.constant 0 : i32
      %cond3A_681 = arith.cmpi ne, %convert_element_type3A_679, %cond3A_680 : i32
      scf.if %cond3A_681 {
        %dma_wait3A = arith.constant 0 : i32
        %dma_wait3A_697 = arith.constant 0 : i32
        %dma_wait3A_698 = arith.constant 0 : i32
        %dma_wait3A_699 = tpu.memref_slice %arg6[%dma_wait3A, %dma_wait3A_697, %dma_wait3A_698] : memref<8x100x100xf32, #tpu.memory_space<vmem>> -> memref<1x100x100xf32, #tpu.memory_space<vmem>>
        %dma_wait3A_700 = tpu.memref_squeeze %dma_wait3A_699 : memref<1x100x100xf32, #tpu.memory_space<vmem>> -> memref<100x100xf32, #tpu.memory_space<vmem>>
        %dma_wait3A_701 = arith.constant 0 : i32
        %dma_wait3A_702 = arith.constant 0 : i32
        %dma_wait3A_703 = tpu.memref_slice %arg4[%mul3A_0, %dma_wait3A_701, %dma_wait3A_702] : memref<4096x100x100xf32, #tpu.memory_space<hbm>> -> memref<1x100x100xf32, #tpu.memory_space<hbm>>
        %dma_wait3A_704 = tpu.memref_squeeze %dma_wait3A_703 : memref<1x100x100xf32, #tpu.memory_space<hbm>> -> memref<100x100xf32, #tpu.memory_space<hbm>>
        %dma_wait3A_705 = arith.constant 0 : i32
        %dma_wait3A_706 = arith.constant 0 : i32
        %dma_wait3A_707 = tpu.memref_slice %arg4[%mul3A_0, %dma_wait3A_705, %dma_wait3A_706] : memref<4096x100x100xf32, #tpu.memory_space<hbm>> -> memref<1x100x100xf32, #tpu.memory_space<hbm>>
        %dma_wait3A_708 = tpu.memref_squeeze %dma_wait3A_707 : memref<1x100x100xf32, #tpu.memory_space<hbm>> -> memref<100x100xf32, #tpu.memory_space<hbm>>
        %dma_wait3A_709 = arith.constant 0 : i32
        %dma_wait3A_710 = arith.constant 0 : i32
        %dma_wait3A_711 = tpu.memref_slice %arg6[%dma_wait3A, %dma_wait3A_709, %dma_wait3A_710] : memref<8x100x100xf32, #tpu.memory_space<vmem>> -> memref<1x100x100xf32, #tpu.memory_space<vmem>>
        %dma_wait3A_712 = tpu.memref_squeeze %dma_wait3A_711 : memref<1x100x100xf32, #tpu.memory_space<vmem>> -> memref<100x100xf32, #tpu.memory_space<vmem>>
        tpu.wait_dma2 semaphore(%arg7 : memref<!tpu.dma_semaphore, #tpu.memory_space<semaphore_mem>>) src(%dma_wait3A_712 : memref<100x100xf32, #tpu.memory_space<vmem>>) dst(%dma_wait3A_708 : memref<100x100xf32, #tpu.memory_space<hbm>>)
      } else {
      }
      %gt3A_682 = arith.constant 13 : i32
      %gt3A_683 = arith.cmpi sgt, %scan3A_330, %gt3A_682 : i32
      %convert_element_type3A_684 = arith.extui %gt3A_683 : i1 to i32
      %cond3A_685 = arith.constant 0 : i32
      %cond3A_686 = arith.cmpi ne, %convert_element_type3A_684, %cond3A_685 : i32
      scf.if %cond3A_686 {
        %dma_wait3A = arith.constant 0 : i32
        %dma_wait3A_697 = arith.constant 0 : i32
        %dma_wait3A_698 = arith.constant 0 : i32
        %dma_wait3A_699 = tpu.memref_slice %arg6[%dma_wait3A, %dma_wait3A_697, %dma_wait3A_698] : memref<8x100x100xf32, #tpu.memory_space<vmem>> -> memref<1x100x100xf32, #tpu.memory_space<vmem>>
        %dma_wait3A_700 = tpu.memref_squeeze %dma_wait3A_699 : memref<1x100x100xf32, #tpu.memory_space<vmem>> -> memref<100x100xf32, #tpu.memory_space<vmem>>
        %dma_wait3A_701 = arith.constant 0 : i32
        %dma_wait3A_702 = arith.constant 0 : i32
        %dma_wait3A_703 = tpu.memref_slice %arg4[%mul3A_0, %dma_wait3A_701, %dma_wait3A_702] : memref<4096x100x100xf32, #tpu.memory_space<hbm>> -> memref<1x100x100xf32, #tpu.memory_space<hbm>>
        %dma_wait3A_704 = tpu.memref_squeeze %dma_wait3A_703 : memref<1x100x100xf32, #tpu.memory_space<hbm>> -> memref<100x100xf32, #tpu.memory_space<hbm>>
        %dma_wait3A_705 = arith.constant 0 : i32
        %dma_wait3A_706 = arith.constant 0 : i32
        %dma_wait3A_707 = tpu.memref_slice %arg4[%mul3A_0, %dma_wait3A_705, %dma_wait3A_706] : memref<4096x100x100xf32, #tpu.memory_space<hbm>> -> memref<1x100x100xf32, #tpu.memory_space<hbm>>
        %dma_wait3A_708 = tpu.memref_squeeze %dma_wait3A_707 : memref<1x100x100xf32, #tpu.memory_space<hbm>> -> memref<100x100xf32, #tpu.memory_space<hbm>>
        %dma_wait3A_709 = arith.constant 0 : i32
        %dma_wait3A_710 = arith.constant 0 : i32
        %dma_wait3A_711 = tpu.memref_slice %arg6[%dma_wait3A, %dma_wait3A_709, %dma_wait3A_710] : memref<8x100x100xf32, #tpu.memory_space<vmem>> -> memref<1x100x100xf32, #tpu.memory_space<vmem>>
        %dma_wait3A_712 = tpu.memref_squeeze %dma_wait3A_711 : memref<1x100x100xf32, #tpu.memory_space<vmem>> -> memref<100x100xf32, #tpu.memory_space<vmem>>
        tpu.wait_dma2 semaphore(%arg7 : memref<!tpu.dma_semaphore, #tpu.memory_space<semaphore_mem>>) src(%dma_wait3A_712 : memref<100x100xf32, #tpu.memory_space<vmem>>) dst(%dma_wait3A_708 : memref<100x100xf32, #tpu.memory_space<hbm>>)
      } else {
      }
      %gt3A_687 = arith.constant 14 : i32
      %gt3A_688 = arith.cmpi sgt, %scan3A_330, %gt3A_687 : i32
      %convert_element_type3A_689 = arith.extui %gt3A_688 : i1 to i32
      %cond3A_690 = arith.constant 0 : i32
      %cond3A_691 = arith.cmpi ne, %convert_element_type3A_689, %cond3A_690 : i32
      scf.if %cond3A_691 {
        %dma_wait3A = arith.constant 0 : i32
        %dma_wait3A_697 = arith.constant 0 : i32
        %dma_wait3A_698 = arith.constant 0 : i32
        %dma_wait3A_699 = tpu.memref_slice %arg6[%dma_wait3A, %dma_wait3A_697, %dma_wait3A_698] : memref<8x100x100xf32, #tpu.memory_space<vmem>> -> memref<1x100x100xf32, #tpu.memory_space<vmem>>
        %dma_wait3A_700 = tpu.memref_squeeze %dma_wait3A_699 : memref<1x100x100xf32, #tpu.memory_space<vmem>> -> memref<100x100xf32, #tpu.memory_space<vmem>>
        %dma_wait3A_701 = arith.constant 0 : i32
        %dma_wait3A_702 = arith.constant 0 : i32
        %dma_wait3A_703 = tpu.memref_slice %arg4[%mul3A_0, %dma_wait3A_701, %dma_wait3A_702] : memref<4096x100x100xf32, #tpu.memory_space<hbm>> -> memref<1x100x100xf32, #tpu.memory_space<hbm>>
        %dma_wait3A_704 = tpu.memref_squeeze %dma_wait3A_703 : memref<1x100x100xf32, #tpu.memory_space<hbm>> -> memref<100x100xf32, #tpu.memory_space<hbm>>
        %dma_wait3A_705 = arith.constant 0 : i32
        %dma_wait3A_706 = arith.constant 0 : i32
        %dma_wait3A_707 = tpu.memref_slice %arg4[%mul3A_0, %dma_wait3A_705, %dma_wait3A_706] : memref<4096x100x100xf32, #tpu.memory_space<hbm>> -> memref<1x100x100xf32, #tpu.memory_space<hbm>>
        %dma_wait3A_708 = tpu.memref_squeeze %dma_wait3A_707 : memref<1x100x100xf32, #tpu.memory_space<hbm>> -> memref<100x100xf32, #tpu.memory_space<hbm>>
        %dma_wait3A_709 = arith.constant 0 : i32
        %dma_wait3A_710 = arith.constant 0 : i32
        %dma_wait3A_711 = tpu.memref_slice %arg6[%dma_wait3A, %dma_wait3A_709, %dma_wait3A_710] : memref<8x100x100xf32, #tpu.memory_space<vmem>> -> memref<1x100x100xf32, #tpu.memory_space<vmem>>
        %dma_wait3A_712 = tpu.memref_squeeze %dma_wait3A_711 : memref<1x100x100xf32, #tpu.memory_space<vmem>> -> memref<100x100xf32, #tpu.memory_space<vmem>>
        tpu.wait_dma2 semaphore(%arg7 : memref<!tpu.dma_semaphore, #tpu.memory_space<semaphore_mem>>) src(%dma_wait3A_712 : memref<100x100xf32, #tpu.memory_space<vmem>>) dst(%dma_wait3A_708 : memref<100x100xf32, #tpu.memory_space<hbm>>)
      } else {
      }
      %gt3A_692 = arith.constant 15 : i32
      %gt3A_693 = arith.cmpi sgt, %scan3A_330, %gt3A_692 : i32
      %convert_element_type3A_694 = arith.extui %gt3A_693 : i1 to i32
      %cond3A_695 = arith.constant 0 : i32
      %cond3A_696 = arith.cmpi ne, %convert_element_type3A_694, %cond3A_695 : i32
      scf.if %cond3A_696 {
        %dma_wait3A = arith.constant 0 : i32
        %dma_wait3A_697 = arith.constant 0 : i32
        %dma_wait3A_698 = arith.constant 0 : i32
        %dma_wait3A_699 = tpu.memref_slice %arg6[%dma_wait3A, %dma_wait3A_697, %dma_wait3A_698] : memref<8x100x100xf32, #tpu.memory_space<vmem>> -> memref<1x100x100xf32, #tpu.memory_space<vmem>>
        %dma_wait3A_700 = tpu.memref_squeeze %dma_wait3A_699 : memref<1x100x100xf32, #tpu.memory_space<vmem>> -> memref<100x100xf32, #tpu.memory_space<vmem>>
        %dma_wait3A_701 = arith.constant 0 : i32
        %dma_wait3A_702 = arith.constant 0 : i32
        %dma_wait3A_703 = tpu.memref_slice %arg4[%mul3A_0, %dma_wait3A_701, %dma_wait3A_702] : memref<4096x100x100xf32, #tpu.memory_space<hbm>> -> memref<1x100x100xf32, #tpu.memory_space<hbm>>
        %dma_wait3A_704 = tpu.memref_squeeze %dma_wait3A_703 : memref<1x100x100xf32, #tpu.memory_space<hbm>> -> memref<100x100xf32, #tpu.memory_space<hbm>>
        %dma_wait3A_705 = arith.constant 0 : i32
        %dma_wait3A_706 = arith.constant 0 : i32
        %dma_wait3A_707 = tpu.memref_slice %arg4[%mul3A_0, %dma_wait3A_705, %dma_wait3A_706] : memref<4096x100x100xf32, #tpu.memory_space<hbm>> -> memref<1x100x100xf32, #tpu.memory_space<hbm>>
        %dma_wait3A_708 = tpu.memref_squeeze %dma_wait3A_707 : memref<1x100x100xf32, #tpu.memory_space<hbm>> -> memref<100x100xf32, #tpu.memory_space<hbm>>
        %dma_wait3A_709 = arith.constant 0 : i32
        %dma_wait3A_710 = arith.constant 0 : i32
        %dma_wait3A_711 = tpu.memref_slice %arg6[%dma_wait3A, %dma_wait3A_709, %dma_wait3A_710] : memref<8x100x100xf32, #tpu.memory_space<vmem>> -> memref<1x100x100xf32, #tpu.memory_space<vmem>>
        %dma_wait3A_712 = tpu.memref_squeeze %dma_wait3A_711 : memref<1x100x100xf32, #tpu.memory_space<vmem>> -> memref<100x100xf32, #tpu.memory_space<vmem>>
        tpu.wait_dma2 semaphore(%arg7 : memref<!tpu.dma_semaphore, #tpu.memory_space<semaphore_mem>>) src(%dma_wait3A_712 : memref<100x100xf32, #tpu.memory_space<vmem>>) dst(%dma_wait3A_708 : memref<100x100xf32, #tpu.memory_space<hbm>>)
      } else {
      }
      scf.yield %scan3A_331, %scan3A_332, %scan3A_333, %add3A_616 : i32, i32, i32, i32
    }
    %scan3A_11 = arith.constant 128 : i32
    %gt3A = arith.constant 0 : i32
    %gt3A_12 = arith.cmpi sgt, %scan3A_10#0, %gt3A : i32
    %convert_element_type3A = arith.extui %gt3A_12 : i1 to i32
    %cond3A = arith.constant 0 : i32
    %cond3A_13 = arith.cmpi ne, %convert_element_type3A, %cond3A : i32
    scf.if %cond3A_13 {
      %dma_wait3A = arith.constant 0 : i32
      %dma_wait3A_329 = arith.constant 0 : i32
      %dma_wait3A_330 = arith.constant 0 : i32
      %dma_wait3A_331 = tpu.memref_slice %arg6[%dma_wait3A, %dma_wait3A_329, %dma_wait3A_330] : memref<8x100x100xf32, #tpu.memory_space<vmem>> -> memref<1x100x100xf32, #tpu.memory_space<vmem>>
      %dma_wait3A_332 = tpu.memref_squeeze %dma_wait3A_331 : memref<1x100x100xf32, #tpu.memory_space<vmem>> -> memref<100x100xf32, #tpu.memory_space<vmem>>
      %dma_wait3A_333 = arith.constant 0 : i32
      %dma_wait3A_334 = arith.constant 0 : i32
      %dma_wait3A_335 = tpu.memref_slice %arg4[%mul3A_0, %dma_wait3A_333, %dma_wait3A_334] : memref<4096x100x100xf32, #tpu.memory_space<hbm>> -> memref<1x100x100xf32, #tpu.memory_space<hbm>>
      %dma_wait3A_336 = tpu.memref_squeeze %dma_wait3A_335 : memref<1x100x100xf32, #tpu.memory_space<hbm>> -> memref<100x100xf32, #tpu.memory_space<hbm>>
      %dma_wait3A_337 = arith.constant 0 : i32
      %dma_wait3A_338 = arith.constant 0 : i32
      %dma_wait3A_339 = tpu.memref_slice %arg4[%mul3A_0, %dma_wait3A_337, %dma_wait3A_338] : memref<4096x100x100xf32, #tpu.memory_space<hbm>> -> memref<1x100x100xf32, #tpu.memory_space<hbm>>
      %dma_wait3A_340 = tpu.memref_squeeze %dma_wait3A_339 : memref<1x100x100xf32, #tpu.memory_space<hbm>> -> memref<100x100xf32, #tpu.memory_space<hbm>>
      %dma_wait3A_341 = arith.constant 0 : i32
      %dma_wait3A_342 = arith.constant 0 : i32
      %dma_wait3A_343 = tpu.memref_slice %arg6[%dma_wait3A, %dma_wait3A_341, %dma_wait3A_342] : memref<8x100x100xf32, #tpu.memory_space<vmem>> -> memref<1x100x100xf32, #tpu.memory_space<vmem>>
      %dma_wait3A_344 = tpu.memref_squeeze %dma_wait3A_343 : memref<1x100x100xf32, #tpu.memory_space<vmem>> -> memref<100x100xf32, #tpu.memory_space<vmem>>
      tpu.wait_dma2 semaphore(%arg7 : memref<!tpu.dma_semaphore, #tpu.memory_space<semaphore_mem>>) src(%dma_wait3A_344 : memref<100x100xf32, #tpu.memory_space<vmem>>) dst(%dma_wait3A_340 : memref<100x100xf32, #tpu.memory_space<hbm>>)
    } else {
    }
    %gt3A_14 = arith.constant 1 : i32
    %gt3A_15 = arith.cmpi sgt, %scan3A_10#0, %gt3A_14 : i32
    %convert_element_type3A_16 = arith.extui %gt3A_15 : i1 to i32
    %cond3A_17 = arith.constant 0 : i32
    %cond3A_18 = arith.cmpi ne, %convert_element_type3A_16, %cond3A_17 : i32
    scf.if %cond3A_18 {
      %dma_wait3A = arith.constant 0 : i32
      %dma_wait3A_329 = arith.constant 0 : i32
      %dma_wait3A_330 = arith.constant 0 : i32
      %dma_wait3A_331 = tpu.memref_slice %arg6[%dma_wait3A, %dma_wait3A_329, %dma_wait3A_330] : memref<8x100x100xf32, #tpu.memory_space<vmem>> -> memref<1x100x100xf32, #tpu.memory_space<vmem>>
      %dma_wait3A_332 = tpu.memref_squeeze %dma_wait3A_331 : memref<1x100x100xf32, #tpu.memory_space<vmem>> -> memref<100x100xf32, #tpu.memory_space<vmem>>
      %dma_wait3A_333 = arith.constant 0 : i32
      %dma_wait3A_334 = arith.constant 0 : i32
      %dma_wait3A_335 = tpu.memref_slice %arg4[%mul3A_0, %dma_wait3A_333, %dma_wait3A_334] : memref<4096x100x100xf32, #tpu.memory_space<hbm>> -> memref<1x100x100xf32, #tpu.memory_space<hbm>>
      %dma_wait3A_336 = tpu.memref_squeeze %dma_wait3A_335 : memref<1x100x100xf32, #tpu.memory_space<hbm>> -> memref<100x100xf32, #tpu.memory_space<hbm>>
      %dma_wait3A_337 = arith.constant 0 : i32
      %dma_wait3A_338 = arith.constant 0 : i32
      %dma_wait3A_339 = tpu.memref_slice %arg4[%mul3A_0, %dma_wait3A_337, %dma_wait3A_338] : memref<4096x100x100xf32, #tpu.memory_space<hbm>> -> memref<1x100x100xf32, #tpu.memory_space<hbm>>
      %dma_wait3A_340 = tpu.memref_squeeze %dma_wait3A_339 : memref<1x100x100xf32, #tpu.memory_space<hbm>> -> memref<100x100xf32, #tpu.memory_space<hbm>>
      %dma_wait3A_341 = arith.constant 0 : i32
      %dma_wait3A_342 = arith.constant 0 : i32
      %dma_wait3A_343 = tpu.memref_slice %arg6[%dma_wait3A, %dma_wait3A_341, %dma_wait3A_342] : memref<8x100x100xf32, #tpu.memory_space<vmem>> -> memref<1x100x100xf32, #tpu.memory_space<vmem>>
      %dma_wait3A_344 = tpu.memref_squeeze %dma_wait3A_343 : memref<1x100x100xf32, #tpu.memory_space<vmem>> -> memref<100x100xf32, #tpu.memory_space<vmem>>
      tpu.wait_dma2 semaphore(%arg7 : memref<!tpu.dma_semaphore, #tpu.memory_space<semaphore_mem>>) src(%dma_wait3A_344 : memref<100x100xf32, #tpu.memory_space<vmem>>) dst(%dma_wait3A_340 : memref<100x100xf32, #tpu.memory_space<hbm>>)
    } else {
    }
    %gt3A_19 = arith.constant 2 : i32
    %gt3A_20 = arith.cmpi sgt, %scan3A_10#0, %gt3A_19 : i32
    %convert_element_type3A_21 = arith.extui %gt3A_20 : i1 to i32
    %cond3A_22 = arith.constant 0 : i32
    %cond3A_23 = arith.cmpi ne, %convert_element_type3A_21, %cond3A_22 : i32
    scf.if %cond3A_23 {
      %dma_wait3A = arith.constant 0 : i32
      %dma_wait3A_329 = arith.constant 0 : i32
      %dma_wait3A_330 = arith.constant 0 : i32
      %dma_wait3A_331 = tpu.memref_slice %arg6[%dma_wait3A, %dma_wait3A_329, %dma_wait3A_330] : memref<8x100x100xf32, #tpu.memory_space<vmem>> -> memref<1x100x100xf32, #tpu.memory_space<vmem>>
      %dma_wait3A_332 = tpu.memref_squeeze %dma_wait3A_331 : memref<1x100x100xf32, #tpu.memory_space<vmem>> -> memref<100x100xf32, #tpu.memory_space<vmem>>
      %dma_wait3A_333 = arith.constant 0 : i32
      %dma_wait3A_334 = arith.constant 0 : i32
      %dma_wait3A_335 = tpu.memref_slice %arg4[%mul3A_0, %dma_wait3A_333, %dma_wait3A_334] : memref<4096x100x100xf32, #tpu.memory_space<hbm>> -> memref<1x100x100xf32, #tpu.memory_space<hbm>>
      %dma_wait3A_336 = tpu.memref_squeeze %dma_wait3A_335 : memref<1x100x100xf32, #tpu.memory_space<hbm>> -> memref<100x100xf32, #tpu.memory_space<hbm>>
      %dma_wait3A_337 = arith.constant 0 : i32
      %dma_wait3A_338 = arith.constant 0 : i32
      %dma_wait3A_339 = tpu.memref_slice %arg4[%mul3A_0, %dma_wait3A_337, %dma_wait3A_338] : memref<4096x100x100xf32, #tpu.memory_space<hbm>> -> memref<1x100x100xf32, #tpu.memory_space<hbm>>
      %dma_wait3A_340 = tpu.memref_squeeze %dma_wait3A_339 : memref<1x100x100xf32, #tpu.memory_space<hbm>> -> memref<100x100xf32, #tpu.memory_space<hbm>>
      %dma_wait3A_341 = arith.constant 0 : i32
      %dma_wait3A_342 = arith.constant 0 : i32
      %dma_wait3A_343 = tpu.memref_slice %arg6[%dma_wait3A, %dma_wait3A_341, %dma_wait3A_342] : memref<8x100x100xf32, #tpu.memory_space<vmem>> -> memref<1x100x100xf32, #tpu.memory_space<vmem>>
      %dma_wait3A_344 = tpu.memref_squeeze %dma_wait3A_343 : memref<1x100x100xf32, #tpu.memory_space<vmem>> -> memref<100x100xf32, #tpu.memory_space<vmem>>
      tpu.wait_dma2 semaphore(%arg7 : memref<!tpu.dma_semaphore, #tpu.memory_space<semaphore_mem>>) src(%dma_wait3A_344 : memref<100x100xf32, #tpu.memory_space<vmem>>) dst(%dma_wait3A_340 : memref<100x100xf32, #tpu.memory_space<hbm>>)
    } else {
    }
    %gt3A_24 = arith.constant 3 : i32
    %gt3A_25 = arith.cmpi sgt, %scan3A_10#0, %gt3A_24 : i32
    %convert_element_type3A_26 = arith.extui %gt3A_25 : i1 to i32
    %cond3A_27 = arith.constant 0 : i32
    %cond3A_28 = arith.cmpi ne, %convert_element_type3A_26, %cond3A_27 : i32
    scf.if %cond3A_28 {
      %dma_wait3A = arith.constant 0 : i32
      %dma_wait3A_329 = arith.constant 0 : i32
      %dma_wait3A_330 = arith.constant 0 : i32
      %dma_wait3A_331 = tpu.memref_slice %arg6[%dma_wait3A, %dma_wait3A_329, %dma_wait3A_330] : memref<8x100x100xf32, #tpu.memory_space<vmem>> -> memref<1x100x100xf32, #tpu.memory_space<vmem>>
      %dma_wait3A_332 = tpu.memref_squeeze %dma_wait3A_331 : memref<1x100x100xf32, #tpu.memory_space<vmem>> -> memref<100x100xf32, #tpu.memory_space<vmem>>
      %dma_wait3A_333 = arith.constant 0 : i32
      %dma_wait3A_334 = arith.constant 0 : i32
      %dma_wait3A_335 = tpu.memref_slice %arg4[%mul3A_0, %dma_wait3A_333, %dma_wait3A_334] : memref<4096x100x100xf32, #tpu.memory_space<hbm>> -> memref<1x100x100xf32, #tpu.memory_space<hbm>>
      %dma_wait3A_336 = tpu.memref_squeeze %dma_wait3A_335 : memref<1x100x100xf32, #tpu.memory_space<hbm>> -> memref<100x100xf32, #tpu.memory_space<hbm>>
      %dma_wait3A_337 = arith.constant 0 : i32
      %dma_wait3A_338 = arith.constant 0 : i32
      %dma_wait3A_339 = tpu.memref_slice %arg4[%mul3A_0, %dma_wait3A_337, %dma_wait3A_338] : memref<4096x100x100xf32, #tpu.memory_space<hbm>> -> memref<1x100x100xf32, #tpu.memory_space<hbm>>
      %dma_wait3A_340 = tpu.memref_squeeze %dma_wait3A_339 : memref<1x100x100xf32, #tpu.memory_space<hbm>> -> memref<100x100xf32, #tpu.memory_space<hbm>>
      %dma_wait3A_341 = arith.constant 0 : i32
      %dma_wait3A_342 = arith.constant 0 : i32
      %dma_wait3A_343 = tpu.memref_slice %arg6[%dma_wait3A, %dma_wait3A_341, %dma_wait3A_342] : memref<8x100x100xf32, #tpu.memory_space<vmem>> -> memref<1x100x100xf32, #tpu.memory_space<vmem>>
      %dma_wait3A_344 = tpu.memref_squeeze %dma_wait3A_343 : memref<1x100x100xf32, #tpu.memory_space<vmem>> -> memref<100x100xf32, #tpu.memory_space<vmem>>
      tpu.wait_dma2 semaphore(%arg7 : memref<!tpu.dma_semaphore, #tpu.memory_space<semaphore_mem>>) src(%dma_wait3A_344 : memref<100x100xf32, #tpu.memory_space<vmem>>) dst(%dma_wait3A_340 : memref<100x100xf32, #tpu.memory_space<hbm>>)
    } else {
    }
    %gt3A_29 = arith.constant 4 : i32
    %gt3A_30 = arith.cmpi sgt, %scan3A_10#0, %gt3A_29 : i32
    %convert_element_type3A_31 = arith.extui %gt3A_30 : i1 to i32
    %cond3A_32 = arith.constant 0 : i32
    %cond3A_33 = arith.cmpi ne, %convert_element_type3A_31, %cond3A_32 : i32
    scf.if %cond3A_33 {
      %dma_wait3A = arith.constant 0 : i32
      %dma_wait3A_329 = arith.constant 0 : i32
      %dma_wait3A_330 = arith.constant 0 : i32
      %dma_wait3A_331 = tpu.memref_slice %arg6[%dma_wait3A, %dma_wait3A_329, %dma_wait3A_330] : memref<8x100x100xf32, #tpu.memory_space<vmem>> -> memref<1x100x100xf32, #tpu.memory_space<vmem>>
      %dma_wait3A_332 = tpu.memref_squeeze %dma_wait3A_331 : memref<1x100x100xf32, #tpu.memory_space<vmem>> -> memref<100x100xf32, #tpu.memory_space<vmem>>
      %dma_wait3A_333 = arith.constant 0 : i32
      %dma_wait3A_334 = arith.constant 0 : i32
      %dma_wait3A_335 = tpu.memref_slice %arg4[%mul3A_0, %dma_wait3A_333, %dma_wait3A_334] : memref<4096x100x100xf32, #tpu.memory_space<hbm>> -> memref<1x100x100xf32, #tpu.memory_space<hbm>>
      %dma_wait3A_336 = tpu.memref_squeeze %dma_wait3A_335 : memref<1x100x100xf32, #tpu.memory_space<hbm>> -> memref<100x100xf32, #tpu.memory_space<hbm>>
      %dma_wait3A_337 = arith.constant 0 : i32
      %dma_wait3A_338 = arith.constant 0 : i32
      %dma_wait3A_339 = tpu.memref_slice %arg4[%mul3A_0, %dma_wait3A_337, %dma_wait3A_338] : memref<4096x100x100xf32, #tpu.memory_space<hbm>> -> memref<1x100x100xf32, #tpu.memory_space<hbm>>
      %dma_wait3A_340 = tpu.memref_squeeze %dma_wait3A_339 : memref<1x100x100xf32, #tpu.memory_space<hbm>> -> memref<100x100xf32, #tpu.memory_space<hbm>>
      %dma_wait3A_341 = arith.constant 0 : i32
      %dma_wait3A_342 = arith.constant 0 : i32
      %dma_wait3A_343 = tpu.memref_slice %arg6[%dma_wait3A, %dma_wait3A_341, %dma_wait3A_342] : memref<8x100x100xf32, #tpu.memory_space<vmem>> -> memref<1x100x100xf32, #tpu.memory_space<vmem>>
      %dma_wait3A_344 = tpu.memref_squeeze %dma_wait3A_343 : memref<1x100x100xf32, #tpu.memory_space<vmem>> -> memref<100x100xf32, #tpu.memory_space<vmem>>
      tpu.wait_dma2 semaphore(%arg7 : memref<!tpu.dma_semaphore, #tpu.memory_space<semaphore_mem>>) src(%dma_wait3A_344 : memref<100x100xf32, #tpu.memory_space<vmem>>) dst(%dma_wait3A_340 : memref<100x100xf32, #tpu.memory_space<hbm>>)
    } else {
    }
    %gt3A_34 = arith.constant 5 : i32
    %gt3A_35 = arith.cmpi sgt, %scan3A_10#0, %gt3A_34 : i32
    %convert_element_type3A_36 = arith.extui %gt3A_35 : i1 to i32
    %cond3A_37 = arith.constant 0 : i32
    %cond3A_38 = arith.cmpi ne, %convert_element_type3A_36, %cond3A_37 : i32
    scf.if %cond3A_38 {
      %dma_wait3A = arith.constant 0 : i32
      %dma_wait3A_329 = arith.constant 0 : i32
      %dma_wait3A_330 = arith.constant 0 : i32
      %dma_wait3A_331 = tpu.memref_slice %arg6[%dma_wait3A, %dma_wait3A_329, %dma_wait3A_330] : memref<8x100x100xf32, #tpu.memory_space<vmem>> -> memref<1x100x100xf32, #tpu.memory_space<vmem>>
      %dma_wait3A_332 = tpu.memref_squeeze %dma_wait3A_331 : memref<1x100x100xf32, #tpu.memory_space<vmem>> -> memref<100x100xf32, #tpu.memory_space<vmem>>
      %dma_wait3A_333 = arith.constant 0 : i32
      %dma_wait3A_334 = arith.constant 0 : i32
      %dma_wait3A_335 = tpu.memref_slice %arg4[%mul3A_0, %dma_wait3A_333, %dma_wait3A_334] : memref<4096x100x100xf32, #tpu.memory_space<hbm>> -> memref<1x100x100xf32, #tpu.memory_space<hbm>>
      %dma_wait3A_336 = tpu.memref_squeeze %dma_wait3A_335 : memref<1x100x100xf32, #tpu.memory_space<hbm>> -> memref<100x100xf32, #tpu.memory_space<hbm>>
      %dma_wait3A_337 = arith.constant 0 : i32
      %dma_wait3A_338 = arith.constant 0 : i32
      %dma_wait3A_339 = tpu.memref_slice %arg4[%mul3A_0, %dma_wait3A_337, %dma_wait3A_338] : memref<4096x100x100xf32, #tpu.memory_space<hbm>> -> memref<1x100x100xf32, #tpu.memory_space<hbm>>
      %dma_wait3A_340 = tpu.memref_squeeze %dma_wait3A_339 : memref<1x100x100xf32, #tpu.memory_space<hbm>> -> memref<100x100xf32, #tpu.memory_space<hbm>>
      %dma_wait3A_341 = arith.constant 0 : i32
      %dma_wait3A_342 = arith.constant 0 : i32
      %dma_wait3A_343 = tpu.memref_slice %arg6[%dma_wait3A, %dma_wait3A_341, %dma_wait3A_342] : memref<8x100x100xf32, #tpu.memory_space<vmem>> -> memref<1x100x100xf32, #tpu.memory_space<vmem>>
      %dma_wait3A_344 = tpu.memref_squeeze %dma_wait3A_343 : memref<1x100x100xf32, #tpu.memory_space<vmem>> -> memref<100x100xf32, #tpu.memory_space<vmem>>
      tpu.wait_dma2 semaphore(%arg7 : memref<!tpu.dma_semaphore, #tpu.memory_space<semaphore_mem>>) src(%dma_wait3A_344 : memref<100x100xf32, #tpu.memory_space<vmem>>) dst(%dma_wait3A_340 : memref<100x100xf32, #tpu.memory_space<hbm>>)
    } else {
    }
    %gt3A_39 = arith.constant 6 : i32
    %gt3A_40 = arith.cmpi sgt, %scan3A_10#0, %gt3A_39 : i32
    %convert_element_type3A_41 = arith.extui %gt3A_40 : i1 to i32
    %cond3A_42 = arith.constant 0 : i32
    %cond3A_43 = arith.cmpi ne, %convert_element_type3A_41, %cond3A_42 : i32
    scf.if %cond3A_43 {
      %dma_wait3A = arith.constant 0 : i32
      %dma_wait3A_329 = arith.constant 0 : i32
      %dma_wait3A_330 = arith.constant 0 : i32
      %dma_wait3A_331 = tpu.memref_slice %arg6[%dma_wait3A, %dma_wait3A_329, %dma_wait3A_330] : memref<8x100x100xf32, #tpu.memory_space<vmem>> -> memref<1x100x100xf32, #tpu.memory_space<vmem>>
      %dma_wait3A_332 = tpu.memref_squeeze %dma_wait3A_331 : memref<1x100x100xf32, #tpu.memory_space<vmem>> -> memref<100x100xf32, #tpu.memory_space<vmem>>
      %dma_wait3A_333 = arith.constant 0 : i32
      %dma_wait3A_334 = arith.constant 0 : i32
      %dma_wait3A_335 = tpu.memref_slice %arg4[%mul3A_0, %dma_wait3A_333, %dma_wait3A_334] : memref<4096x100x100xf32, #tpu.memory_space<hbm>> -> memref<1x100x100xf32, #tpu.memory_space<hbm>>
      %dma_wait3A_336 = tpu.memref_squeeze %dma_wait3A_335 : memref<1x100x100xf32, #tpu.memory_space<hbm>> -> memref<100x100xf32, #tpu.memory_space<hbm>>
      %dma_wait3A_337 = arith.constant 0 : i32
      %dma_wait3A_338 = arith.constant 0 : i32
      %dma_wait3A_339 = tpu.memref_slice %arg4[%mul3A_0, %dma_wait3A_337, %dma_wait3A_338] : memref<4096x100x100xf32, #tpu.memory_space<hbm>> -> memref<1x100x100xf32, #tpu.memory_space<hbm>>
      %dma_wait3A_340 = tpu.memref_squeeze %dma_wait3A_339 : memref<1x100x100xf32, #tpu.memory_space<hbm>> -> memref<100x100xf32, #tpu.memory_space<hbm>>
      %dma_wait3A_341 = arith.constant 0 : i32
      %dma_wait3A_342 = arith.constant 0 : i32
      %dma_wait3A_343 = tpu.memref_slice %arg6[%dma_wait3A, %dma_wait3A_341, %dma_wait3A_342] : memref<8x100x100xf32, #tpu.memory_space<vmem>> -> memref<1x100x100xf32, #tpu.memory_space<vmem>>
      %dma_wait3A_344 = tpu.memref_squeeze %dma_wait3A_343 : memref<1x100x100xf32, #tpu.memory_space<vmem>> -> memref<100x100xf32, #tpu.memory_space<vmem>>
      tpu.wait_dma2 semaphore(%arg7 : memref<!tpu.dma_semaphore, #tpu.memory_space<semaphore_mem>>) src(%dma_wait3A_344 : memref<100x100xf32, #tpu.memory_space<vmem>>) dst(%dma_wait3A_340 : memref<100x100xf32, #tpu.memory_space<hbm>>)
    } else {
    }
    %gt3A_44 = arith.constant 7 : i32
    %gt3A_45 = arith.cmpi sgt, %scan3A_10#0, %gt3A_44 : i32
    %convert_element_type3A_46 = arith.extui %gt3A_45 : i1 to i32
    %cond3A_47 = arith.constant 0 : i32
    %cond3A_48 = arith.cmpi ne, %convert_element_type3A_46, %cond3A_47 : i32
    scf.if %cond3A_48 {
      %dma_wait3A = arith.constant 0 : i32
      %dma_wait3A_329 = arith.constant 0 : i32
      %dma_wait3A_330 = arith.constant 0 : i32
      %dma_wait3A_331 = tpu.memref_slice %arg6[%dma_wait3A, %dma_wait3A_329, %dma_wait3A_330] : memref<8x100x100xf32, #tpu.memory_space<vmem>> -> memref<1x100x100xf32, #tpu.memory_space<vmem>>
      %dma_wait3A_332 = tpu.memref_squeeze %dma_wait3A_331 : memref<1x100x100xf32, #tpu.memory_space<vmem>> -> memref<100x100xf32, #tpu.memory_space<vmem>>
      %dma_wait3A_333 = arith.constant 0 : i32
      %dma_wait3A_334 = arith.constant 0 : i32
      %dma_wait3A_335 = tpu.memref_slice %arg4[%mul3A_0, %dma_wait3A_333, %dma_wait3A_334] : memref<4096x100x100xf32, #tpu.memory_space<hbm>> -> memref<1x100x100xf32, #tpu.memory_space<hbm>>
      %dma_wait3A_336 = tpu.memref_squeeze %dma_wait3A_335 : memref<1x100x100xf32, #tpu.memory_space<hbm>> -> memref<100x100xf32, #tpu.memory_space<hbm>>
      %dma_wait3A_337 = arith.constant 0 : i32
      %dma_wait3A_338 = arith.constant 0 : i32
      %dma_wait3A_339 = tpu.memref_slice %arg4[%mul3A_0, %dma_wait3A_337, %dma_wait3A_338] : memref<4096x100x100xf32, #tpu.memory_space<hbm>> -> memref<1x100x100xf32, #tpu.memory_space<hbm>>
      %dma_wait3A_340 = tpu.memref_squeeze %dma_wait3A_339 : memref<1x100x100xf32, #tpu.memory_space<hbm>> -> memref<100x100xf32, #tpu.memory_space<hbm>>
      %dma_wait3A_341 = arith.constant 0 : i32
      %dma_wait3A_342 = arith.constant 0 : i32
      %dma_wait3A_343 = tpu.memref_slice %arg6[%dma_wait3A, %dma_wait3A_341, %dma_wait3A_342] : memref<8x100x100xf32, #tpu.memory_space<vmem>> -> memref<1x100x100xf32, #tpu.memory_space<vmem>>
      %dma_wait3A_344 = tpu.memref_squeeze %dma_wait3A_343 : memref<1x100x100xf32, #tpu.memory_space<vmem>> -> memref<100x100xf32, #tpu.memory_space<vmem>>
      tpu.wait_dma2 semaphore(%arg7 : memref<!tpu.dma_semaphore, #tpu.memory_space<semaphore_mem>>) src(%dma_wait3A_344 : memref<100x100xf32, #tpu.memory_space<vmem>>) dst(%dma_wait3A_340 : memref<100x100xf32, #tpu.memory_space<hbm>>)
    } else {
    }
    %gt3A_49 = arith.constant 8 : i32
    %gt3A_50 = arith.cmpi sgt, %scan3A_10#0, %gt3A_49 : i32
    %convert_element_type3A_51 = arith.extui %gt3A_50 : i1 to i32
    %cond3A_52 = arith.constant 0 : i32
    %cond3A_53 = arith.cmpi ne, %convert_element_type3A_51, %cond3A_52 : i32
    scf.if %cond3A_53 {
      %dma_wait3A = arith.constant 0 : i32
      %dma_wait3A_329 = arith.constant 0 : i32
      %dma_wait3A_330 = arith.constant 0 : i32
      %dma_wait3A_331 = tpu.memref_slice %arg6[%dma_wait3A, %dma_wait3A_329, %dma_wait3A_330] : memref<8x100x100xf32, #tpu.memory_space<vmem>> -> memref<1x100x100xf32, #tpu.memory_space<vmem>>
      %dma_wait3A_332 = tpu.memref_squeeze %dma_wait3A_331 : memref<1x100x100xf32, #tpu.memory_space<vmem>> -> memref<100x100xf32, #tpu.memory_space<vmem>>
      %dma_wait3A_333 = arith.constant 0 : i32
      %dma_wait3A_334 = arith.constant 0 : i32
      %dma_wait3A_335 = tpu.memref_slice %arg4[%mul3A_0, %dma_wait3A_333, %dma_wait3A_334] : memref<4096x100x100xf32, #tpu.memory_space<hbm>> -> memref<1x100x100xf32, #tpu.memory_space<hbm>>
      %dma_wait3A_336 = tpu.memref_squeeze %dma_wait3A_335 : memref<1x100x100xf32, #tpu.memory_space<hbm>> -> memref<100x100xf32, #tpu.memory_space<hbm>>
      %dma_wait3A_337 = arith.constant 0 : i32
      %dma_wait3A_338 = arith.constant 0 : i32
      %dma_wait3A_339 = tpu.memref_slice %arg4[%mul3A_0, %dma_wait3A_337, %dma_wait3A_338] : memref<4096x100x100xf32, #tpu.memory_space<hbm>> -> memref<1x100x100xf32, #tpu.memory_space<hbm>>
      %dma_wait3A_340 = tpu.memref_squeeze %dma_wait3A_339 : memref<1x100x100xf32, #tpu.memory_space<hbm>> -> memref<100x100xf32, #tpu.memory_space<hbm>>
      %dma_wait3A_341 = arith.constant 0 : i32
      %dma_wait3A_342 = arith.constant 0 : i32
      %dma_wait3A_343 = tpu.memref_slice %arg6[%dma_wait3A, %dma_wait3A_341, %dma_wait3A_342] : memref<8x100x100xf32, #tpu.memory_space<vmem>> -> memref<1x100x100xf32, #tpu.memory_space<vmem>>
      %dma_wait3A_344 = tpu.memref_squeeze %dma_wait3A_343 : memref<1x100x100xf32, #tpu.memory_space<vmem>> -> memref<100x100xf32, #tpu.memory_space<vmem>>
      tpu.wait_dma2 semaphore(%arg7 : memref<!tpu.dma_semaphore, #tpu.memory_space<semaphore_mem>>) src(%dma_wait3A_344 : memref<100x100xf32, #tpu.memory_space<vmem>>) dst(%dma_wait3A_340 : memref<100x100xf32, #tpu.memory_space<hbm>>)
    } else {
    }
    %gt3A_54 = arith.constant 9 : i32
    %gt3A_55 = arith.cmpi sgt, %scan3A_10#0, %gt3A_54 : i32
    %convert_element_type3A_56 = arith.extui %gt3A_55 : i1 to i32
    %cond3A_57 = arith.constant 0 : i32
    %cond3A_58 = arith.cmpi ne, %convert_element_type3A_56, %cond3A_57 : i32
    scf.if %cond3A_58 {
      %dma_wait3A = arith.constant 0 : i32
      %dma_wait3A_329 = arith.constant 0 : i32
      %dma_wait3A_330 = arith.constant 0 : i32
      %dma_wait3A_331 = tpu.memref_slice %arg6[%dma_wait3A, %dma_wait3A_329, %dma_wait3A_330] : memref<8x100x100xf32, #tpu.memory_space<vmem>> -> memref<1x100x100xf32, #tpu.memory_space<vmem>>
      %dma_wait3A_332 = tpu.memref_squeeze %dma_wait3A_331 : memref<1x100x100xf32, #tpu.memory_space<vmem>> -> memref<100x100xf32, #tpu.memory_space<vmem>>
      %dma_wait3A_333 = arith.constant 0 : i32
      %dma_wait3A_334 = arith.constant 0 : i32
      %dma_wait3A_335 = tpu.memref_slice %arg4[%mul3A_0, %dma_wait3A_333, %dma_wait3A_334] : memref<4096x100x100xf32, #tpu.memory_space<hbm>> -> memref<1x100x100xf32, #tpu.memory_space<hbm>>
      %dma_wait3A_336 = tpu.memref_squeeze %dma_wait3A_335 : memref<1x100x100xf32, #tpu.memory_space<hbm>> -> memref<100x100xf32, #tpu.memory_space<hbm>>
      %dma_wait3A_337 = arith.constant 0 : i32
      %dma_wait3A_338 = arith.constant 0 : i32
      %dma_wait3A_339 = tpu.memref_slice %arg4[%mul3A_0, %dma_wait3A_337, %dma_wait3A_338] : memref<4096x100x100xf32, #tpu.memory_space<hbm>> -> memref<1x100x100xf32, #tpu.memory_space<hbm>>
      %dma_wait3A_340 = tpu.memref_squeeze %dma_wait3A_339 : memref<1x100x100xf32, #tpu.memory_space<hbm>> -> memref<100x100xf32, #tpu.memory_space<hbm>>
      %dma_wait3A_341 = arith.constant 0 : i32
      %dma_wait3A_342 = arith.constant 0 : i32
      %dma_wait3A_343 = tpu.memref_slice %arg6[%dma_wait3A, %dma_wait3A_341, %dma_wait3A_342] : memref<8x100x100xf32, #tpu.memory_space<vmem>> -> memref<1x100x100xf32, #tpu.memory_space<vmem>>
      %dma_wait3A_344 = tpu.memref_squeeze %dma_wait3A_343 : memref<1x100x100xf32, #tpu.memory_space<vmem>> -> memref<100x100xf32, #tpu.memory_space<vmem>>
      tpu.wait_dma2 semaphore(%arg7 : memref<!tpu.dma_semaphore, #tpu.memory_space<semaphore_mem>>) src(%dma_wait3A_344 : memref<100x100xf32, #tpu.memory_space<vmem>>) dst(%dma_wait3A_340 : memref<100x100xf32, #tpu.memory_space<hbm>>)
    } else {
    }
    %gt3A_59 = arith.constant 10 : i32
    %gt3A_60 = arith.cmpi sgt, %scan3A_10#0, %gt3A_59 : i32
    %convert_element_type3A_61 = arith.extui %gt3A_60 : i1 to i32
    %cond3A_62 = arith.constant 0 : i32
    %cond3A_63 = arith.cmpi ne, %convert_element_type3A_61, %cond3A_62 : i32
    scf.if %cond3A_63 {
      %dma_wait3A = arith.constant 0 : i32
      %dma_wait3A_329 = arith.constant 0 : i32
      %dma_wait3A_330 = arith.constant 0 : i32
      %dma_wait3A_331 = tpu.memref_slice %arg6[%dma_wait3A, %dma_wait3A_329, %dma_wait3A_330] : memref<8x100x100xf32, #tpu.memory_space<vmem>> -> memref<1x100x100xf32, #tpu.memory_space<vmem>>
      %dma_wait3A_332 = tpu.memref_squeeze %dma_wait3A_331 : memref<1x100x100xf32, #tpu.memory_space<vmem>> -> memref<100x100xf32, #tpu.memory_space<vmem>>
      %dma_wait3A_333 = arith.constant 0 : i32
      %dma_wait3A_334 = arith.constant 0 : i32
      %dma_wait3A_335 = tpu.memref_slice %arg4[%mul3A_0, %dma_wait3A_333, %dma_wait3A_334] : memref<4096x100x100xf32, #tpu.memory_space<hbm>> -> memref<1x100x100xf32, #tpu.memory_space<hbm>>
      %dma_wait3A_336 = tpu.memref_squeeze %dma_wait3A_335 : memref<1x100x100xf32, #tpu.memory_space<hbm>> -> memref<100x100xf32, #tpu.memory_space<hbm>>
      %dma_wait3A_337 = arith.constant 0 : i32
      %dma_wait3A_338 = arith.constant 0 : i32
      %dma_wait3A_339 = tpu.memref_slice %arg4[%mul3A_0, %dma_wait3A_337, %dma_wait3A_338] : memref<4096x100x100xf32, #tpu.memory_space<hbm>> -> memref<1x100x100xf32, #tpu.memory_space<hbm>>
      %dma_wait3A_340 = tpu.memref_squeeze %dma_wait3A_339 : memref<1x100x100xf32, #tpu.memory_space<hbm>> -> memref<100x100xf32, #tpu.memory_space<hbm>>
      %dma_wait3A_341 = arith.constant 0 : i32
      %dma_wait3A_342 = arith.constant 0 : i32
      %dma_wait3A_343 = tpu.memref_slice %arg6[%dma_wait3A, %dma_wait3A_341, %dma_wait3A_342] : memref<8x100x100xf32, #tpu.memory_space<vmem>> -> memref<1x100x100xf32, #tpu.memory_space<vmem>>
      %dma_wait3A_344 = tpu.memref_squeeze %dma_wait3A_343 : memref<1x100x100xf32, #tpu.memory_space<vmem>> -> memref<100x100xf32, #tpu.memory_space<vmem>>
      tpu.wait_dma2 semaphore(%arg7 : memref<!tpu.dma_semaphore, #tpu.memory_space<semaphore_mem>>) src(%dma_wait3A_344 : memref<100x100xf32, #tpu.memory_space<vmem>>) dst(%dma_wait3A_340 : memref<100x100xf32, #tpu.memory_space<hbm>>)
    } else {
    }
    %gt3A_64 = arith.constant 11 : i32
    %gt3A_65 = arith.cmpi sgt, %scan3A_10#0, %gt3A_64 : i32
    %convert_element_type3A_66 = arith.extui %gt3A_65 : i1 to i32
    %cond3A_67 = arith.constant 0 : i32
    %cond3A_68 = arith.cmpi ne, %convert_element_type3A_66, %cond3A_67 : i32
    scf.if %cond3A_68 {
      %dma_wait3A = arith.constant 0 : i32
      %dma_wait3A_329 = arith.constant 0 : i32
      %dma_wait3A_330 = arith.constant 0 : i32
      %dma_wait3A_331 = tpu.memref_slice %arg6[%dma_wait3A, %dma_wait3A_329, %dma_wait3A_330] : memref<8x100x100xf32, #tpu.memory_space<vmem>> -> memref<1x100x100xf32, #tpu.memory_space<vmem>>
      %dma_wait3A_332 = tpu.memref_squeeze %dma_wait3A_331 : memref<1x100x100xf32, #tpu.memory_space<vmem>> -> memref<100x100xf32, #tpu.memory_space<vmem>>
      %dma_wait3A_333 = arith.constant 0 : i32
      %dma_wait3A_334 = arith.constant 0 : i32
      %dma_wait3A_335 = tpu.memref_slice %arg4[%mul3A_0, %dma_wait3A_333, %dma_wait3A_334] : memref<4096x100x100xf32, #tpu.memory_space<hbm>> -> memref<1x100x100xf32, #tpu.memory_space<hbm>>
      %dma_wait3A_336 = tpu.memref_squeeze %dma_wait3A_335 : memref<1x100x100xf32, #tpu.memory_space<hbm>> -> memref<100x100xf32, #tpu.memory_space<hbm>>
      %dma_wait3A_337 = arith.constant 0 : i32
      %dma_wait3A_338 = arith.constant 0 : i32
      %dma_wait3A_339 = tpu.memref_slice %arg4[%mul3A_0, %dma_wait3A_337, %dma_wait3A_338] : memref<4096x100x100xf32, #tpu.memory_space<hbm>> -> memref<1x100x100xf32, #tpu.memory_space<hbm>>
      %dma_wait3A_340 = tpu.memref_squeeze %dma_wait3A_339 : memref<1x100x100xf32, #tpu.memory_space<hbm>> -> memref<100x100xf32, #tpu.memory_space<hbm>>
      %dma_wait3A_341 = arith.constant 0 : i32
      %dma_wait3A_342 = arith.constant 0 : i32
      %dma_wait3A_343 = tpu.memref_slice %arg6[%dma_wait3A, %dma_wait3A_341, %dma_wait3A_342] : memref<8x100x100xf32, #tpu.memory_space<vmem>> -> memref<1x100x100xf32, #tpu.memory_space<vmem>>
      %dma_wait3A_344 = tpu.memref_squeeze %dma_wait3A_343 : memref<1x100x100xf32, #tpu.memory_space<vmem>> -> memref<100x100xf32, #tpu.memory_space<vmem>>
      tpu.wait_dma2 semaphore(%arg7 : memref<!tpu.dma_semaphore, #tpu.memory_space<semaphore_mem>>) src(%dma_wait3A_344 : memref<100x100xf32, #tpu.memory_space<vmem>>) dst(%dma_wait3A_340 : memref<100x100xf32, #tpu.memory_space<hbm>>)
    } else {
    }
    %gt3A_69 = arith.constant 12 : i32
    %gt3A_70 = arith.cmpi sgt, %scan3A_10#0, %gt3A_69 : i32
    %convert_element_type3A_71 = arith.extui %gt3A_70 : i1 to i32
    %cond3A_72 = arith.constant 0 : i32
    %cond3A_73 = arith.cmpi ne, %convert_element_type3A_71, %cond3A_72 : i32
    scf.if %cond3A_73 {
      %dma_wait3A = arith.constant 0 : i32
      %dma_wait3A_329 = arith.constant 0 : i32
      %dma_wait3A_330 = arith.constant 0 : i32
      %dma_wait3A_331 = tpu.memref_slice %arg6[%dma_wait3A, %dma_wait3A_329, %dma_wait3A_330] : memref<8x100x100xf32, #tpu.memory_space<vmem>> -> memref<1x100x100xf32, #tpu.memory_space<vmem>>
      %dma_wait3A_332 = tpu.memref_squeeze %dma_wait3A_331 : memref<1x100x100xf32, #tpu.memory_space<vmem>> -> memref<100x100xf32, #tpu.memory_space<vmem>>
      %dma_wait3A_333 = arith.constant 0 : i32
      %dma_wait3A_334 = arith.constant 0 : i32
      %dma_wait3A_335 = tpu.memref_slice %arg4[%mul3A_0, %dma_wait3A_333, %dma_wait3A_334] : memref<4096x100x100xf32, #tpu.memory_space<hbm>> -> memref<1x100x100xf32, #tpu.memory_space<hbm>>
      %dma_wait3A_336 = tpu.memref_squeeze %dma_wait3A_335 : memref<1x100x100xf32, #tpu.memory_space<hbm>> -> memref<100x100xf32, #tpu.memory_space<hbm>>
      %dma_wait3A_337 = arith.constant 0 : i32
      %dma_wait3A_338 = arith.constant 0 : i32
      %dma_wait3A_339 = tpu.memref_slice %arg4[%mul3A_0, %dma_wait3A_337, %dma_wait3A_338] : memref<4096x100x100xf32, #tpu.memory_space<hbm>> -> memref<1x100x100xf32, #tpu.memory_space<hbm>>
      %dma_wait3A_340 = tpu.memref_squeeze %dma_wait3A_339 : memref<1x100x100xf32, #tpu.memory_space<hbm>> -> memref<100x100xf32, #tpu.memory_space<hbm>>
      %dma_wait3A_341 = arith.constant 0 : i32
      %dma_wait3A_342 = arith.constant 0 : i32
      %dma_wait3A_343 = tpu.memref_slice %arg6[%dma_wait3A, %dma_wait3A_341, %dma_wait3A_342] : memref<8x100x100xf32, #tpu.memory_space<vmem>> -> memref<1x100x100xf32, #tpu.memory_space<vmem>>
      %dma_wait3A_344 = tpu.memref_squeeze %dma_wait3A_343 : memref<1x100x100xf32, #tpu.memory_space<vmem>> -> memref<100x100xf32, #tpu.memory_space<vmem>>
      tpu.wait_dma2 semaphore(%arg7 : memref<!tpu.dma_semaphore, #tpu.memory_space<semaphore_mem>>) src(%dma_wait3A_344 : memref<100x100xf32, #tpu.memory_space<vmem>>) dst(%dma_wait3A_340 : memref<100x100xf32, #tpu.memory_space<hbm>>)
    } else {
    }
    %gt3A_74 = arith.constant 13 : i32
    %gt3A_75 = arith.cmpi sgt, %scan3A_10#0, %gt3A_74 : i32
    %convert_element_type3A_76 = arith.extui %gt3A_75 : i1 to i32
    %cond3A_77 = arith.constant 0 : i32
    %cond3A_78 = arith.cmpi ne, %convert_element_type3A_76, %cond3A_77 : i32
    scf.if %cond3A_78 {
      %dma_wait3A = arith.constant 0 : i32
      %dma_wait3A_329 = arith.constant 0 : i32
      %dma_wait3A_330 = arith.constant 0 : i32
      %dma_wait3A_331 = tpu.memref_slice %arg6[%dma_wait3A, %dma_wait3A_329, %dma_wait3A_330] : memref<8x100x100xf32, #tpu.memory_space<vmem>> -> memref<1x100x100xf32, #tpu.memory_space<vmem>>
      %dma_wait3A_332 = tpu.memref_squeeze %dma_wait3A_331 : memref<1x100x100xf32, #tpu.memory_space<vmem>> -> memref<100x100xf32, #tpu.memory_space<vmem>>
      %dma_wait3A_333 = arith.constant 0 : i32
      %dma_wait3A_334 = arith.constant 0 : i32
      %dma_wait3A_335 = tpu.memref_slice %arg4[%mul3A_0, %dma_wait3A_333, %dma_wait3A_334] : memref<4096x100x100xf32, #tpu.memory_space<hbm>> -> memref<1x100x100xf32, #tpu.memory_space<hbm>>
      %dma_wait3A_336 = tpu.memref_squeeze %dma_wait3A_335 : memref<1x100x100xf32, #tpu.memory_space<hbm>> -> memref<100x100xf32, #tpu.memory_space<hbm>>
      %dma_wait3A_337 = arith.constant 0 : i32
      %dma_wait3A_338 = arith.constant 0 : i32
      %dma_wait3A_339 = tpu.memref_slice %arg4[%mul3A_0, %dma_wait3A_337, %dma_wait3A_338] : memref<4096x100x100xf32, #tpu.memory_space<hbm>> -> memref<1x100x100xf32, #tpu.memory_space<hbm>>
      %dma_wait3A_340 = tpu.memref_squeeze %dma_wait3A_339 : memref<1x100x100xf32, #tpu.memory_space<hbm>> -> memref<100x100xf32, #tpu.memory_space<hbm>>
      %dma_wait3A_341 = arith.constant 0 : i32
      %dma_wait3A_342 = arith.constant 0 : i32
      %dma_wait3A_343 = tpu.memref_slice %arg6[%dma_wait3A, %dma_wait3A_341, %dma_wait3A_342] : memref<8x100x100xf32, #tpu.memory_space<vmem>> -> memref<1x100x100xf32, #tpu.memory_space<vmem>>
      %dma_wait3A_344 = tpu.memref_squeeze %dma_wait3A_343 : memref<1x100x100xf32, #tpu.memory_space<vmem>> -> memref<100x100xf32, #tpu.memory_space<vmem>>
      tpu.wait_dma2 semaphore(%arg7 : memref<!tpu.dma_semaphore, #tpu.memory_space<semaphore_mem>>) src(%dma_wait3A_344 : memref<100x100xf32, #tpu.memory_space<vmem>>) dst(%dma_wait3A_340 : memref<100x100xf32, #tpu.memory_space<hbm>>)
    } else {
    }
    %gt3A_79 = arith.constant 14 : i32
    %gt3A_80 = arith.cmpi sgt, %scan3A_10#0, %gt3A_79 : i32
    %convert_element_type3A_81 = arith.extui %gt3A_80 : i1 to i32
    %cond3A_82 = arith.constant 0 : i32
    %cond3A_83 = arith.cmpi ne, %convert_element_type3A_81, %cond3A_82 : i32
    scf.if %cond3A_83 {
      %dma_wait3A = arith.constant 0 : i32
      %dma_wait3A_329 = arith.constant 0 : i32
      %dma_wait3A_330 = arith.constant 0 : i32
      %dma_wait3A_331 = tpu.memref_slice %arg6[%dma_wait3A, %dma_wait3A_329, %dma_wait3A_330] : memref<8x100x100xf32, #tpu.memory_space<vmem>> -> memref<1x100x100xf32, #tpu.memory_space<vmem>>
      %dma_wait3A_332 = tpu.memref_squeeze %dma_wait3A_331 : memref<1x100x100xf32, #tpu.memory_space<vmem>> -> memref<100x100xf32, #tpu.memory_space<vmem>>
      %dma_wait3A_333 = arith.constant 0 : i32
      %dma_wait3A_334 = arith.constant 0 : i32
      %dma_wait3A_335 = tpu.memref_slice %arg4[%mul3A_0, %dma_wait3A_333, %dma_wait3A_334] : memref<4096x100x100xf32, #tpu.memory_space<hbm>> -> memref<1x100x100xf32, #tpu.memory_space<hbm>>
      %dma_wait3A_336 = tpu.memref_squeeze %dma_wait3A_335 : memref<1x100x100xf32, #tpu.memory_space<hbm>> -> memref<100x100xf32, #tpu.memory_space<hbm>>
      %dma_wait3A_337 = arith.constant 0 : i32
      %dma_wait3A_338 = arith.constant 0 : i32
      %dma_wait3A_339 = tpu.memref_slice %arg4[%mul3A_0, %dma_wait3A_337, %dma_wait3A_338] : memref<4096x100x100xf32, #tpu.memory_space<hbm>> -> memref<1x100x100xf32, #tpu.memory_space<hbm>>
      %dma_wait3A_340 = tpu.memref_squeeze %dma_wait3A_339 : memref<1x100x100xf32, #tpu.memory_space<hbm>> -> memref<100x100xf32, #tpu.memory_space<hbm>>
      %dma_wait3A_341 = arith.constant 0 : i32
      %dma_wait3A_342 = arith.constant 0 : i32
      %dma_wait3A_343 = tpu.memref_slice %arg6[%dma_wait3A, %dma_wait3A_341, %dma_wait3A_342] : memref<8x100x100xf32, #tpu.memory_space<vmem>> -> memref<1x100x100xf32, #tpu.memory_space<vmem>>
      %dma_wait3A_344 = tpu.memref_squeeze %dma_wait3A_343 : memref<1x100x100xf32, #tpu.memory_space<vmem>> -> memref<100x100xf32, #tpu.memory_space<vmem>>
      tpu.wait_dma2 semaphore(%arg7 : memref<!tpu.dma_semaphore, #tpu.memory_space<semaphore_mem>>) src(%dma_wait3A_344 : memref<100x100xf32, #tpu.memory_space<vmem>>) dst(%dma_wait3A_340 : memref<100x100xf32, #tpu.memory_space<hbm>>)
    } else {
    }
    %gt3A_84 = arith.constant 15 : i32
    %gt3A_85 = arith.cmpi sgt, %scan3A_10#0, %gt3A_84 : i32
    %convert_element_type3A_86 = arith.extui %gt3A_85 : i1 to i32
    %cond3A_87 = arith.constant 0 : i32
    %cond3A_88 = arith.cmpi ne, %convert_element_type3A_86, %cond3A_87 : i32
    scf.if %cond3A_88 {
      %dma_wait3A = arith.constant 0 : i32
      %dma_wait3A_329 = arith.constant 0 : i32
      %dma_wait3A_330 = arith.constant 0 : i32
      %dma_wait3A_331 = tpu.memref_slice %arg6[%dma_wait3A, %dma_wait3A_329, %dma_wait3A_330] : memref<8x100x100xf32, #tpu.memory_space<vmem>> -> memref<1x100x100xf32, #tpu.memory_space<vmem>>
      %dma_wait3A_332 = tpu.memref_squeeze %dma_wait3A_331 : memref<1x100x100xf32, #tpu.memory_space<vmem>> -> memref<100x100xf32, #tpu.memory_space<vmem>>
      %dma_wait3A_333 = arith.constant 0 : i32
      %dma_wait3A_334 = arith.constant 0 : i32
      %dma_wait3A_335 = tpu.memref_slice %arg4[%mul3A_0, %dma_wait3A_333, %dma_wait3A_334] : memref<4096x100x100xf32, #tpu.memory_space<hbm>> -> memref<1x100x100xf32, #tpu.memory_space<hbm>>
      %dma_wait3A_336 = tpu.memref_squeeze %dma_wait3A_335 : memref<1x100x100xf32, #tpu.memory_space<hbm>> -> memref<100x100xf32, #tpu.memory_space<hbm>>
      %dma_wait3A_337 = arith.constant 0 : i32
      %dma_wait3A_338 = arith.constant 0 : i32
      %dma_wait3A_339 = tpu.memref_slice %arg4[%mul3A_0, %dma_wait3A_337, %dma_wait3A_338] : memref<4096x100x100xf32, #tpu.memory_space<hbm>> -> memref<1x100x100xf32, #tpu.memory_space<hbm>>
      %dma_wait3A_340 = tpu.memref_squeeze %dma_wait3A_339 : memref<1x100x100xf32, #tpu.memory_space<hbm>> -> memref<100x100xf32, #tpu.memory_space<hbm>>
      %dma_wait3A_341 = arith.constant 0 : i32
      %dma_wait3A_342 = arith.constant 0 : i32
      %dma_wait3A_343 = tpu.memref_slice %arg6[%dma_wait3A, %dma_wait3A_341, %dma_wait3A_342] : memref<8x100x100xf32, #tpu.memory_space<vmem>> -> memref<1x100x100xf32, #tpu.memory_space<vmem>>
      %dma_wait3A_344 = tpu.memref_squeeze %dma_wait3A_343 : memref<1x100x100xf32, #tpu.memory_space<vmem>> -> memref<100x100xf32, #tpu.memory_space<vmem>>
      tpu.wait_dma2 semaphore(%arg7 : memref<!tpu.dma_semaphore, #tpu.memory_space<semaphore_mem>>) src(%dma_wait3A_344 : memref<100x100xf32, #tpu.memory_space<vmem>>) dst(%dma_wait3A_340 : memref<100x100xf32, #tpu.memory_space<hbm>>)
    } else {
    }
    %gt3A_89 = arith.constant 0 : i32
    %gt3A_90 = arith.cmpi sgt, %scan3A_10#1, %gt3A_89 : i32
    %convert_element_type3A_91 = arith.extui %gt3A_90 : i1 to i32
    %cond3A_92 = arith.constant 0 : i32
    %cond3A_93 = arith.cmpi ne, %convert_element_type3A_91, %cond3A_92 : i32
    scf.if %cond3A_93 {
      %dma_wait3A = arith.constant 0 : i32
      %dma_wait3A_329 = arith.constant 0 : i32
      %dma_wait3A_330 = arith.constant 0 : i32
      %dma_wait3A_331 = tpu.memref_slice %arg6[%dma_wait3A, %dma_wait3A_329, %dma_wait3A_330] : memref<8x100x100xf32, #tpu.memory_space<vmem>> -> memref<1x100x100xf32, #tpu.memory_space<vmem>>
      %dma_wait3A_332 = tpu.memref_squeeze %dma_wait3A_331 : memref<1x100x100xf32, #tpu.memory_space<vmem>> -> memref<100x100xf32, #tpu.memory_space<vmem>>
      %dma_wait3A_333 = arith.constant 0 : i32
      %dma_wait3A_334 = arith.constant 0 : i32
      %dma_wait3A_335 = tpu.memref_slice %arg4[%mul3A_0, %dma_wait3A_333, %dma_wait3A_334] : memref<4096x100x100xf32, #tpu.memory_space<hbm>> -> memref<1x100x100xf32, #tpu.memory_space<hbm>>
      %dma_wait3A_336 = tpu.memref_squeeze %dma_wait3A_335 : memref<1x100x100xf32, #tpu.memory_space<hbm>> -> memref<100x100xf32, #tpu.memory_space<hbm>>
      %dma_wait3A_337 = arith.constant 0 : i32
      %dma_wait3A_338 = arith.constant 0 : i32
      %dma_wait3A_339 = tpu.memref_slice %arg4[%mul3A_0, %dma_wait3A_337, %dma_wait3A_338] : memref<4096x100x100xf32, #tpu.memory_space<hbm>> -> memref<1x100x100xf32, #tpu.memory_space<hbm>>
      %dma_wait3A_340 = tpu.memref_squeeze %dma_wait3A_339 : memref<1x100x100xf32, #tpu.memory_space<hbm>> -> memref<100x100xf32, #tpu.memory_space<hbm>>
      %dma_wait3A_341 = arith.constant 0 : i32
      %dma_wait3A_342 = arith.constant 0 : i32
      %dma_wait3A_343 = tpu.memref_slice %arg6[%dma_wait3A, %dma_wait3A_341, %dma_wait3A_342] : memref<8x100x100xf32, #tpu.memory_space<vmem>> -> memref<1x100x100xf32, #tpu.memory_space<vmem>>
      %dma_wait3A_344 = tpu.memref_squeeze %dma_wait3A_343 : memref<1x100x100xf32, #tpu.memory_space<vmem>> -> memref<100x100xf32, #tpu.memory_space<vmem>>
      tpu.wait_dma2 semaphore(%arg7 : memref<!tpu.dma_semaphore, #tpu.memory_space<semaphore_mem>>) src(%dma_wait3A_344 : memref<100x100xf32, #tpu.memory_space<vmem>>) dst(%dma_wait3A_340 : memref<100x100xf32, #tpu.memory_space<hbm>>)
    } else {
    }
    %gt3A_94 = arith.constant 1 : i32
    %gt3A_95 = arith.cmpi sgt, %scan3A_10#1, %gt3A_94 : i32
    %convert_element_type3A_96 = arith.extui %gt3A_95 : i1 to i32
    %cond3A_97 = arith.constant 0 : i32
    %cond3A_98 = arith.cmpi ne, %convert_element_type3A_96, %cond3A_97 : i32
    scf.if %cond3A_98 {
      %dma_wait3A = arith.constant 0 : i32
      %dma_wait3A_329 = arith.constant 0 : i32
      %dma_wait3A_330 = arith.constant 0 : i32
      %dma_wait3A_331 = tpu.memref_slice %arg6[%dma_wait3A, %dma_wait3A_329, %dma_wait3A_330] : memref<8x100x100xf32, #tpu.memory_space<vmem>> -> memref<1x100x100xf32, #tpu.memory_space<vmem>>
      %dma_wait3A_332 = tpu.memref_squeeze %dma_wait3A_331 : memref<1x100x100xf32, #tpu.memory_space<vmem>> -> memref<100x100xf32, #tpu.memory_space<vmem>>
      %dma_wait3A_333 = arith.constant 0 : i32
      %dma_wait3A_334 = arith.constant 0 : i32
      %dma_wait3A_335 = tpu.memref_slice %arg4[%mul3A_0, %dma_wait3A_333, %dma_wait3A_334] : memref<4096x100x100xf32, #tpu.memory_space<hbm>> -> memref<1x100x100xf32, #tpu.memory_space<hbm>>
      %dma_wait3A_336 = tpu.memref_squeeze %dma_wait3A_335 : memref<1x100x100xf32, #tpu.memory_space<hbm>> -> memref<100x100xf32, #tpu.memory_space<hbm>>
      %dma_wait3A_337 = arith.constant 0 : i32
      %dma_wait3A_338 = arith.constant 0 : i32
      %dma_wait3A_339 = tpu.memref_slice %arg4[%mul3A_0, %dma_wait3A_337, %dma_wait3A_338] : memref<4096x100x100xf32, #tpu.memory_space<hbm>> -> memref<1x100x100xf32, #tpu.memory_space<hbm>>
      %dma_wait3A_340 = tpu.memref_squeeze %dma_wait3A_339 : memref<1x100x100xf32, #tpu.memory_space<hbm>> -> memref<100x100xf32, #tpu.memory_space<hbm>>
      %dma_wait3A_341 = arith.constant 0 : i32
      %dma_wait3A_342 = arith.constant 0 : i32
      %dma_wait3A_343 = tpu.memref_slice %arg6[%dma_wait3A, %dma_wait3A_341, %dma_wait3A_342] : memref<8x100x100xf32, #tpu.memory_space<vmem>> -> memref<1x100x100xf32, #tpu.memory_space<vmem>>
      %dma_wait3A_344 = tpu.memref_squeeze %dma_wait3A_343 : memref<1x100x100xf32, #tpu.memory_space<vmem>> -> memref<100x100xf32, #tpu.memory_space<vmem>>
      tpu.wait_dma2 semaphore(%arg7 : memref<!tpu.dma_semaphore, #tpu.memory_space<semaphore_mem>>) src(%dma_wait3A_344 : memref<100x100xf32, #tpu.memory_space<vmem>>) dst(%dma_wait3A_340 : memref<100x100xf32, #tpu.memory_space<hbm>>)
    } else {
    }
    %gt3A_99 = arith.constant 2 : i32
    %gt3A_100 = arith.cmpi sgt, %scan3A_10#1, %gt3A_99 : i32
    %convert_element_type3A_101 = arith.extui %gt3A_100 : i1 to i32
    %cond3A_102 = arith.constant 0 : i32
    %cond3A_103 = arith.cmpi ne, %convert_element_type3A_101, %cond3A_102 : i32
    scf.if %cond3A_103 {
      %dma_wait3A = arith.constant 0 : i32
      %dma_wait3A_329 = arith.constant 0 : i32
      %dma_wait3A_330 = arith.constant 0 : i32
      %dma_wait3A_331 = tpu.memref_slice %arg6[%dma_wait3A, %dma_wait3A_329, %dma_wait3A_330] : memref<8x100x100xf32, #tpu.memory_space<vmem>> -> memref<1x100x100xf32, #tpu.memory_space<vmem>>
      %dma_wait3A_332 = tpu.memref_squeeze %dma_wait3A_331 : memref<1x100x100xf32, #tpu.memory_space<vmem>> -> memref<100x100xf32, #tpu.memory_space<vmem>>
      %dma_wait3A_333 = arith.constant 0 : i32
      %dma_wait3A_334 = arith.constant 0 : i32
      %dma_wait3A_335 = tpu.memref_slice %arg4[%mul3A_0, %dma_wait3A_333, %dma_wait3A_334] : memref<4096x100x100xf32, #tpu.memory_space<hbm>> -> memref<1x100x100xf32, #tpu.memory_space<hbm>>
      %dma_wait3A_336 = tpu.memref_squeeze %dma_wait3A_335 : memref<1x100x100xf32, #tpu.memory_space<hbm>> -> memref<100x100xf32, #tpu.memory_space<hbm>>
      %dma_wait3A_337 = arith.constant 0 : i32
      %dma_wait3A_338 = arith.constant 0 : i32
      %dma_wait3A_339 = tpu.memref_slice %arg4[%mul3A_0, %dma_wait3A_337, %dma_wait3A_338] : memref<4096x100x100xf32, #tpu.memory_space<hbm>> -> memref<1x100x100xf32, #tpu.memory_space<hbm>>
      %dma_wait3A_340 = tpu.memref_squeeze %dma_wait3A_339 : memref<1x100x100xf32, #tpu.memory_space<hbm>> -> memref<100x100xf32, #tpu.memory_space<hbm>>
      %dma_wait3A_341 = arith.constant 0 : i32
      %dma_wait3A_342 = arith.constant 0 : i32
      %dma_wait3A_343 = tpu.memref_slice %arg6[%dma_wait3A, %dma_wait3A_341, %dma_wait3A_342] : memref<8x100x100xf32, #tpu.memory_space<vmem>> -> memref<1x100x100xf32, #tpu.memory_space<vmem>>
      %dma_wait3A_344 = tpu.memref_squeeze %dma_wait3A_343 : memref<1x100x100xf32, #tpu.memory_space<vmem>> -> memref<100x100xf32, #tpu.memory_space<vmem>>
      tpu.wait_dma2 semaphore(%arg7 : memref<!tpu.dma_semaphore, #tpu.memory_space<semaphore_mem>>) src(%dma_wait3A_344 : memref<100x100xf32, #tpu.memory_space<vmem>>) dst(%dma_wait3A_340 : memref<100x100xf32, #tpu.memory_space<hbm>>)
    } else {
    }
    %gt3A_104 = arith.constant 3 : i32
    %gt3A_105 = arith.cmpi sgt, %scan3A_10#1, %gt3A_104 : i32
    %convert_element_type3A_106 = arith.extui %gt3A_105 : i1 to i32
    %cond3A_107 = arith.constant 0 : i32
    %cond3A_108 = arith.cmpi ne, %convert_element_type3A_106, %cond3A_107 : i32
    scf.if %cond3A_108 {
      %dma_wait3A = arith.constant 0 : i32
      %dma_wait3A_329 = arith.constant 0 : i32
      %dma_wait3A_330 = arith.constant 0 : i32
      %dma_wait3A_331 = tpu.memref_slice %arg6[%dma_wait3A, %dma_wait3A_329, %dma_wait3A_330] : memref<8x100x100xf32, #tpu.memory_space<vmem>> -> memref<1x100x100xf32, #tpu.memory_space<vmem>>
      %dma_wait3A_332 = tpu.memref_squeeze %dma_wait3A_331 : memref<1x100x100xf32, #tpu.memory_space<vmem>> -> memref<100x100xf32, #tpu.memory_space<vmem>>
      %dma_wait3A_333 = arith.constant 0 : i32
      %dma_wait3A_334 = arith.constant 0 : i32
      %dma_wait3A_335 = tpu.memref_slice %arg4[%mul3A_0, %dma_wait3A_333, %dma_wait3A_334] : memref<4096x100x100xf32, #tpu.memory_space<hbm>> -> memref<1x100x100xf32, #tpu.memory_space<hbm>>
      %dma_wait3A_336 = tpu.memref_squeeze %dma_wait3A_335 : memref<1x100x100xf32, #tpu.memory_space<hbm>> -> memref<100x100xf32, #tpu.memory_space<hbm>>
      %dma_wait3A_337 = arith.constant 0 : i32
      %dma_wait3A_338 = arith.constant 0 : i32
      %dma_wait3A_339 = tpu.memref_slice %arg4[%mul3A_0, %dma_wait3A_337, %dma_wait3A_338] : memref<4096x100x100xf32, #tpu.memory_space<hbm>> -> memref<1x100x100xf32, #tpu.memory_space<hbm>>
      %dma_wait3A_340 = tpu.memref_squeeze %dma_wait3A_339 : memref<1x100x100xf32, #tpu.memory_space<hbm>> -> memref<100x100xf32, #tpu.memory_space<hbm>>
      %dma_wait3A_341 = arith.constant 0 : i32
      %dma_wait3A_342 = arith.constant 0 : i32
      %dma_wait3A_343 = tpu.memref_slice %arg6[%dma_wait3A, %dma_wait3A_341, %dma_wait3A_342] : memref<8x100x100xf32, #tpu.memory_space<vmem>> -> memref<1x100x100xf32, #tpu.memory_space<vmem>>
      %dma_wait3A_344 = tpu.memref_squeeze %dma_wait3A_343 : memref<1x100x100xf32, #tpu.memory_space<vmem>> -> memref<100x100xf32, #tpu.memory_space<vmem>>
      tpu.wait_dma2 semaphore(%arg7 : memref<!tpu.dma_semaphore, #tpu.memory_space<semaphore_mem>>) src(%dma_wait3A_344 : memref<100x100xf32, #tpu.memory_space<vmem>>) dst(%dma_wait3A_340 : memref<100x100xf32, #tpu.memory_space<hbm>>)
    } else {
    }
    %gt3A_109 = arith.constant 4 : i32
    %gt3A_110 = arith.cmpi sgt, %scan3A_10#1, %gt3A_109 : i32
    %convert_element_type3A_111 = arith.extui %gt3A_110 : i1 to i32
    %cond3A_112 = arith.constant 0 : i32
    %cond3A_113 = arith.cmpi ne, %convert_element_type3A_111, %cond3A_112 : i32
    scf.if %cond3A_113 {
      %dma_wait3A = arith.constant 0 : i32
      %dma_wait3A_329 = arith.constant 0 : i32
      %dma_wait3A_330 = arith.constant 0 : i32
      %dma_wait3A_331 = tpu.memref_slice %arg6[%dma_wait3A, %dma_wait3A_329, %dma_wait3A_330] : memref<8x100x100xf32, #tpu.memory_space<vmem>> -> memref<1x100x100xf32, #tpu.memory_space<vmem>>
      %dma_wait3A_332 = tpu.memref_squeeze %dma_wait3A_331 : memref<1x100x100xf32, #tpu.memory_space<vmem>> -> memref<100x100xf32, #tpu.memory_space<vmem>>
      %dma_wait3A_333 = arith.constant 0 : i32
      %dma_wait3A_334 = arith.constant 0 : i32
      %dma_wait3A_335 = tpu.memref_slice %arg4[%mul3A_0, %dma_wait3A_333, %dma_wait3A_334] : memref<4096x100x100xf32, #tpu.memory_space<hbm>> -> memref<1x100x100xf32, #tpu.memory_space<hbm>>
      %dma_wait3A_336 = tpu.memref_squeeze %dma_wait3A_335 : memref<1x100x100xf32, #tpu.memory_space<hbm>> -> memref<100x100xf32, #tpu.memory_space<hbm>>
      %dma_wait3A_337 = arith.constant 0 : i32
      %dma_wait3A_338 = arith.constant 0 : i32
      %dma_wait3A_339 = tpu.memref_slice %arg4[%mul3A_0, %dma_wait3A_337, %dma_wait3A_338] : memref<4096x100x100xf32, #tpu.memory_space<hbm>> -> memref<1x100x100xf32, #tpu.memory_space<hbm>>
      %dma_wait3A_340 = tpu.memref_squeeze %dma_wait3A_339 : memref<1x100x100xf32, #tpu.memory_space<hbm>> -> memref<100x100xf32, #tpu.memory_space<hbm>>
      %dma_wait3A_341 = arith.constant 0 : i32
      %dma_wait3A_342 = arith.constant 0 : i32
      %dma_wait3A_343 = tpu.memref_slice %arg6[%dma_wait3A, %dma_wait3A_341, %dma_wait3A_342] : memref<8x100x100xf32, #tpu.memory_space<vmem>> -> memref<1x100x100xf32, #tpu.memory_space<vmem>>
      %dma_wait3A_344 = tpu.memref_squeeze %dma_wait3A_343 : memref<1x100x100xf32, #tpu.memory_space<vmem>> -> memref<100x100xf32, #tpu.memory_space<vmem>>
      tpu.wait_dma2 semaphore(%arg7 : memref<!tpu.dma_semaphore, #tpu.memory_space<semaphore_mem>>) src(%dma_wait3A_344 : memref<100x100xf32, #tpu.memory_space<vmem>>) dst(%dma_wait3A_340 : memref<100x100xf32, #tpu.memory_space<hbm>>)
    } else {
    }
    %gt3A_114 = arith.constant 5 : i32
    %gt3A_115 = arith.cmpi sgt, %scan3A_10#1, %gt3A_114 : i32
    %convert_element_type3A_116 = arith.extui %gt3A_115 : i1 to i32
    %cond3A_117 = arith.constant 0 : i32
    %cond3A_118 = arith.cmpi ne, %convert_element_type3A_116, %cond3A_117 : i32
    scf.if %cond3A_118 {
      %dma_wait3A = arith.constant 0 : i32
      %dma_wait3A_329 = arith.constant 0 : i32
      %dma_wait3A_330 = arith.constant 0 : i32
      %dma_wait3A_331 = tpu.memref_slice %arg6[%dma_wait3A, %dma_wait3A_329, %dma_wait3A_330] : memref<8x100x100xf32, #tpu.memory_space<vmem>> -> memref<1x100x100xf32, #tpu.memory_space<vmem>>
      %dma_wait3A_332 = tpu.memref_squeeze %dma_wait3A_331 : memref<1x100x100xf32, #tpu.memory_space<vmem>> -> memref<100x100xf32, #tpu.memory_space<vmem>>
      %dma_wait3A_333 = arith.constant 0 : i32
      %dma_wait3A_334 = arith.constant 0 : i32
      %dma_wait3A_335 = tpu.memref_slice %arg4[%mul3A_0, %dma_wait3A_333, %dma_wait3A_334] : memref<4096x100x100xf32, #tpu.memory_space<hbm>> -> memref<1x100x100xf32, #tpu.memory_space<hbm>>
      %dma_wait3A_336 = tpu.memref_squeeze %dma_wait3A_335 : memref<1x100x100xf32, #tpu.memory_space<hbm>> -> memref<100x100xf32, #tpu.memory_space<hbm>>
      %dma_wait3A_337 = arith.constant 0 : i32
      %dma_wait3A_338 = arith.constant 0 : i32
      %dma_wait3A_339 = tpu.memref_slice %arg4[%mul3A_0, %dma_wait3A_337, %dma_wait3A_338] : memref<4096x100x100xf32, #tpu.memory_space<hbm>> -> memref<1x100x100xf32, #tpu.memory_space<hbm>>
      %dma_wait3A_340 = tpu.memref_squeeze %dma_wait3A_339 : memref<1x100x100xf32, #tpu.memory_space<hbm>> -> memref<100x100xf32, #tpu.memory_space<hbm>>
      %dma_wait3A_341 = arith.constant 0 : i32
      %dma_wait3A_342 = arith.constant 0 : i32
      %dma_wait3A_343 = tpu.memref_slice %arg6[%dma_wait3A, %dma_wait3A_341, %dma_wait3A_342] : memref<8x100x100xf32, #tpu.memory_space<vmem>> -> memref<1x100x100xf32, #tpu.memory_space<vmem>>
      %dma_wait3A_344 = tpu.memref_squeeze %dma_wait3A_343 : memref<1x100x100xf32, #tpu.memory_space<vmem>> -> memref<100x100xf32, #tpu.memory_space<vmem>>
      tpu.wait_dma2 semaphore(%arg7 : memref<!tpu.dma_semaphore, #tpu.memory_space<semaphore_mem>>) src(%dma_wait3A_344 : memref<100x100xf32, #tpu.memory_space<vmem>>) dst(%dma_wait3A_340 : memref<100x100xf32, #tpu.memory_space<hbm>>)
    } else {
    }
    %gt3A_119 = arith.constant 6 : i32
    %gt3A_120 = arith.cmpi sgt, %scan3A_10#1, %gt3A_119 : i32
    %convert_element_type3A_121 = arith.extui %gt3A_120 : i1 to i32
    %cond3A_122 = arith.constant 0 : i32
    %cond3A_123 = arith.cmpi ne, %convert_element_type3A_121, %cond3A_122 : i32
    scf.if %cond3A_123 {
      %dma_wait3A = arith.constant 0 : i32
      %dma_wait3A_329 = arith.constant 0 : i32
      %dma_wait3A_330 = arith.constant 0 : i32
      %dma_wait3A_331 = tpu.memref_slice %arg6[%dma_wait3A, %dma_wait3A_329, %dma_wait3A_330] : memref<8x100x100xf32, #tpu.memory_space<vmem>> -> memref<1x100x100xf32, #tpu.memory_space<vmem>>
      %dma_wait3A_332 = tpu.memref_squeeze %dma_wait3A_331 : memref<1x100x100xf32, #tpu.memory_space<vmem>> -> memref<100x100xf32, #tpu.memory_space<vmem>>
      %dma_wait3A_333 = arith.constant 0 : i32
      %dma_wait3A_334 = arith.constant 0 : i32
      %dma_wait3A_335 = tpu.memref_slice %arg4[%mul3A_0, %dma_wait3A_333, %dma_wait3A_334] : memref<4096x100x100xf32, #tpu.memory_space<hbm>> -> memref<1x100x100xf32, #tpu.memory_space<hbm>>
      %dma_wait3A_336 = tpu.memref_squeeze %dma_wait3A_335 : memref<1x100x100xf32, #tpu.memory_space<hbm>> -> memref<100x100xf32, #tpu.memory_space<hbm>>
      %dma_wait3A_337 = arith.constant 0 : i32
      %dma_wait3A_338 = arith.constant 0 : i32
      %dma_wait3A_339 = tpu.memref_slice %arg4[%mul3A_0, %dma_wait3A_337, %dma_wait3A_338] : memref<4096x100x100xf32, #tpu.memory_space<hbm>> -> memref<1x100x100xf32, #tpu.memory_space<hbm>>
      %dma_wait3A_340 = tpu.memref_squeeze %dma_wait3A_339 : memref<1x100x100xf32, #tpu.memory_space<hbm>> -> memref<100x100xf32, #tpu.memory_space<hbm>>
      %dma_wait3A_341 = arith.constant 0 : i32
      %dma_wait3A_342 = arith.constant 0 : i32
      %dma_wait3A_343 = tpu.memref_slice %arg6[%dma_wait3A, %dma_wait3A_341, %dma_wait3A_342] : memref<8x100x100xf32, #tpu.memory_space<vmem>> -> memref<1x100x100xf32, #tpu.memory_space<vmem>>
      %dma_wait3A_344 = tpu.memref_squeeze %dma_wait3A_343 : memref<1x100x100xf32, #tpu.memory_space<vmem>> -> memref<100x100xf32, #tpu.memory_space<vmem>>
      tpu.wait_dma2 semaphore(%arg7 : memref<!tpu.dma_semaphore, #tpu.memory_space<semaphore_mem>>) src(%dma_wait3A_344 : memref<100x100xf32, #tpu.memory_space<vmem>>) dst(%dma_wait3A_340 : memref<100x100xf32, #tpu.memory_space<hbm>>)
    } else {
    }
    %gt3A_124 = arith.constant 7 : i32
    %gt3A_125 = arith.cmpi sgt, %scan3A_10#1, %gt3A_124 : i32
    %convert_element_type3A_126 = arith.extui %gt3A_125 : i1 to i32
    %cond3A_127 = arith.constant 0 : i32
    %cond3A_128 = arith.cmpi ne, %convert_element_type3A_126, %cond3A_127 : i32
    scf.if %cond3A_128 {
      %dma_wait3A = arith.constant 0 : i32
      %dma_wait3A_329 = arith.constant 0 : i32
      %dma_wait3A_330 = arith.constant 0 : i32
      %dma_wait3A_331 = tpu.memref_slice %arg6[%dma_wait3A, %dma_wait3A_329, %dma_wait3A_330] : memref<8x100x100xf32, #tpu.memory_space<vmem>> -> memref<1x100x100xf32, #tpu.memory_space<vmem>>
      %dma_wait3A_332 = tpu.memref_squeeze %dma_wait3A_331 : memref<1x100x100xf32, #tpu.memory_space<vmem>> -> memref<100x100xf32, #tpu.memory_space<vmem>>
      %dma_wait3A_333 = arith.constant 0 : i32
      %dma_wait3A_334 = arith.constant 0 : i32
      %dma_wait3A_335 = tpu.memref_slice %arg4[%mul3A_0, %dma_wait3A_333, %dma_wait3A_334] : memref<4096x100x100xf32, #tpu.memory_space<hbm>> -> memref<1x100x100xf32, #tpu.memory_space<hbm>>
      %dma_wait3A_336 = tpu.memref_squeeze %dma_wait3A_335 : memref<1x100x100xf32, #tpu.memory_space<hbm>> -> memref<100x100xf32, #tpu.memory_space<hbm>>
      %dma_wait3A_337 = arith.constant 0 : i32
      %dma_wait3A_338 = arith.constant 0 : i32
      %dma_wait3A_339 = tpu.memref_slice %arg4[%mul3A_0, %dma_wait3A_337, %dma_wait3A_338] : memref<4096x100x100xf32, #tpu.memory_space<hbm>> -> memref<1x100x100xf32, #tpu.memory_space<hbm>>
      %dma_wait3A_340 = tpu.memref_squeeze %dma_wait3A_339 : memref<1x100x100xf32, #tpu.memory_space<hbm>> -> memref<100x100xf32, #tpu.memory_space<hbm>>
      %dma_wait3A_341 = arith.constant 0 : i32
      %dma_wait3A_342 = arith.constant 0 : i32
      %dma_wait3A_343 = tpu.memref_slice %arg6[%dma_wait3A, %dma_wait3A_341, %dma_wait3A_342] : memref<8x100x100xf32, #tpu.memory_space<vmem>> -> memref<1x100x100xf32, #tpu.memory_space<vmem>>
      %dma_wait3A_344 = tpu.memref_squeeze %dma_wait3A_343 : memref<1x100x100xf32, #tpu.memory_space<vmem>> -> memref<100x100xf32, #tpu.memory_space<vmem>>
      tpu.wait_dma2 semaphore(%arg7 : memref<!tpu.dma_semaphore, #tpu.memory_space<semaphore_mem>>) src(%dma_wait3A_344 : memref<100x100xf32, #tpu.memory_space<vmem>>) dst(%dma_wait3A_340 : memref<100x100xf32, #tpu.memory_space<hbm>>)
    } else {
    }
    %gt3A_129 = arith.constant 8 : i32
    %gt3A_130 = arith.cmpi sgt, %scan3A_10#1, %gt3A_129 : i32
    %convert_element_type3A_131 = arith.extui %gt3A_130 : i1 to i32
    %cond3A_132 = arith.constant 0 : i32
    %cond3A_133 = arith.cmpi ne, %convert_element_type3A_131, %cond3A_132 : i32
    scf.if %cond3A_133 {
      %dma_wait3A = arith.constant 0 : i32
      %dma_wait3A_329 = arith.constant 0 : i32
      %dma_wait3A_330 = arith.constant 0 : i32
      %dma_wait3A_331 = tpu.memref_slice %arg6[%dma_wait3A, %dma_wait3A_329, %dma_wait3A_330] : memref<8x100x100xf32, #tpu.memory_space<vmem>> -> memref<1x100x100xf32, #tpu.memory_space<vmem>>
      %dma_wait3A_332 = tpu.memref_squeeze %dma_wait3A_331 : memref<1x100x100xf32, #tpu.memory_space<vmem>> -> memref<100x100xf32, #tpu.memory_space<vmem>>
      %dma_wait3A_333 = arith.constant 0 : i32
      %dma_wait3A_334 = arith.constant 0 : i32
      %dma_wait3A_335 = tpu.memref_slice %arg4[%mul3A_0, %dma_wait3A_333, %dma_wait3A_334] : memref<4096x100x100xf32, #tpu.memory_space<hbm>> -> memref<1x100x100xf32, #tpu.memory_space<hbm>>
      %dma_wait3A_336 = tpu.memref_squeeze %dma_wait3A_335 : memref<1x100x100xf32, #tpu.memory_space<hbm>> -> memref<100x100xf32, #tpu.memory_space<hbm>>
      %dma_wait3A_337 = arith.constant 0 : i32
      %dma_wait3A_338 = arith.constant 0 : i32
      %dma_wait3A_339 = tpu.memref_slice %arg4[%mul3A_0, %dma_wait3A_337, %dma_wait3A_338] : memref<4096x100x100xf32, #tpu.memory_space<hbm>> -> memref<1x100x100xf32, #tpu.memory_space<hbm>>
      %dma_wait3A_340 = tpu.memref_squeeze %dma_wait3A_339 : memref<1x100x100xf32, #tpu.memory_space<hbm>> -> memref<100x100xf32, #tpu.memory_space<hbm>>
      %dma_wait3A_341 = arith.constant 0 : i32
      %dma_wait3A_342 = arith.constant 0 : i32
      %dma_wait3A_343 = tpu.memref_slice %arg6[%dma_wait3A, %dma_wait3A_341, %dma_wait3A_342] : memref<8x100x100xf32, #tpu.memory_space<vmem>> -> memref<1x100x100xf32, #tpu.memory_space<vmem>>
      %dma_wait3A_344 = tpu.memref_squeeze %dma_wait3A_343 : memref<1x100x100xf32, #tpu.memory_space<vmem>> -> memref<100x100xf32, #tpu.memory_space<vmem>>
      tpu.wait_dma2 semaphore(%arg7 : memref<!tpu.dma_semaphore, #tpu.memory_space<semaphore_mem>>) src(%dma_wait3A_344 : memref<100x100xf32, #tpu.memory_space<vmem>>) dst(%dma_wait3A_340 : memref<100x100xf32, #tpu.memory_space<hbm>>)
    } else {
    }
    %gt3A_134 = arith.constant 9 : i32
    %gt3A_135 = arith.cmpi sgt, %scan3A_10#1, %gt3A_134 : i32
    %convert_element_type3A_136 = arith.extui %gt3A_135 : i1 to i32
    %cond3A_137 = arith.constant 0 : i32
    %cond3A_138 = arith.cmpi ne, %convert_element_type3A_136, %cond3A_137 : i32
    scf.if %cond3A_138 {
      %dma_wait3A = arith.constant 0 : i32
      %dma_wait3A_329 = arith.constant 0 : i32
      %dma_wait3A_330 = arith.constant 0 : i32
      %dma_wait3A_331 = tpu.memref_slice %arg6[%dma_wait3A, %dma_wait3A_329, %dma_wait3A_330] : memref<8x100x100xf32, #tpu.memory_space<vmem>> -> memref<1x100x100xf32, #tpu.memory_space<vmem>>
      %dma_wait3A_332 = tpu.memref_squeeze %dma_wait3A_331 : memref<1x100x100xf32, #tpu.memory_space<vmem>> -> memref<100x100xf32, #tpu.memory_space<vmem>>
      %dma_wait3A_333 = arith.constant 0 : i32
      %dma_wait3A_334 = arith.constant 0 : i32
      %dma_wait3A_335 = tpu.memref_slice %arg4[%mul3A_0, %dma_wait3A_333, %dma_wait3A_334] : memref<4096x100x100xf32, #tpu.memory_space<hbm>> -> memref<1x100x100xf32, #tpu.memory_space<hbm>>
      %dma_wait3A_336 = tpu.memref_squeeze %dma_wait3A_335 : memref<1x100x100xf32, #tpu.memory_space<hbm>> -> memref<100x100xf32, #tpu.memory_space<hbm>>
      %dma_wait3A_337 = arith.constant 0 : i32
      %dma_wait3A_338 = arith.constant 0 : i32
      %dma_wait3A_339 = tpu.memref_slice %arg4[%mul3A_0, %dma_wait3A_337, %dma_wait3A_338] : memref<4096x100x100xf32, #tpu.memory_space<hbm>> -> memref<1x100x100xf32, #tpu.memory_space<hbm>>
      %dma_wait3A_340 = tpu.memref_squeeze %dma_wait3A_339 : memref<1x100x100xf32, #tpu.memory_space<hbm>> -> memref<100x100xf32, #tpu.memory_space<hbm>>
      %dma_wait3A_341 = arith.constant 0 : i32
      %dma_wait3A_342 = arith.constant 0 : i32
      %dma_wait3A_343 = tpu.memref_slice %arg6[%dma_wait3A, %dma_wait3A_341, %dma_wait3A_342] : memref<8x100x100xf32, #tpu.memory_space<vmem>> -> memref<1x100x100xf32, #tpu.memory_space<vmem>>
      %dma_wait3A_344 = tpu.memref_squeeze %dma_wait3A_343 : memref<1x100x100xf32, #tpu.memory_space<vmem>> -> memref<100x100xf32, #tpu.memory_space<vmem>>
      tpu.wait_dma2 semaphore(%arg7 : memref<!tpu.dma_semaphore, #tpu.memory_space<semaphore_mem>>) src(%dma_wait3A_344 : memref<100x100xf32, #tpu.memory_space<vmem>>) dst(%dma_wait3A_340 : memref<100x100xf32, #tpu.memory_space<hbm>>)
    } else {
    }
    %gt3A_139 = arith.constant 10 : i32
    %gt3A_140 = arith.cmpi sgt, %scan3A_10#1, %gt3A_139 : i32
    %convert_element_type3A_141 = arith.extui %gt3A_140 : i1 to i32
    %cond3A_142 = arith.constant 0 : i32
    %cond3A_143 = arith.cmpi ne, %convert_element_type3A_141, %cond3A_142 : i32
    scf.if %cond3A_143 {
      %dma_wait3A = arith.constant 0 : i32
      %dma_wait3A_329 = arith.constant 0 : i32
      %dma_wait3A_330 = arith.constant 0 : i32
      %dma_wait3A_331 = tpu.memref_slice %arg6[%dma_wait3A, %dma_wait3A_329, %dma_wait3A_330] : memref<8x100x100xf32, #tpu.memory_space<vmem>> -> memref<1x100x100xf32, #tpu.memory_space<vmem>>
      %dma_wait3A_332 = tpu.memref_squeeze %dma_wait3A_331 : memref<1x100x100xf32, #tpu.memory_space<vmem>> -> memref<100x100xf32, #tpu.memory_space<vmem>>
      %dma_wait3A_333 = arith.constant 0 : i32
      %dma_wait3A_334 = arith.constant 0 : i32
      %dma_wait3A_335 = tpu.memref_slice %arg4[%mul3A_0, %dma_wait3A_333, %dma_wait3A_334] : memref<4096x100x100xf32, #tpu.memory_space<hbm>> -> memref<1x100x100xf32, #tpu.memory_space<hbm>>
      %dma_wait3A_336 = tpu.memref_squeeze %dma_wait3A_335 : memref<1x100x100xf32, #tpu.memory_space<hbm>> -> memref<100x100xf32, #tpu.memory_space<hbm>>
      %dma_wait3A_337 = arith.constant 0 : i32
      %dma_wait3A_338 = arith.constant 0 : i32
      %dma_wait3A_339 = tpu.memref_slice %arg4[%mul3A_0, %dma_wait3A_337, %dma_wait3A_338] : memref<4096x100x100xf32, #tpu.memory_space<hbm>> -> memref<1x100x100xf32, #tpu.memory_space<hbm>>
      %dma_wait3A_340 = tpu.memref_squeeze %dma_wait3A_339 : memref<1x100x100xf32, #tpu.memory_space<hbm>> -> memref<100x100xf32, #tpu.memory_space<hbm>>
      %dma_wait3A_341 = arith.constant 0 : i32
      %dma_wait3A_342 = arith.constant 0 : i32
      %dma_wait3A_343 = tpu.memref_slice %arg6[%dma_wait3A, %dma_wait3A_341, %dma_wait3A_342] : memref<8x100x100xf32, #tpu.memory_space<vmem>> -> memref<1x100x100xf32, #tpu.memory_space<vmem>>
      %dma_wait3A_344 = tpu.memref_squeeze %dma_wait3A_343 : memref<1x100x100xf32, #tpu.memory_space<vmem>> -> memref<100x100xf32, #tpu.memory_space<vmem>>
      tpu.wait_dma2 semaphore(%arg7 : memref<!tpu.dma_semaphore, #tpu.memory_space<semaphore_mem>>) src(%dma_wait3A_344 : memref<100x100xf32, #tpu.memory_space<vmem>>) dst(%dma_wait3A_340 : memref<100x100xf32, #tpu.memory_space<hbm>>)
    } else {
    }
    %gt3A_144 = arith.constant 11 : i32
    %gt3A_145 = arith.cmpi sgt, %scan3A_10#1, %gt3A_144 : i32
    %convert_element_type3A_146 = arith.extui %gt3A_145 : i1 to i32
    %cond3A_147 = arith.constant 0 : i32
    %cond3A_148 = arith.cmpi ne, %convert_element_type3A_146, %cond3A_147 : i32
    scf.if %cond3A_148 {
      %dma_wait3A = arith.constant 0 : i32
      %dma_wait3A_329 = arith.constant 0 : i32
      %dma_wait3A_330 = arith.constant 0 : i32
      %dma_wait3A_331 = tpu.memref_slice %arg6[%dma_wait3A, %dma_wait3A_329, %dma_wait3A_330] : memref<8x100x100xf32, #tpu.memory_space<vmem>> -> memref<1x100x100xf32, #tpu.memory_space<vmem>>
      %dma_wait3A_332 = tpu.memref_squeeze %dma_wait3A_331 : memref<1x100x100xf32, #tpu.memory_space<vmem>> -> memref<100x100xf32, #tpu.memory_space<vmem>>
      %dma_wait3A_333 = arith.constant 0 : i32
      %dma_wait3A_334 = arith.constant 0 : i32
      %dma_wait3A_335 = tpu.memref_slice %arg4[%mul3A_0, %dma_wait3A_333, %dma_wait3A_334] : memref<4096x100x100xf32, #tpu.memory_space<hbm>> -> memref<1x100x100xf32, #tpu.memory_space<hbm>>
      %dma_wait3A_336 = tpu.memref_squeeze %dma_wait3A_335 : memref<1x100x100xf32, #tpu.memory_space<hbm>> -> memref<100x100xf32, #tpu.memory_space<hbm>>
      %dma_wait3A_337 = arith.constant 0 : i32
      %dma_wait3A_338 = arith.constant 0 : i32
      %dma_wait3A_339 = tpu.memref_slice %arg4[%mul3A_0, %dma_wait3A_337, %dma_wait3A_338] : memref<4096x100x100xf32, #tpu.memory_space<hbm>> -> memref<1x100x100xf32, #tpu.memory_space<hbm>>
      %dma_wait3A_340 = tpu.memref_squeeze %dma_wait3A_339 : memref<1x100x100xf32, #tpu.memory_space<hbm>> -> memref<100x100xf32, #tpu.memory_space<hbm>>
      %dma_wait3A_341 = arith.constant 0 : i32
      %dma_wait3A_342 = arith.constant 0 : i32
      %dma_wait3A_343 = tpu.memref_slice %arg6[%dma_wait3A, %dma_wait3A_341, %dma_wait3A_342] : memref<8x100x100xf32, #tpu.memory_space<vmem>> -> memref<1x100x100xf32, #tpu.memory_space<vmem>>
      %dma_wait3A_344 = tpu.memref_squeeze %dma_wait3A_343 : memref<1x100x100xf32, #tpu.memory_space<vmem>> -> memref<100x100xf32, #tpu.memory_space<vmem>>
      tpu.wait_dma2 semaphore(%arg7 : memref<!tpu.dma_semaphore, #tpu.memory_space<semaphore_mem>>) src(%dma_wait3A_344 : memref<100x100xf32, #tpu.memory_space<vmem>>) dst(%dma_wait3A_340 : memref<100x100xf32, #tpu.memory_space<hbm>>)
    } else {
    }
    %gt3A_149 = arith.constant 12 : i32
    %gt3A_150 = arith.cmpi sgt, %scan3A_10#1, %gt3A_149 : i32
    %convert_element_type3A_151 = arith.extui %gt3A_150 : i1 to i32
    %cond3A_152 = arith.constant 0 : i32
    %cond3A_153 = arith.cmpi ne, %convert_element_type3A_151, %cond3A_152 : i32
    scf.if %cond3A_153 {
      %dma_wait3A = arith.constant 0 : i32
      %dma_wait3A_329 = arith.constant 0 : i32
      %dma_wait3A_330 = arith.constant 0 : i32
      %dma_wait3A_331 = tpu.memref_slice %arg6[%dma_wait3A, %dma_wait3A_329, %dma_wait3A_330] : memref<8x100x100xf32, #tpu.memory_space<vmem>> -> memref<1x100x100xf32, #tpu.memory_space<vmem>>
      %dma_wait3A_332 = tpu.memref_squeeze %dma_wait3A_331 : memref<1x100x100xf32, #tpu.memory_space<vmem>> -> memref<100x100xf32, #tpu.memory_space<vmem>>
      %dma_wait3A_333 = arith.constant 0 : i32
      %dma_wait3A_334 = arith.constant 0 : i32
      %dma_wait3A_335 = tpu.memref_slice %arg4[%mul3A_0, %dma_wait3A_333, %dma_wait3A_334] : memref<4096x100x100xf32, #tpu.memory_space<hbm>> -> memref<1x100x100xf32, #tpu.memory_space<hbm>>
      %dma_wait3A_336 = tpu.memref_squeeze %dma_wait3A_335 : memref<1x100x100xf32, #tpu.memory_space<hbm>> -> memref<100x100xf32, #tpu.memory_space<hbm>>
      %dma_wait3A_337 = arith.constant 0 : i32
      %dma_wait3A_338 = arith.constant 0 : i32
      %dma_wait3A_339 = tpu.memref_slice %arg4[%mul3A_0, %dma_wait3A_337, %dma_wait3A_338] : memref<4096x100x100xf32, #tpu.memory_space<hbm>> -> memref<1x100x100xf32, #tpu.memory_space<hbm>>
      %dma_wait3A_340 = tpu.memref_squeeze %dma_wait3A_339 : memref<1x100x100xf32, #tpu.memory_space<hbm>> -> memref<100x100xf32, #tpu.memory_space<hbm>>
      %dma_wait3A_341 = arith.constant 0 : i32
      %dma_wait3A_342 = arith.constant 0 : i32
      %dma_wait3A_343 = tpu.memref_slice %arg6[%dma_wait3A, %dma_wait3A_341, %dma_wait3A_342] : memref<8x100x100xf32, #tpu.memory_space<vmem>> -> memref<1x100x100xf32, #tpu.memory_space<vmem>>
      %dma_wait3A_344 = tpu.memref_squeeze %dma_wait3A_343 : memref<1x100x100xf32, #tpu.memory_space<vmem>> -> memref<100x100xf32, #tpu.memory_space<vmem>>
      tpu.wait_dma2 semaphore(%arg7 : memref<!tpu.dma_semaphore, #tpu.memory_space<semaphore_mem>>) src(%dma_wait3A_344 : memref<100x100xf32, #tpu.memory_space<vmem>>) dst(%dma_wait3A_340 : memref<100x100xf32, #tpu.memory_space<hbm>>)
    } else {
    }
    %gt3A_154 = arith.constant 13 : i32
    %gt3A_155 = arith.cmpi sgt, %scan3A_10#1, %gt3A_154 : i32
    %convert_element_type3A_156 = arith.extui %gt3A_155 : i1 to i32
    %cond3A_157 = arith.constant 0 : i32
    %cond3A_158 = arith.cmpi ne, %convert_element_type3A_156, %cond3A_157 : i32
    scf.if %cond3A_158 {
      %dma_wait3A = arith.constant 0 : i32
      %dma_wait3A_329 = arith.constant 0 : i32
      %dma_wait3A_330 = arith.constant 0 : i32
      %dma_wait3A_331 = tpu.memref_slice %arg6[%dma_wait3A, %dma_wait3A_329, %dma_wait3A_330] : memref<8x100x100xf32, #tpu.memory_space<vmem>> -> memref<1x100x100xf32, #tpu.memory_space<vmem>>
      %dma_wait3A_332 = tpu.memref_squeeze %dma_wait3A_331 : memref<1x100x100xf32, #tpu.memory_space<vmem>> -> memref<100x100xf32, #tpu.memory_space<vmem>>
      %dma_wait3A_333 = arith.constant 0 : i32
      %dma_wait3A_334 = arith.constant 0 : i32
      %dma_wait3A_335 = tpu.memref_slice %arg4[%mul3A_0, %dma_wait3A_333, %dma_wait3A_334] : memref<4096x100x100xf32, #tpu.memory_space<hbm>> -> memref<1x100x100xf32, #tpu.memory_space<hbm>>
      %dma_wait3A_336 = tpu.memref_squeeze %dma_wait3A_335 : memref<1x100x100xf32, #tpu.memory_space<hbm>> -> memref<100x100xf32, #tpu.memory_space<hbm>>
      %dma_wait3A_337 = arith.constant 0 : i32
      %dma_wait3A_338 = arith.constant 0 : i32
      %dma_wait3A_339 = tpu.memref_slice %arg4[%mul3A_0, %dma_wait3A_337, %dma_wait3A_338] : memref<4096x100x100xf32, #tpu.memory_space<hbm>> -> memref<1x100x100xf32, #tpu.memory_space<hbm>>
      %dma_wait3A_340 = tpu.memref_squeeze %dma_wait3A_339 : memref<1x100x100xf32, #tpu.memory_space<hbm>> -> memref<100x100xf32, #tpu.memory_space<hbm>>
      %dma_wait3A_341 = arith.constant 0 : i32
      %dma_wait3A_342 = arith.constant 0 : i32
      %dma_wait3A_343 = tpu.memref_slice %arg6[%dma_wait3A, %dma_wait3A_341, %dma_wait3A_342] : memref<8x100x100xf32, #tpu.memory_space<vmem>> -> memref<1x100x100xf32, #tpu.memory_space<vmem>>
      %dma_wait3A_344 = tpu.memref_squeeze %dma_wait3A_343 : memref<1x100x100xf32, #tpu.memory_space<vmem>> -> memref<100x100xf32, #tpu.memory_space<vmem>>
      tpu.wait_dma2 semaphore(%arg7 : memref<!tpu.dma_semaphore, #tpu.memory_space<semaphore_mem>>) src(%dma_wait3A_344 : memref<100x100xf32, #tpu.memory_space<vmem>>) dst(%dma_wait3A_340 : memref<100x100xf32, #tpu.memory_space<hbm>>)
    } else {
    }
    %gt3A_159 = arith.constant 14 : i32
    %gt3A_160 = arith.cmpi sgt, %scan3A_10#1, %gt3A_159 : i32
    %convert_element_type3A_161 = arith.extui %gt3A_160 : i1 to i32
    %cond3A_162 = arith.constant 0 : i32
    %cond3A_163 = arith.cmpi ne, %convert_element_type3A_161, %cond3A_162 : i32
    scf.if %cond3A_163 {
      %dma_wait3A = arith.constant 0 : i32
      %dma_wait3A_329 = arith.constant 0 : i32
      %dma_wait3A_330 = arith.constant 0 : i32
      %dma_wait3A_331 = tpu.memref_slice %arg6[%dma_wait3A, %dma_wait3A_329, %dma_wait3A_330] : memref<8x100x100xf32, #tpu.memory_space<vmem>> -> memref<1x100x100xf32, #tpu.memory_space<vmem>>
      %dma_wait3A_332 = tpu.memref_squeeze %dma_wait3A_331 : memref<1x100x100xf32, #tpu.memory_space<vmem>> -> memref<100x100xf32, #tpu.memory_space<vmem>>
      %dma_wait3A_333 = arith.constant 0 : i32
      %dma_wait3A_334 = arith.constant 0 : i32
      %dma_wait3A_335 = tpu.memref_slice %arg4[%mul3A_0, %dma_wait3A_333, %dma_wait3A_334] : memref<4096x100x100xf32, #tpu.memory_space<hbm>> -> memref<1x100x100xf32, #tpu.memory_space<hbm>>
      %dma_wait3A_336 = tpu.memref_squeeze %dma_wait3A_335 : memref<1x100x100xf32, #tpu.memory_space<hbm>> -> memref<100x100xf32, #tpu.memory_space<hbm>>
      %dma_wait3A_337 = arith.constant 0 : i32
      %dma_wait3A_338 = arith.constant 0 : i32
      %dma_wait3A_339 = tpu.memref_slice %arg4[%mul3A_0, %dma_wait3A_337, %dma_wait3A_338] : memref<4096x100x100xf32, #tpu.memory_space<hbm>> -> memref<1x100x100xf32, #tpu.memory_space<hbm>>
      %dma_wait3A_340 = tpu.memref_squeeze %dma_wait3A_339 : memref<1x100x100xf32, #tpu.memory_space<hbm>> -> memref<100x100xf32, #tpu.memory_space<hbm>>
      %dma_wait3A_341 = arith.constant 0 : i32
      %dma_wait3A_342 = arith.constant 0 : i32
      %dma_wait3A_343 = tpu.memref_slice %arg6[%dma_wait3A, %dma_wait3A_341, %dma_wait3A_342] : memref<8x100x100xf32, #tpu.memory_space<vmem>> -> memref<1x100x100xf32, #tpu.memory_space<vmem>>
      %dma_wait3A_344 = tpu.memref_squeeze %dma_wait3A_343 : memref<1x100x100xf32, #tpu.memory_space<vmem>> -> memref<100x100xf32, #tpu.memory_space<vmem>>
      tpu.wait_dma2 semaphore(%arg7 : memref<!tpu.dma_semaphore, #tpu.memory_space<semaphore_mem>>) src(%dma_wait3A_344 : memref<100x100xf32, #tpu.memory_space<vmem>>) dst(%dma_wait3A_340 : memref<100x100xf32, #tpu.memory_space<hbm>>)
    } else {
    }
    %gt3A_164 = arith.constant 15 : i32
    %gt3A_165 = arith.cmpi sgt, %scan3A_10#1, %gt3A_164 : i32
    %convert_element_type3A_166 = arith.extui %gt3A_165 : i1 to i32
    %cond3A_167 = arith.constant 0 : i32
    %cond3A_168 = arith.cmpi ne, %convert_element_type3A_166, %cond3A_167 : i32
    scf.if %cond3A_168 {
      %dma_wait3A = arith.constant 0 : i32
      %dma_wait3A_329 = arith.constant 0 : i32
      %dma_wait3A_330 = arith.constant 0 : i32
      %dma_wait3A_331 = tpu.memref_slice %arg6[%dma_wait3A, %dma_wait3A_329, %dma_wait3A_330] : memref<8x100x100xf32, #tpu.memory_space<vmem>> -> memref<1x100x100xf32, #tpu.memory_space<vmem>>
      %dma_wait3A_332 = tpu.memref_squeeze %dma_wait3A_331 : memref<1x100x100xf32, #tpu.memory_space<vmem>> -> memref<100x100xf32, #tpu.memory_space<vmem>>
      %dma_wait3A_333 = arith.constant 0 : i32
      %dma_wait3A_334 = arith.constant 0 : i32
      %dma_wait3A_335 = tpu.memref_slice %arg4[%mul3A_0, %dma_wait3A_333, %dma_wait3A_334] : memref<4096x100x100xf32, #tpu.memory_space<hbm>> -> memref<1x100x100xf32, #tpu.memory_space<hbm>>
      %dma_wait3A_336 = tpu.memref_squeeze %dma_wait3A_335 : memref<1x100x100xf32, #tpu.memory_space<hbm>> -> memref<100x100xf32, #tpu.memory_space<hbm>>
      %dma_wait3A_337 = arith.constant 0 : i32
      %dma_wait3A_338 = arith.constant 0 : i32
      %dma_wait3A_339 = tpu.memref_slice %arg4[%mul3A_0, %dma_wait3A_337, %dma_wait3A_338] : memref<4096x100x100xf32, #tpu.memory_space<hbm>> -> memref<1x100x100xf32, #tpu.memory_space<hbm>>
      %dma_wait3A_340 = tpu.memref_squeeze %dma_wait3A_339 : memref<1x100x100xf32, #tpu.memory_space<hbm>> -> memref<100x100xf32, #tpu.memory_space<hbm>>
      %dma_wait3A_341 = arith.constant 0 : i32
      %dma_wait3A_342 = arith.constant 0 : i32
      %dma_wait3A_343 = tpu.memref_slice %arg6[%dma_wait3A, %dma_wait3A_341, %dma_wait3A_342] : memref<8x100x100xf32, #tpu.memory_space<vmem>> -> memref<1x100x100xf32, #tpu.memory_space<vmem>>
      %dma_wait3A_344 = tpu.memref_squeeze %dma_wait3A_343 : memref<1x100x100xf32, #tpu.memory_space<vmem>> -> memref<100x100xf32, #tpu.memory_space<vmem>>
      tpu.wait_dma2 semaphore(%arg7 : memref<!tpu.dma_semaphore, #tpu.memory_space<semaphore_mem>>) src(%dma_wait3A_344 : memref<100x100xf32, #tpu.memory_space<vmem>>) dst(%dma_wait3A_340 : memref<100x100xf32, #tpu.memory_space<hbm>>)
    } else {
    }
    %gt3A_169 = arith.constant 0 : i32
    %gt3A_170 = arith.cmpi sgt, %scan3A_10#2, %gt3A_169 : i32
    %convert_element_type3A_171 = arith.extui %gt3A_170 : i1 to i32
    %cond3A_172 = arith.constant 0 : i32
    %cond3A_173 = arith.cmpi ne, %convert_element_type3A_171, %cond3A_172 : i32
    scf.if %cond3A_173 {
      %dma_wait3A = arith.constant 0 : i32
      %dma_wait3A_329 = arith.constant 0 : i32
      %dma_wait3A_330 = arith.constant 0 : i32
      %dma_wait3A_331 = tpu.memref_slice %arg6[%dma_wait3A, %dma_wait3A_329, %dma_wait3A_330] : memref<8x100x100xf32, #tpu.memory_space<vmem>> -> memref<1x100x100xf32, #tpu.memory_space<vmem>>
      %dma_wait3A_332 = tpu.memref_squeeze %dma_wait3A_331 : memref<1x100x100xf32, #tpu.memory_space<vmem>> -> memref<100x100xf32, #tpu.memory_space<vmem>>
      %dma_wait3A_333 = arith.constant 0 : i32
      %dma_wait3A_334 = arith.constant 0 : i32
      %dma_wait3A_335 = tpu.memref_slice %arg4[%mul3A_0, %dma_wait3A_333, %dma_wait3A_334] : memref<4096x100x100xf32, #tpu.memory_space<hbm>> -> memref<1x100x100xf32, #tpu.memory_space<hbm>>
      %dma_wait3A_336 = tpu.memref_squeeze %dma_wait3A_335 : memref<1x100x100xf32, #tpu.memory_space<hbm>> -> memref<100x100xf32, #tpu.memory_space<hbm>>
      %dma_wait3A_337 = arith.constant 0 : i32
      %dma_wait3A_338 = arith.constant 0 : i32
      %dma_wait3A_339 = tpu.memref_slice %arg4[%mul3A_0, %dma_wait3A_337, %dma_wait3A_338] : memref<4096x100x100xf32, #tpu.memory_space<hbm>> -> memref<1x100x100xf32, #tpu.memory_space<hbm>>
      %dma_wait3A_340 = tpu.memref_squeeze %dma_wait3A_339 : memref<1x100x100xf32, #tpu.memory_space<hbm>> -> memref<100x100xf32, #tpu.memory_space<hbm>>
      %dma_wait3A_341 = arith.constant 0 : i32
      %dma_wait3A_342 = arith.constant 0 : i32
      %dma_wait3A_343 = tpu.memref_slice %arg6[%dma_wait3A, %dma_wait3A_341, %dma_wait3A_342] : memref<8x100x100xf32, #tpu.memory_space<vmem>> -> memref<1x100x100xf32, #tpu.memory_space<vmem>>
      %dma_wait3A_344 = tpu.memref_squeeze %dma_wait3A_343 : memref<1x100x100xf32, #tpu.memory_space<vmem>> -> memref<100x100xf32, #tpu.memory_space<vmem>>
      tpu.wait_dma2 semaphore(%arg7 : memref<!tpu.dma_semaphore, #tpu.memory_space<semaphore_mem>>) src(%dma_wait3A_344 : memref<100x100xf32, #tpu.memory_space<vmem>>) dst(%dma_wait3A_340 : memref<100x100xf32, #tpu.memory_space<hbm>>)
    } else {
    }
    %gt3A_174 = arith.constant 1 : i32
    %gt3A_175 = arith.cmpi sgt, %scan3A_10#2, %gt3A_174 : i32
    %convert_element_type3A_176 = arith.extui %gt3A_175 : i1 to i32
    %cond3A_177 = arith.constant 0 : i32
    %cond3A_178 = arith.cmpi ne, %convert_element_type3A_176, %cond3A_177 : i32
    scf.if %cond3A_178 {
      %dma_wait3A = arith.constant 0 : i32
      %dma_wait3A_329 = arith.constant 0 : i32
      %dma_wait3A_330 = arith.constant 0 : i32
      %dma_wait3A_331 = tpu.memref_slice %arg6[%dma_wait3A, %dma_wait3A_329, %dma_wait3A_330] : memref<8x100x100xf32, #tpu.memory_space<vmem>> -> memref<1x100x100xf32, #tpu.memory_space<vmem>>
      %dma_wait3A_332 = tpu.memref_squeeze %dma_wait3A_331 : memref<1x100x100xf32, #tpu.memory_space<vmem>> -> memref<100x100xf32, #tpu.memory_space<vmem>>
      %dma_wait3A_333 = arith.constant 0 : i32
      %dma_wait3A_334 = arith.constant 0 : i32
      %dma_wait3A_335 = tpu.memref_slice %arg4[%mul3A_0, %dma_wait3A_333, %dma_wait3A_334] : memref<4096x100x100xf32, #tpu.memory_space<hbm>> -> memref<1x100x100xf32, #tpu.memory_space<hbm>>
      %dma_wait3A_336 = tpu.memref_squeeze %dma_wait3A_335 : memref<1x100x100xf32, #tpu.memory_space<hbm>> -> memref<100x100xf32, #tpu.memory_space<hbm>>
      %dma_wait3A_337 = arith.constant 0 : i32
      %dma_wait3A_338 = arith.constant 0 : i32
      %dma_wait3A_339 = tpu.memref_slice %arg4[%mul3A_0, %dma_wait3A_337, %dma_wait3A_338] : memref<4096x100x100xf32, #tpu.memory_space<hbm>> -> memref<1x100x100xf32, #tpu.memory_space<hbm>>
      %dma_wait3A_340 = tpu.memref_squeeze %dma_wait3A_339 : memref<1x100x100xf32, #tpu.memory_space<hbm>> -> memref<100x100xf32, #tpu.memory_space<hbm>>
      %dma_wait3A_341 = arith.constant 0 : i32
      %dma_wait3A_342 = arith.constant 0 : i32
      %dma_wait3A_343 = tpu.memref_slice %arg6[%dma_wait3A, %dma_wait3A_341, %dma_wait3A_342] : memref<8x100x100xf32, #tpu.memory_space<vmem>> -> memref<1x100x100xf32, #tpu.memory_space<vmem>>
      %dma_wait3A_344 = tpu.memref_squeeze %dma_wait3A_343 : memref<1x100x100xf32, #tpu.memory_space<vmem>> -> memref<100x100xf32, #tpu.memory_space<vmem>>
      tpu.wait_dma2 semaphore(%arg7 : memref<!tpu.dma_semaphore, #tpu.memory_space<semaphore_mem>>) src(%dma_wait3A_344 : memref<100x100xf32, #tpu.memory_space<vmem>>) dst(%dma_wait3A_340 : memref<100x100xf32, #tpu.memory_space<hbm>>)
    } else {
    }
    %gt3A_179 = arith.constant 2 : i32
    %gt3A_180 = arith.cmpi sgt, %scan3A_10#2, %gt3A_179 : i32
    %convert_element_type3A_181 = arith.extui %gt3A_180 : i1 to i32
    %cond3A_182 = arith.constant 0 : i32
    %cond3A_183 = arith.cmpi ne, %convert_element_type3A_181, %cond3A_182 : i32
    scf.if %cond3A_183 {
      %dma_wait3A = arith.constant 0 : i32
      %dma_wait3A_329 = arith.constant 0 : i32
      %dma_wait3A_330 = arith.constant 0 : i32
      %dma_wait3A_331 = tpu.memref_slice %arg6[%dma_wait3A, %dma_wait3A_329, %dma_wait3A_330] : memref<8x100x100xf32, #tpu.memory_space<vmem>> -> memref<1x100x100xf32, #tpu.memory_space<vmem>>
      %dma_wait3A_332 = tpu.memref_squeeze %dma_wait3A_331 : memref<1x100x100xf32, #tpu.memory_space<vmem>> -> memref<100x100xf32, #tpu.memory_space<vmem>>
      %dma_wait3A_333 = arith.constant 0 : i32
      %dma_wait3A_334 = arith.constant 0 : i32
      %dma_wait3A_335 = tpu.memref_slice %arg4[%mul3A_0, %dma_wait3A_333, %dma_wait3A_334] : memref<4096x100x100xf32, #tpu.memory_space<hbm>> -> memref<1x100x100xf32, #tpu.memory_space<hbm>>
      %dma_wait3A_336 = tpu.memref_squeeze %dma_wait3A_335 : memref<1x100x100xf32, #tpu.memory_space<hbm>> -> memref<100x100xf32, #tpu.memory_space<hbm>>
      %dma_wait3A_337 = arith.constant 0 : i32
      %dma_wait3A_338 = arith.constant 0 : i32
      %dma_wait3A_339 = tpu.memref_slice %arg4[%mul3A_0, %dma_wait3A_337, %dma_wait3A_338] : memref<4096x100x100xf32, #tpu.memory_space<hbm>> -> memref<1x100x100xf32, #tpu.memory_space<hbm>>
      %dma_wait3A_340 = tpu.memref_squeeze %dma_wait3A_339 : memref<1x100x100xf32, #tpu.memory_space<hbm>> -> memref<100x100xf32, #tpu.memory_space<hbm>>
      %dma_wait3A_341 = arith.constant 0 : i32
      %dma_wait3A_342 = arith.constant 0 : i32
      %dma_wait3A_343 = tpu.memref_slice %arg6[%dma_wait3A, %dma_wait3A_341, %dma_wait3A_342] : memref<8x100x100xf32, #tpu.memory_space<vmem>> -> memref<1x100x100xf32, #tpu.memory_space<vmem>>
      %dma_wait3A_344 = tpu.memref_squeeze %dma_wait3A_343 : memref<1x100x100xf32, #tpu.memory_space<vmem>> -> memref<100x100xf32, #tpu.memory_space<vmem>>
      tpu.wait_dma2 semaphore(%arg7 : memref<!tpu.dma_semaphore, #tpu.memory_space<semaphore_mem>>) src(%dma_wait3A_344 : memref<100x100xf32, #tpu.memory_space<vmem>>) dst(%dma_wait3A_340 : memref<100x100xf32, #tpu.memory_space<hbm>>)
    } else {
    }
    %gt3A_184 = arith.constant 3 : i32
    %gt3A_185 = arith.cmpi sgt, %scan3A_10#2, %gt3A_184 : i32
    %convert_element_type3A_186 = arith.extui %gt3A_185 : i1 to i32
    %cond3A_187 = arith.constant 0 : i32
    %cond3A_188 = arith.cmpi ne, %convert_element_type3A_186, %cond3A_187 : i32
    scf.if %cond3A_188 {
      %dma_wait3A = arith.constant 0 : i32
      %dma_wait3A_329 = arith.constant 0 : i32
      %dma_wait3A_330 = arith.constant 0 : i32
      %dma_wait3A_331 = tpu.memref_slice %arg6[%dma_wait3A, %dma_wait3A_329, %dma_wait3A_330] : memref<8x100x100xf32, #tpu.memory_space<vmem>> -> memref<1x100x100xf32, #tpu.memory_space<vmem>>
      %dma_wait3A_332 = tpu.memref_squeeze %dma_wait3A_331 : memref<1x100x100xf32, #tpu.memory_space<vmem>> -> memref<100x100xf32, #tpu.memory_space<vmem>>
      %dma_wait3A_333 = arith.constant 0 : i32
      %dma_wait3A_334 = arith.constant 0 : i32
      %dma_wait3A_335 = tpu.memref_slice %arg4[%mul3A_0, %dma_wait3A_333, %dma_wait3A_334] : memref<4096x100x100xf32, #tpu.memory_space<hbm>> -> memref<1x100x100xf32, #tpu.memory_space<hbm>>
      %dma_wait3A_336 = tpu.memref_squeeze %dma_wait3A_335 : memref<1x100x100xf32, #tpu.memory_space<hbm>> -> memref<100x100xf32, #tpu.memory_space<hbm>>
      %dma_wait3A_337 = arith.constant 0 : i32
      %dma_wait3A_338 = arith.constant 0 : i32
      %dma_wait3A_339 = tpu.memref_slice %arg4[%mul3A_0, %dma_wait3A_337, %dma_wait3A_338] : memref<4096x100x100xf32, #tpu.memory_space<hbm>> -> memref<1x100x100xf32, #tpu.memory_space<hbm>>
      %dma_wait3A_340 = tpu.memref_squeeze %dma_wait3A_339 : memref<1x100x100xf32, #tpu.memory_space<hbm>> -> memref<100x100xf32, #tpu.memory_space<hbm>>
      %dma_wait3A_341 = arith.constant 0 : i32
      %dma_wait3A_342 = arith.constant 0 : i32
      %dma_wait3A_343 = tpu.memref_slice %arg6[%dma_wait3A, %dma_wait3A_341, %dma_wait3A_342] : memref<8x100x100xf32, #tpu.memory_space<vmem>> -> memref<1x100x100xf32, #tpu.memory_space<vmem>>
      %dma_wait3A_344 = tpu.memref_squeeze %dma_wait3A_343 : memref<1x100x100xf32, #tpu.memory_space<vmem>> -> memref<100x100xf32, #tpu.memory_space<vmem>>
      tpu.wait_dma2 semaphore(%arg7 : memref<!tpu.dma_semaphore, #tpu.memory_space<semaphore_mem>>) src(%dma_wait3A_344 : memref<100x100xf32, #tpu.memory_space<vmem>>) dst(%dma_wait3A_340 : memref<100x100xf32, #tpu.memory_space<hbm>>)
    } else {
    }
    %gt3A_189 = arith.constant 4 : i32
    %gt3A_190 = arith.cmpi sgt, %scan3A_10#2, %gt3A_189 : i32
    %convert_element_type3A_191 = arith.extui %gt3A_190 : i1 to i32
    %cond3A_192 = arith.constant 0 : i32
    %cond3A_193 = arith.cmpi ne, %convert_element_type3A_191, %cond3A_192 : i32
    scf.if %cond3A_193 {
      %dma_wait3A = arith.constant 0 : i32
      %dma_wait3A_329 = arith.constant 0 : i32
      %dma_wait3A_330 = arith.constant 0 : i32
      %dma_wait3A_331 = tpu.memref_slice %arg6[%dma_wait3A, %dma_wait3A_329, %dma_wait3A_330] : memref<8x100x100xf32, #tpu.memory_space<vmem>> -> memref<1x100x100xf32, #tpu.memory_space<vmem>>
      %dma_wait3A_332 = tpu.memref_squeeze %dma_wait3A_331 : memref<1x100x100xf32, #tpu.memory_space<vmem>> -> memref<100x100xf32, #tpu.memory_space<vmem>>
      %dma_wait3A_333 = arith.constant 0 : i32
      %dma_wait3A_334 = arith.constant 0 : i32
      %dma_wait3A_335 = tpu.memref_slice %arg4[%mul3A_0, %dma_wait3A_333, %dma_wait3A_334] : memref<4096x100x100xf32, #tpu.memory_space<hbm>> -> memref<1x100x100xf32, #tpu.memory_space<hbm>>
      %dma_wait3A_336 = tpu.memref_squeeze %dma_wait3A_335 : memref<1x100x100xf32, #tpu.memory_space<hbm>> -> memref<100x100xf32, #tpu.memory_space<hbm>>
      %dma_wait3A_337 = arith.constant 0 : i32
      %dma_wait3A_338 = arith.constant 0 : i32
      %dma_wait3A_339 = tpu.memref_slice %arg4[%mul3A_0, %dma_wait3A_337, %dma_wait3A_338] : memref<4096x100x100xf32, #tpu.memory_space<hbm>> -> memref<1x100x100xf32, #tpu.memory_space<hbm>>
      %dma_wait3A_340 = tpu.memref_squeeze %dma_wait3A_339 : memref<1x100x100xf32, #tpu.memory_space<hbm>> -> memref<100x100xf32, #tpu.memory_space<hbm>>
      %dma_wait3A_341 = arith.constant 0 : i32
      %dma_wait3A_342 = arith.constant 0 : i32
      %dma_wait3A_343 = tpu.memref_slice %arg6[%dma_wait3A, %dma_wait3A_341, %dma_wait3A_342] : memref<8x100x100xf32, #tpu.memory_space<vmem>> -> memref<1x100x100xf32, #tpu.memory_space<vmem>>
      %dma_wait3A_344 = tpu.memref_squeeze %dma_wait3A_343 : memref<1x100x100xf32, #tpu.memory_space<vmem>> -> memref<100x100xf32, #tpu.memory_space<vmem>>
      tpu.wait_dma2 semaphore(%arg7 : memref<!tpu.dma_semaphore, #tpu.memory_space<semaphore_mem>>) src(%dma_wait3A_344 : memref<100x100xf32, #tpu.memory_space<vmem>>) dst(%dma_wait3A_340 : memref<100x100xf32, #tpu.memory_space<hbm>>)
    } else {
    }
    %gt3A_194 = arith.constant 5 : i32
    %gt3A_195 = arith.cmpi sgt, %scan3A_10#2, %gt3A_194 : i32
    %convert_element_type3A_196 = arith.extui %gt3A_195 : i1 to i32
    %cond3A_197 = arith.constant 0 : i32
    %cond3A_198 = arith.cmpi ne, %convert_element_type3A_196, %cond3A_197 : i32
    scf.if %cond3A_198 {
      %dma_wait3A = arith.constant 0 : i32
      %dma_wait3A_329 = arith.constant 0 : i32
      %dma_wait3A_330 = arith.constant 0 : i32
      %dma_wait3A_331 = tpu.memref_slice %arg6[%dma_wait3A, %dma_wait3A_329, %dma_wait3A_330] : memref<8x100x100xf32, #tpu.memory_space<vmem>> -> memref<1x100x100xf32, #tpu.memory_space<vmem>>
      %dma_wait3A_332 = tpu.memref_squeeze %dma_wait3A_331 : memref<1x100x100xf32, #tpu.memory_space<vmem>> -> memref<100x100xf32, #tpu.memory_space<vmem>>
      %dma_wait3A_333 = arith.constant 0 : i32
      %dma_wait3A_334 = arith.constant 0 : i32
      %dma_wait3A_335 = tpu.memref_slice %arg4[%mul3A_0, %dma_wait3A_333, %dma_wait3A_334] : memref<4096x100x100xf32, #tpu.memory_space<hbm>> -> memref<1x100x100xf32, #tpu.memory_space<hbm>>
      %dma_wait3A_336 = tpu.memref_squeeze %dma_wait3A_335 : memref<1x100x100xf32, #tpu.memory_space<hbm>> -> memref<100x100xf32, #tpu.memory_space<hbm>>
      %dma_wait3A_337 = arith.constant 0 : i32
      %dma_wait3A_338 = arith.constant 0 : i32
      %dma_wait3A_339 = tpu.memref_slice %arg4[%mul3A_0, %dma_wait3A_337, %dma_wait3A_338] : memref<4096x100x100xf32, #tpu.memory_space<hbm>> -> memref<1x100x100xf32, #tpu.memory_space<hbm>>
      %dma_wait3A_340 = tpu.memref_squeeze %dma_wait3A_339 : memref<1x100x100xf32, #tpu.memory_space<hbm>> -> memref<100x100xf32, #tpu.memory_space<hbm>>
      %dma_wait3A_341 = arith.constant 0 : i32
      %dma_wait3A_342 = arith.constant 0 : i32
      %dma_wait3A_343 = tpu.memref_slice %arg6[%dma_wait3A, %dma_wait3A_341, %dma_wait3A_342] : memref<8x100x100xf32, #tpu.memory_space<vmem>> -> memref<1x100x100xf32, #tpu.memory_space<vmem>>
      %dma_wait3A_344 = tpu.memref_squeeze %dma_wait3A_343 : memref<1x100x100xf32, #tpu.memory_space<vmem>> -> memref<100x100xf32, #tpu.memory_space<vmem>>
      tpu.wait_dma2 semaphore(%arg7 : memref<!tpu.dma_semaphore, #tpu.memory_space<semaphore_mem>>) src(%dma_wait3A_344 : memref<100x100xf32, #tpu.memory_space<vmem>>) dst(%dma_wait3A_340 : memref<100x100xf32, #tpu.memory_space<hbm>>)
    } else {
    }
    %gt3A_199 = arith.constant 6 : i32
    %gt3A_200 = arith.cmpi sgt, %scan3A_10#2, %gt3A_199 : i32
    %convert_element_type3A_201 = arith.extui %gt3A_200 : i1 to i32
    %cond3A_202 = arith.constant 0 : i32
    %cond3A_203 = arith.cmpi ne, %convert_element_type3A_201, %cond3A_202 : i32
    scf.if %cond3A_203 {
      %dma_wait3A = arith.constant 0 : i32
      %dma_wait3A_329 = arith.constant 0 : i32
      %dma_wait3A_330 = arith.constant 0 : i32
      %dma_wait3A_331 = tpu.memref_slice %arg6[%dma_wait3A, %dma_wait3A_329, %dma_wait3A_330] : memref<8x100x100xf32, #tpu.memory_space<vmem>> -> memref<1x100x100xf32, #tpu.memory_space<vmem>>
      %dma_wait3A_332 = tpu.memref_squeeze %dma_wait3A_331 : memref<1x100x100xf32, #tpu.memory_space<vmem>> -> memref<100x100xf32, #tpu.memory_space<vmem>>
      %dma_wait3A_333 = arith.constant 0 : i32
      %dma_wait3A_334 = arith.constant 0 : i32
      %dma_wait3A_335 = tpu.memref_slice %arg4[%mul3A_0, %dma_wait3A_333, %dma_wait3A_334] : memref<4096x100x100xf32, #tpu.memory_space<hbm>> -> memref<1x100x100xf32, #tpu.memory_space<hbm>>
      %dma_wait3A_336 = tpu.memref_squeeze %dma_wait3A_335 : memref<1x100x100xf32, #tpu.memory_space<hbm>> -> memref<100x100xf32, #tpu.memory_space<hbm>>
      %dma_wait3A_337 = arith.constant 0 : i32
      %dma_wait3A_338 = arith.constant 0 : i32
      %dma_wait3A_339 = tpu.memref_slice %arg4[%mul3A_0, %dma_wait3A_337, %dma_wait3A_338] : memref<4096x100x100xf32, #tpu.memory_space<hbm>> -> memref<1x100x100xf32, #tpu.memory_space<hbm>>
      %dma_wait3A_340 = tpu.memref_squeeze %dma_wait3A_339 : memref<1x100x100xf32, #tpu.memory_space<hbm>> -> memref<100x100xf32, #tpu.memory_space<hbm>>
      %dma_wait3A_341 = arith.constant 0 : i32
      %dma_wait3A_342 = arith.constant 0 : i32
      %dma_wait3A_343 = tpu.memref_slice %arg6[%dma_wait3A, %dma_wait3A_341, %dma_wait3A_342] : memref<8x100x100xf32, #tpu.memory_space<vmem>> -> memref<1x100x100xf32, #tpu.memory_space<vmem>>
      %dma_wait3A_344 = tpu.memref_squeeze %dma_wait3A_343 : memref<1x100x100xf32, #tpu.memory_space<vmem>> -> memref<100x100xf32, #tpu.memory_space<vmem>>
      tpu.wait_dma2 semaphore(%arg7 : memref<!tpu.dma_semaphore, #tpu.memory_space<semaphore_mem>>) src(%dma_wait3A_344 : memref<100x100xf32, #tpu.memory_space<vmem>>) dst(%dma_wait3A_340 : memref<100x100xf32, #tpu.memory_space<hbm>>)
    } else {
    }
    %gt3A_204 = arith.constant 7 : i32
    %gt3A_205 = arith.cmpi sgt, %scan3A_10#2, %gt3A_204 : i32
    %convert_element_type3A_206 = arith.extui %gt3A_205 : i1 to i32
    %cond3A_207 = arith.constant 0 : i32
    %cond3A_208 = arith.cmpi ne, %convert_element_type3A_206, %cond3A_207 : i32
    scf.if %cond3A_208 {
      %dma_wait3A = arith.constant 0 : i32
      %dma_wait3A_329 = arith.constant 0 : i32
      %dma_wait3A_330 = arith.constant 0 : i32
      %dma_wait3A_331 = tpu.memref_slice %arg6[%dma_wait3A, %dma_wait3A_329, %dma_wait3A_330] : memref<8x100x100xf32, #tpu.memory_space<vmem>> -> memref<1x100x100xf32, #tpu.memory_space<vmem>>
      %dma_wait3A_332 = tpu.memref_squeeze %dma_wait3A_331 : memref<1x100x100xf32, #tpu.memory_space<vmem>> -> memref<100x100xf32, #tpu.memory_space<vmem>>
      %dma_wait3A_333 = arith.constant 0 : i32
      %dma_wait3A_334 = arith.constant 0 : i32
      %dma_wait3A_335 = tpu.memref_slice %arg4[%mul3A_0, %dma_wait3A_333, %dma_wait3A_334] : memref<4096x100x100xf32, #tpu.memory_space<hbm>> -> memref<1x100x100xf32, #tpu.memory_space<hbm>>
      %dma_wait3A_336 = tpu.memref_squeeze %dma_wait3A_335 : memref<1x100x100xf32, #tpu.memory_space<hbm>> -> memref<100x100xf32, #tpu.memory_space<hbm>>
      %dma_wait3A_337 = arith.constant 0 : i32
      %dma_wait3A_338 = arith.constant 0 : i32
      %dma_wait3A_339 = tpu.memref_slice %arg4[%mul3A_0, %dma_wait3A_337, %dma_wait3A_338] : memref<4096x100x100xf32, #tpu.memory_space<hbm>> -> memref<1x100x100xf32, #tpu.memory_space<hbm>>
      %dma_wait3A_340 = tpu.memref_squeeze %dma_wait3A_339 : memref<1x100x100xf32, #tpu.memory_space<hbm>> -> memref<100x100xf32, #tpu.memory_space<hbm>>
      %dma_wait3A_341 = arith.constant 0 : i32
      %dma_wait3A_342 = arith.constant 0 : i32
      %dma_wait3A_343 = tpu.memref_slice %arg6[%dma_wait3A, %dma_wait3A_341, %dma_wait3A_342] : memref<8x100x100xf32, #tpu.memory_space<vmem>> -> memref<1x100x100xf32, #tpu.memory_space<vmem>>
      %dma_wait3A_344 = tpu.memref_squeeze %dma_wait3A_343 : memref<1x100x100xf32, #tpu.memory_space<vmem>> -> memref<100x100xf32, #tpu.memory_space<vmem>>
      tpu.wait_dma2 semaphore(%arg7 : memref<!tpu.dma_semaphore, #tpu.memory_space<semaphore_mem>>) src(%dma_wait3A_344 : memref<100x100xf32, #tpu.memory_space<vmem>>) dst(%dma_wait3A_340 : memref<100x100xf32, #tpu.memory_space<hbm>>)
    } else {
    }
    %gt3A_209 = arith.constant 8 : i32
    %gt3A_210 = arith.cmpi sgt, %scan3A_10#2, %gt3A_209 : i32
    %convert_element_type3A_211 = arith.extui %gt3A_210 : i1 to i32
    %cond3A_212 = arith.constant 0 : i32
    %cond3A_213 = arith.cmpi ne, %convert_element_type3A_211, %cond3A_212 : i32
    scf.if %cond3A_213 {
      %dma_wait3A = arith.constant 0 : i32
      %dma_wait3A_329 = arith.constant 0 : i32
      %dma_wait3A_330 = arith.constant 0 : i32
      %dma_wait3A_331 = tpu.memref_slice %arg6[%dma_wait3A, %dma_wait3A_329, %dma_wait3A_330] : memref<8x100x100xf32, #tpu.memory_space<vmem>> -> memref<1x100x100xf32, #tpu.memory_space<vmem>>
      %dma_wait3A_332 = tpu.memref_squeeze %dma_wait3A_331 : memref<1x100x100xf32, #tpu.memory_space<vmem>> -> memref<100x100xf32, #tpu.memory_space<vmem>>
      %dma_wait3A_333 = arith.constant 0 : i32
      %dma_wait3A_334 = arith.constant 0 : i32
      %dma_wait3A_335 = tpu.memref_slice %arg4[%mul3A_0, %dma_wait3A_333, %dma_wait3A_334] : memref<4096x100x100xf32, #tpu.memory_space<hbm>> -> memref<1x100x100xf32, #tpu.memory_space<hbm>>
      %dma_wait3A_336 = tpu.memref_squeeze %dma_wait3A_335 : memref<1x100x100xf32, #tpu.memory_space<hbm>> -> memref<100x100xf32, #tpu.memory_space<hbm>>
      %dma_wait3A_337 = arith.constant 0 : i32
      %dma_wait3A_338 = arith.constant 0 : i32
      %dma_wait3A_339 = tpu.memref_slice %arg4[%mul3A_0, %dma_wait3A_337, %dma_wait3A_338] : memref<4096x100x100xf32, #tpu.memory_space<hbm>> -> memref<1x100x100xf32, #tpu.memory_space<hbm>>
      %dma_wait3A_340 = tpu.memref_squeeze %dma_wait3A_339 : memref<1x100x100xf32, #tpu.memory_space<hbm>> -> memref<100x100xf32, #tpu.memory_space<hbm>>
      %dma_wait3A_341 = arith.constant 0 : i32
      %dma_wait3A_342 = arith.constant 0 : i32
      %dma_wait3A_343 = tpu.memref_slice %arg6[%dma_wait3A, %dma_wait3A_341, %dma_wait3A_342] : memref<8x100x100xf32, #tpu.memory_space<vmem>> -> memref<1x100x100xf32, #tpu.memory_space<vmem>>
      %dma_wait3A_344 = tpu.memref_squeeze %dma_wait3A_343 : memref<1x100x100xf32, #tpu.memory_space<vmem>> -> memref<100x100xf32, #tpu.memory_space<vmem>>
      tpu.wait_dma2 semaphore(%arg7 : memref<!tpu.dma_semaphore, #tpu.memory_space<semaphore_mem>>) src(%dma_wait3A_344 : memref<100x100xf32, #tpu.memory_space<vmem>>) dst(%dma_wait3A_340 : memref<100x100xf32, #tpu.memory_space<hbm>>)
    } else {
    }
    %gt3A_214 = arith.constant 9 : i32
    %gt3A_215 = arith.cmpi sgt, %scan3A_10#2, %gt3A_214 : i32
    %convert_element_type3A_216 = arith.extui %gt3A_215 : i1 to i32
    %cond3A_217 = arith.constant 0 : i32
    %cond3A_218 = arith.cmpi ne, %convert_element_type3A_216, %cond3A_217 : i32
    scf.if %cond3A_218 {
      %dma_wait3A = arith.constant 0 : i32
      %dma_wait3A_329 = arith.constant 0 : i32
      %dma_wait3A_330 = arith.constant 0 : i32
      %dma_wait3A_331 = tpu.memref_slice %arg6[%dma_wait3A, %dma_wait3A_329, %dma_wait3A_330] : memref<8x100x100xf32, #tpu.memory_space<vmem>> -> memref<1x100x100xf32, #tpu.memory_space<vmem>>
      %dma_wait3A_332 = tpu.memref_squeeze %dma_wait3A_331 : memref<1x100x100xf32, #tpu.memory_space<vmem>> -> memref<100x100xf32, #tpu.memory_space<vmem>>
      %dma_wait3A_333 = arith.constant 0 : i32
      %dma_wait3A_334 = arith.constant 0 : i32
      %dma_wait3A_335 = tpu.memref_slice %arg4[%mul3A_0, %dma_wait3A_333, %dma_wait3A_334] : memref<4096x100x100xf32, #tpu.memory_space<hbm>> -> memref<1x100x100xf32, #tpu.memory_space<hbm>>
      %dma_wait3A_336 = tpu.memref_squeeze %dma_wait3A_335 : memref<1x100x100xf32, #tpu.memory_space<hbm>> -> memref<100x100xf32, #tpu.memory_space<hbm>>
      %dma_wait3A_337 = arith.constant 0 : i32
      %dma_wait3A_338 = arith.constant 0 : i32
      %dma_wait3A_339 = tpu.memref_slice %arg4[%mul3A_0, %dma_wait3A_337, %dma_wait3A_338] : memref<4096x100x100xf32, #tpu.memory_space<hbm>> -> memref<1x100x100xf32, #tpu.memory_space<hbm>>
      %dma_wait3A_340 = tpu.memref_squeeze %dma_wait3A_339 : memref<1x100x100xf32, #tpu.memory_space<hbm>> -> memref<100x100xf32, #tpu.memory_space<hbm>>
      %dma_wait3A_341 = arith.constant 0 : i32
      %dma_wait3A_342 = arith.constant 0 : i32
      %dma_wait3A_343 = tpu.memref_slice %arg6[%dma_wait3A, %dma_wait3A_341, %dma_wait3A_342] : memref<8x100x100xf32, #tpu.memory_space<vmem>> -> memref<1x100x100xf32, #tpu.memory_space<vmem>>
      %dma_wait3A_344 = tpu.memref_squeeze %dma_wait3A_343 : memref<1x100x100xf32, #tpu.memory_space<vmem>> -> memref<100x100xf32, #tpu.memory_space<vmem>>
      tpu.wait_dma2 semaphore(%arg7 : memref<!tpu.dma_semaphore, #tpu.memory_space<semaphore_mem>>) src(%dma_wait3A_344 : memref<100x100xf32, #tpu.memory_space<vmem>>) dst(%dma_wait3A_340 : memref<100x100xf32, #tpu.memory_space<hbm>>)
    } else {
    }
    %gt3A_219 = arith.constant 10 : i32
    %gt3A_220 = arith.cmpi sgt, %scan3A_10#2, %gt3A_219 : i32
    %convert_element_type3A_221 = arith.extui %gt3A_220 : i1 to i32
    %cond3A_222 = arith.constant 0 : i32
    %cond3A_223 = arith.cmpi ne, %convert_element_type3A_221, %cond3A_222 : i32
    scf.if %cond3A_223 {
      %dma_wait3A = arith.constant 0 : i32
      %dma_wait3A_329 = arith.constant 0 : i32
      %dma_wait3A_330 = arith.constant 0 : i32
      %dma_wait3A_331 = tpu.memref_slice %arg6[%dma_wait3A, %dma_wait3A_329, %dma_wait3A_330] : memref<8x100x100xf32, #tpu.memory_space<vmem>> -> memref<1x100x100xf32, #tpu.memory_space<vmem>>
      %dma_wait3A_332 = tpu.memref_squeeze %dma_wait3A_331 : memref<1x100x100xf32, #tpu.memory_space<vmem>> -> memref<100x100xf32, #tpu.memory_space<vmem>>
      %dma_wait3A_333 = arith.constant 0 : i32
      %dma_wait3A_334 = arith.constant 0 : i32
      %dma_wait3A_335 = tpu.memref_slice %arg4[%mul3A_0, %dma_wait3A_333, %dma_wait3A_334] : memref<4096x100x100xf32, #tpu.memory_space<hbm>> -> memref<1x100x100xf32, #tpu.memory_space<hbm>>
      %dma_wait3A_336 = tpu.memref_squeeze %dma_wait3A_335 : memref<1x100x100xf32, #tpu.memory_space<hbm>> -> memref<100x100xf32, #tpu.memory_space<hbm>>
      %dma_wait3A_337 = arith.constant 0 : i32
      %dma_wait3A_338 = arith.constant 0 : i32
      %dma_wait3A_339 = tpu.memref_slice %arg4[%mul3A_0, %dma_wait3A_337, %dma_wait3A_338] : memref<4096x100x100xf32, #tpu.memory_space<hbm>> -> memref<1x100x100xf32, #tpu.memory_space<hbm>>
      %dma_wait3A_340 = tpu.memref_squeeze %dma_wait3A_339 : memref<1x100x100xf32, #tpu.memory_space<hbm>> -> memref<100x100xf32, #tpu.memory_space<hbm>>
      %dma_wait3A_341 = arith.constant 0 : i32
      %dma_wait3A_342 = arith.constant 0 : i32
      %dma_wait3A_343 = tpu.memref_slice %arg6[%dma_wait3A, %dma_wait3A_341, %dma_wait3A_342] : memref<8x100x100xf32, #tpu.memory_space<vmem>> -> memref<1x100x100xf32, #tpu.memory_space<vmem>>
      %dma_wait3A_344 = tpu.memref_squeeze %dma_wait3A_343 : memref<1x100x100xf32, #tpu.memory_space<vmem>> -> memref<100x100xf32, #tpu.memory_space<vmem>>
      tpu.wait_dma2 semaphore(%arg7 : memref<!tpu.dma_semaphore, #tpu.memory_space<semaphore_mem>>) src(%dma_wait3A_344 : memref<100x100xf32, #tpu.memory_space<vmem>>) dst(%dma_wait3A_340 : memref<100x100xf32, #tpu.memory_space<hbm>>)
    } else {
    }
    %gt3A_224 = arith.constant 11 : i32
    %gt3A_225 = arith.cmpi sgt, %scan3A_10#2, %gt3A_224 : i32
    %convert_element_type3A_226 = arith.extui %gt3A_225 : i1 to i32
    %cond3A_227 = arith.constant 0 : i32
    %cond3A_228 = arith.cmpi ne, %convert_element_type3A_226, %cond3A_227 : i32
    scf.if %cond3A_228 {
      %dma_wait3A = arith.constant 0 : i32
      %dma_wait3A_329 = arith.constant 0 : i32
      %dma_wait3A_330 = arith.constant 0 : i32
      %dma_wait3A_331 = tpu.memref_slice %arg6[%dma_wait3A, %dma_wait3A_329, %dma_wait3A_330] : memref<8x100x100xf32, #tpu.memory_space<vmem>> -> memref<1x100x100xf32, #tpu.memory_space<vmem>>
      %dma_wait3A_332 = tpu.memref_squeeze %dma_wait3A_331 : memref<1x100x100xf32, #tpu.memory_space<vmem>> -> memref<100x100xf32, #tpu.memory_space<vmem>>
      %dma_wait3A_333 = arith.constant 0 : i32
      %dma_wait3A_334 = arith.constant 0 : i32
      %dma_wait3A_335 = tpu.memref_slice %arg4[%mul3A_0, %dma_wait3A_333, %dma_wait3A_334] : memref<4096x100x100xf32, #tpu.memory_space<hbm>> -> memref<1x100x100xf32, #tpu.memory_space<hbm>>
      %dma_wait3A_336 = tpu.memref_squeeze %dma_wait3A_335 : memref<1x100x100xf32, #tpu.memory_space<hbm>> -> memref<100x100xf32, #tpu.memory_space<hbm>>
      %dma_wait3A_337 = arith.constant 0 : i32
      %dma_wait3A_338 = arith.constant 0 : i32
      %dma_wait3A_339 = tpu.memref_slice %arg4[%mul3A_0, %dma_wait3A_337, %dma_wait3A_338] : memref<4096x100x100xf32, #tpu.memory_space<hbm>> -> memref<1x100x100xf32, #tpu.memory_space<hbm>>
      %dma_wait3A_340 = tpu.memref_squeeze %dma_wait3A_339 : memref<1x100x100xf32, #tpu.memory_space<hbm>> -> memref<100x100xf32, #tpu.memory_space<hbm>>
      %dma_wait3A_341 = arith.constant 0 : i32
      %dma_wait3A_342 = arith.constant 0 : i32
      %dma_wait3A_343 = tpu.memref_slice %arg6[%dma_wait3A, %dma_wait3A_341, %dma_wait3A_342] : memref<8x100x100xf32, #tpu.memory_space<vmem>> -> memref<1x100x100xf32, #tpu.memory_space<vmem>>
      %dma_wait3A_344 = tpu.memref_squeeze %dma_wait3A_343 : memref<1x100x100xf32, #tpu.memory_space<vmem>> -> memref<100x100xf32, #tpu.memory_space<vmem>>
      tpu.wait_dma2 semaphore(%arg7 : memref<!tpu.dma_semaphore, #tpu.memory_space<semaphore_mem>>) src(%dma_wait3A_344 : memref<100x100xf32, #tpu.memory_space<vmem>>) dst(%dma_wait3A_340 : memref<100x100xf32, #tpu.memory_space<hbm>>)
    } else {
    }
    %gt3A_229 = arith.constant 12 : i32
    %gt3A_230 = arith.cmpi sgt, %scan3A_10#2, %gt3A_229 : i32
    %convert_element_type3A_231 = arith.extui %gt3A_230 : i1 to i32
    %cond3A_232 = arith.constant 0 : i32
    %cond3A_233 = arith.cmpi ne, %convert_element_type3A_231, %cond3A_232 : i32
    scf.if %cond3A_233 {
      %dma_wait3A = arith.constant 0 : i32
      %dma_wait3A_329 = arith.constant 0 : i32
      %dma_wait3A_330 = arith.constant 0 : i32
      %dma_wait3A_331 = tpu.memref_slice %arg6[%dma_wait3A, %dma_wait3A_329, %dma_wait3A_330] : memref<8x100x100xf32, #tpu.memory_space<vmem>> -> memref<1x100x100xf32, #tpu.memory_space<vmem>>
      %dma_wait3A_332 = tpu.memref_squeeze %dma_wait3A_331 : memref<1x100x100xf32, #tpu.memory_space<vmem>> -> memref<100x100xf32, #tpu.memory_space<vmem>>
      %dma_wait3A_333 = arith.constant 0 : i32
      %dma_wait3A_334 = arith.constant 0 : i32
      %dma_wait3A_335 = tpu.memref_slice %arg4[%mul3A_0, %dma_wait3A_333, %dma_wait3A_334] : memref<4096x100x100xf32, #tpu.memory_space<hbm>> -> memref<1x100x100xf32, #tpu.memory_space<hbm>>
      %dma_wait3A_336 = tpu.memref_squeeze %dma_wait3A_335 : memref<1x100x100xf32, #tpu.memory_space<hbm>> -> memref<100x100xf32, #tpu.memory_space<hbm>>
      %dma_wait3A_337 = arith.constant 0 : i32
      %dma_wait3A_338 = arith.constant 0 : i32
      %dma_wait3A_339 = tpu.memref_slice %arg4[%mul3A_0, %dma_wait3A_337, %dma_wait3A_338] : memref<4096x100x100xf32, #tpu.memory_space<hbm>> -> memref<1x100x100xf32, #tpu.memory_space<hbm>>
      %dma_wait3A_340 = tpu.memref_squeeze %dma_wait3A_339 : memref<1x100x100xf32, #tpu.memory_space<hbm>> -> memref<100x100xf32, #tpu.memory_space<hbm>>
      %dma_wait3A_341 = arith.constant 0 : i32
      %dma_wait3A_342 = arith.constant 0 : i32
      %dma_wait3A_343 = tpu.memref_slice %arg6[%dma_wait3A, %dma_wait3A_341, %dma_wait3A_342] : memref<8x100x100xf32, #tpu.memory_space<vmem>> -> memref<1x100x100xf32, #tpu.memory_space<vmem>>
      %dma_wait3A_344 = tpu.memref_squeeze %dma_wait3A_343 : memref<1x100x100xf32, #tpu.memory_space<vmem>> -> memref<100x100xf32, #tpu.memory_space<vmem>>
      tpu.wait_dma2 semaphore(%arg7 : memref<!tpu.dma_semaphore, #tpu.memory_space<semaphore_mem>>) src(%dma_wait3A_344 : memref<100x100xf32, #tpu.memory_space<vmem>>) dst(%dma_wait3A_340 : memref<100x100xf32, #tpu.memory_space<hbm>>)
    } else {
    }
    %gt3A_234 = arith.constant 13 : i32
    %gt3A_235 = arith.cmpi sgt, %scan3A_10#2, %gt3A_234 : i32
    %convert_element_type3A_236 = arith.extui %gt3A_235 : i1 to i32
    %cond3A_237 = arith.constant 0 : i32
    %cond3A_238 = arith.cmpi ne, %convert_element_type3A_236, %cond3A_237 : i32
    scf.if %cond3A_238 {
      %dma_wait3A = arith.constant 0 : i32
      %dma_wait3A_329 = arith.constant 0 : i32
      %dma_wait3A_330 = arith.constant 0 : i32
      %dma_wait3A_331 = tpu.memref_slice %arg6[%dma_wait3A, %dma_wait3A_329, %dma_wait3A_330] : memref<8x100x100xf32, #tpu.memory_space<vmem>> -> memref<1x100x100xf32, #tpu.memory_space<vmem>>
      %dma_wait3A_332 = tpu.memref_squeeze %dma_wait3A_331 : memref<1x100x100xf32, #tpu.memory_space<vmem>> -> memref<100x100xf32, #tpu.memory_space<vmem>>
      %dma_wait3A_333 = arith.constant 0 : i32
      %dma_wait3A_334 = arith.constant 0 : i32
      %dma_wait3A_335 = tpu.memref_slice %arg4[%mul3A_0, %dma_wait3A_333, %dma_wait3A_334] : memref<4096x100x100xf32, #tpu.memory_space<hbm>> -> memref<1x100x100xf32, #tpu.memory_space<hbm>>
      %dma_wait3A_336 = tpu.memref_squeeze %dma_wait3A_335 : memref<1x100x100xf32, #tpu.memory_space<hbm>> -> memref<100x100xf32, #tpu.memory_space<hbm>>
      %dma_wait3A_337 = arith.constant 0 : i32
      %dma_wait3A_338 = arith.constant 0 : i32
      %dma_wait3A_339 = tpu.memref_slice %arg4[%mul3A_0, %dma_wait3A_337, %dma_wait3A_338] : memref<4096x100x100xf32, #tpu.memory_space<hbm>> -> memref<1x100x100xf32, #tpu.memory_space<hbm>>
      %dma_wait3A_340 = tpu.memref_squeeze %dma_wait3A_339 : memref<1x100x100xf32, #tpu.memory_space<hbm>> -> memref<100x100xf32, #tpu.memory_space<hbm>>
      %dma_wait3A_341 = arith.constant 0 : i32
      %dma_wait3A_342 = arith.constant 0 : i32
      %dma_wait3A_343 = tpu.memref_slice %arg6[%dma_wait3A, %dma_wait3A_341, %dma_wait3A_342] : memref<8x100x100xf32, #tpu.memory_space<vmem>> -> memref<1x100x100xf32, #tpu.memory_space<vmem>>
      %dma_wait3A_344 = tpu.memref_squeeze %dma_wait3A_343 : memref<1x100x100xf32, #tpu.memory_space<vmem>> -> memref<100x100xf32, #tpu.memory_space<vmem>>
      tpu.wait_dma2 semaphore(%arg7 : memref<!tpu.dma_semaphore, #tpu.memory_space<semaphore_mem>>) src(%dma_wait3A_344 : memref<100x100xf32, #tpu.memory_space<vmem>>) dst(%dma_wait3A_340 : memref<100x100xf32, #tpu.memory_space<hbm>>)
    } else {
    }
    %gt3A_239 = arith.constant 14 : i32
    %gt3A_240 = arith.cmpi sgt, %scan3A_10#2, %gt3A_239 : i32
    %convert_element_type3A_241 = arith.extui %gt3A_240 : i1 to i32
    %cond3A_242 = arith.constant 0 : i32
    %cond3A_243 = arith.cmpi ne, %convert_element_type3A_241, %cond3A_242 : i32
    scf.if %cond3A_243 {
      %dma_wait3A = arith.constant 0 : i32
      %dma_wait3A_329 = arith.constant 0 : i32
      %dma_wait3A_330 = arith.constant 0 : i32
      %dma_wait3A_331 = tpu.memref_slice %arg6[%dma_wait3A, %dma_wait3A_329, %dma_wait3A_330] : memref<8x100x100xf32, #tpu.memory_space<vmem>> -> memref<1x100x100xf32, #tpu.memory_space<vmem>>
      %dma_wait3A_332 = tpu.memref_squeeze %dma_wait3A_331 : memref<1x100x100xf32, #tpu.memory_space<vmem>> -> memref<100x100xf32, #tpu.memory_space<vmem>>
      %dma_wait3A_333 = arith.constant 0 : i32
      %dma_wait3A_334 = arith.constant 0 : i32
      %dma_wait3A_335 = tpu.memref_slice %arg4[%mul3A_0, %dma_wait3A_333, %dma_wait3A_334] : memref<4096x100x100xf32, #tpu.memory_space<hbm>> -> memref<1x100x100xf32, #tpu.memory_space<hbm>>
      %dma_wait3A_336 = tpu.memref_squeeze %dma_wait3A_335 : memref<1x100x100xf32, #tpu.memory_space<hbm>> -> memref<100x100xf32, #tpu.memory_space<hbm>>
      %dma_wait3A_337 = arith.constant 0 : i32
      %dma_wait3A_338 = arith.constant 0 : i32
      %dma_wait3A_339 = tpu.memref_slice %arg4[%mul3A_0, %dma_wait3A_337, %dma_wait3A_338] : memref<4096x100x100xf32, #tpu.memory_space<hbm>> -> memref<1x100x100xf32, #tpu.memory_space<hbm>>
      %dma_wait3A_340 = tpu.memref_squeeze %dma_wait3A_339 : memref<1x100x100xf32, #tpu.memory_space<hbm>> -> memref<100x100xf32, #tpu.memory_space<hbm>>
      %dma_wait3A_341 = arith.constant 0 : i32
      %dma_wait3A_342 = arith.constant 0 : i32
      %dma_wait3A_343 = tpu.memref_slice %arg6[%dma_wait3A, %dma_wait3A_341, %dma_wait3A_342] : memref<8x100x100xf32, #tpu.memory_space<vmem>> -> memref<1x100x100xf32, #tpu.memory_space<vmem>>
      %dma_wait3A_344 = tpu.memref_squeeze %dma_wait3A_343 : memref<1x100x100xf32, #tpu.memory_space<vmem>> -> memref<100x100xf32, #tpu.memory_space<vmem>>
      tpu.wait_dma2 semaphore(%arg7 : memref<!tpu.dma_semaphore, #tpu.memory_space<semaphore_mem>>) src(%dma_wait3A_344 : memref<100x100xf32, #tpu.memory_space<vmem>>) dst(%dma_wait3A_340 : memref<100x100xf32, #tpu.memory_space<hbm>>)
    } else {
    }
    %gt3A_244 = arith.constant 15 : i32
    %gt3A_245 = arith.cmpi sgt, %scan3A_10#2, %gt3A_244 : i32
    %convert_element_type3A_246 = arith.extui %gt3A_245 : i1 to i32
    %cond3A_247 = arith.constant 0 : i32
    %cond3A_248 = arith.cmpi ne, %convert_element_type3A_246, %cond3A_247 : i32
    scf.if %cond3A_248 {
      %dma_wait3A = arith.constant 0 : i32
      %dma_wait3A_329 = arith.constant 0 : i32
      %dma_wait3A_330 = arith.constant 0 : i32
      %dma_wait3A_331 = tpu.memref_slice %arg6[%dma_wait3A, %dma_wait3A_329, %dma_wait3A_330] : memref<8x100x100xf32, #tpu.memory_space<vmem>> -> memref<1x100x100xf32, #tpu.memory_space<vmem>>
      %dma_wait3A_332 = tpu.memref_squeeze %dma_wait3A_331 : memref<1x100x100xf32, #tpu.memory_space<vmem>> -> memref<100x100xf32, #tpu.memory_space<vmem>>
      %dma_wait3A_333 = arith.constant 0 : i32
      %dma_wait3A_334 = arith.constant 0 : i32
      %dma_wait3A_335 = tpu.memref_slice %arg4[%mul3A_0, %dma_wait3A_333, %dma_wait3A_334] : memref<4096x100x100xf32, #tpu.memory_space<hbm>> -> memref<1x100x100xf32, #tpu.memory_space<hbm>>
      %dma_wait3A_336 = tpu.memref_squeeze %dma_wait3A_335 : memref<1x100x100xf32, #tpu.memory_space<hbm>> -> memref<100x100xf32, #tpu.memory_space<hbm>>
      %dma_wait3A_337 = arith.constant 0 : i32
      %dma_wait3A_338 = arith.constant 0 : i32
      %dma_wait3A_339 = tpu.memref_slice %arg4[%mul3A_0, %dma_wait3A_337, %dma_wait3A_338] : memref<4096x100x100xf32, #tpu.memory_space<hbm>> -> memref<1x100x100xf32, #tpu.memory_space<hbm>>
      %dma_wait3A_340 = tpu.memref_squeeze %dma_wait3A_339 : memref<1x100x100xf32, #tpu.memory_space<hbm>> -> memref<100x100xf32, #tpu.memory_space<hbm>>
      %dma_wait3A_341 = arith.constant 0 : i32
      %dma_wait3A_342 = arith.constant 0 : i32
      %dma_wait3A_343 = tpu.memref_slice %arg6[%dma_wait3A, %dma_wait3A_341, %dma_wait3A_342] : memref<8x100x100xf32, #tpu.memory_space<vmem>> -> memref<1x100x100xf32, #tpu.memory_space<vmem>>
      %dma_wait3A_344 = tpu.memref_squeeze %dma_wait3A_343 : memref<1x100x100xf32, #tpu.memory_space<vmem>> -> memref<100x100xf32, #tpu.memory_space<vmem>>
      tpu.wait_dma2 semaphore(%arg7 : memref<!tpu.dma_semaphore, #tpu.memory_space<semaphore_mem>>) src(%dma_wait3A_344 : memref<100x100xf32, #tpu.memory_space<vmem>>) dst(%dma_wait3A_340 : memref<100x100xf32, #tpu.memory_space<hbm>>)
    } else {
    }
    %gt3A_249 = arith.constant 0 : i32
    %gt3A_250 = arith.cmpi sgt, %scan3A_10#3, %gt3A_249 : i32
    %convert_element_type3A_251 = arith.extui %gt3A_250 : i1 to i32
    %cond3A_252 = arith.constant 0 : i32
    %cond3A_253 = arith.cmpi ne, %convert_element_type3A_251, %cond3A_252 : i32
    scf.if %cond3A_253 {
      %dma_wait3A = arith.constant 0 : i32
      %dma_wait3A_329 = arith.constant 0 : i32
      %dma_wait3A_330 = arith.constant 0 : i32
      %dma_wait3A_331 = tpu.memref_slice %arg6[%dma_wait3A, %dma_wait3A_329, %dma_wait3A_330] : memref<8x100x100xf32, #tpu.memory_space<vmem>> -> memref<1x100x100xf32, #tpu.memory_space<vmem>>
      %dma_wait3A_332 = tpu.memref_squeeze %dma_wait3A_331 : memref<1x100x100xf32, #tpu.memory_space<vmem>> -> memref<100x100xf32, #tpu.memory_space<vmem>>
      %dma_wait3A_333 = arith.constant 0 : i32
      %dma_wait3A_334 = arith.constant 0 : i32
      %dma_wait3A_335 = tpu.memref_slice %arg4[%mul3A_0, %dma_wait3A_333, %dma_wait3A_334] : memref<4096x100x100xf32, #tpu.memory_space<hbm>> -> memref<1x100x100xf32, #tpu.memory_space<hbm>>
      %dma_wait3A_336 = tpu.memref_squeeze %dma_wait3A_335 : memref<1x100x100xf32, #tpu.memory_space<hbm>> -> memref<100x100xf32, #tpu.memory_space<hbm>>
      %dma_wait3A_337 = arith.constant 0 : i32
      %dma_wait3A_338 = arith.constant 0 : i32
      %dma_wait3A_339 = tpu.memref_slice %arg4[%mul3A_0, %dma_wait3A_337, %dma_wait3A_338] : memref<4096x100x100xf32, #tpu.memory_space<hbm>> -> memref<1x100x100xf32, #tpu.memory_space<hbm>>
      %dma_wait3A_340 = tpu.memref_squeeze %dma_wait3A_339 : memref<1x100x100xf32, #tpu.memory_space<hbm>> -> memref<100x100xf32, #tpu.memory_space<hbm>>
      %dma_wait3A_341 = arith.constant 0 : i32
      %dma_wait3A_342 = arith.constant 0 : i32
      %dma_wait3A_343 = tpu.memref_slice %arg6[%dma_wait3A, %dma_wait3A_341, %dma_wait3A_342] : memref<8x100x100xf32, #tpu.memory_space<vmem>> -> memref<1x100x100xf32, #tpu.memory_space<vmem>>
      %dma_wait3A_344 = tpu.memref_squeeze %dma_wait3A_343 : memref<1x100x100xf32, #tpu.memory_space<vmem>> -> memref<100x100xf32, #tpu.memory_space<vmem>>
      tpu.wait_dma2 semaphore(%arg7 : memref<!tpu.dma_semaphore, #tpu.memory_space<semaphore_mem>>) src(%dma_wait3A_344 : memref<100x100xf32, #tpu.memory_space<vmem>>) dst(%dma_wait3A_340 : memref<100x100xf32, #tpu.memory_space<hbm>>)
    } else {
    }
    %gt3A_254 = arith.constant 1 : i32
    %gt3A_255 = arith.cmpi sgt, %scan3A_10#3, %gt3A_254 : i32
    %convert_element_type3A_256 = arith.extui %gt3A_255 : i1 to i32
    %cond3A_257 = arith.constant 0 : i32
    %cond3A_258 = arith.cmpi ne, %convert_element_type3A_256, %cond3A_257 : i32
    scf.if %cond3A_258 {
      %dma_wait3A = arith.constant 0 : i32
      %dma_wait3A_329 = arith.constant 0 : i32
      %dma_wait3A_330 = arith.constant 0 : i32
      %dma_wait3A_331 = tpu.memref_slice %arg6[%dma_wait3A, %dma_wait3A_329, %dma_wait3A_330] : memref<8x100x100xf32, #tpu.memory_space<vmem>> -> memref<1x100x100xf32, #tpu.memory_space<vmem>>
      %dma_wait3A_332 = tpu.memref_squeeze %dma_wait3A_331 : memref<1x100x100xf32, #tpu.memory_space<vmem>> -> memref<100x100xf32, #tpu.memory_space<vmem>>
      %dma_wait3A_333 = arith.constant 0 : i32
      %dma_wait3A_334 = arith.constant 0 : i32
      %dma_wait3A_335 = tpu.memref_slice %arg4[%mul3A_0, %dma_wait3A_333, %dma_wait3A_334] : memref<4096x100x100xf32, #tpu.memory_space<hbm>> -> memref<1x100x100xf32, #tpu.memory_space<hbm>>
      %dma_wait3A_336 = tpu.memref_squeeze %dma_wait3A_335 : memref<1x100x100xf32, #tpu.memory_space<hbm>> -> memref<100x100xf32, #tpu.memory_space<hbm>>
      %dma_wait3A_337 = arith.constant 0 : i32
      %dma_wait3A_338 = arith.constant 0 : i32
      %dma_wait3A_339 = tpu.memref_slice %arg4[%mul3A_0, %dma_wait3A_337, %dma_wait3A_338] : memref<4096x100x100xf32, #tpu.memory_space<hbm>> -> memref<1x100x100xf32, #tpu.memory_space<hbm>>
      %dma_wait3A_340 = tpu.memref_squeeze %dma_wait3A_339 : memref<1x100x100xf32, #tpu.memory_space<hbm>> -> memref<100x100xf32, #tpu.memory_space<hbm>>
      %dma_wait3A_341 = arith.constant 0 : i32
      %dma_wait3A_342 = arith.constant 0 : i32
      %dma_wait3A_343 = tpu.memref_slice %arg6[%dma_wait3A, %dma_wait3A_341, %dma_wait3A_342] : memref<8x100x100xf32, #tpu.memory_space<vmem>> -> memref<1x100x100xf32, #tpu.memory_space<vmem>>
      %dma_wait3A_344 = tpu.memref_squeeze %dma_wait3A_343 : memref<1x100x100xf32, #tpu.memory_space<vmem>> -> memref<100x100xf32, #tpu.memory_space<vmem>>
      tpu.wait_dma2 semaphore(%arg7 : memref<!tpu.dma_semaphore, #tpu.memory_space<semaphore_mem>>) src(%dma_wait3A_344 : memref<100x100xf32, #tpu.memory_space<vmem>>) dst(%dma_wait3A_340 : memref<100x100xf32, #tpu.memory_space<hbm>>)
    } else {
    }
    %gt3A_259 = arith.constant 2 : i32
    %gt3A_260 = arith.cmpi sgt, %scan3A_10#3, %gt3A_259 : i32
    %convert_element_type3A_261 = arith.extui %gt3A_260 : i1 to i32
    %cond3A_262 = arith.constant 0 : i32
    %cond3A_263 = arith.cmpi ne, %convert_element_type3A_261, %cond3A_262 : i32
    scf.if %cond3A_263 {
      %dma_wait3A = arith.constant 0 : i32
      %dma_wait3A_329 = arith.constant 0 : i32
      %dma_wait3A_330 = arith.constant 0 : i32
      %dma_wait3A_331 = tpu.memref_slice %arg6[%dma_wait3A, %dma_wait3A_329, %dma_wait3A_330] : memref<8x100x100xf32, #tpu.memory_space<vmem>> -> memref<1x100x100xf32, #tpu.memory_space<vmem>>
      %dma_wait3A_332 = tpu.memref_squeeze %dma_wait3A_331 : memref<1x100x100xf32, #tpu.memory_space<vmem>> -> memref<100x100xf32, #tpu.memory_space<vmem>>
      %dma_wait3A_333 = arith.constant 0 : i32
      %dma_wait3A_334 = arith.constant 0 : i32
      %dma_wait3A_335 = tpu.memref_slice %arg4[%mul3A_0, %dma_wait3A_333, %dma_wait3A_334] : memref<4096x100x100xf32, #tpu.memory_space<hbm>> -> memref<1x100x100xf32, #tpu.memory_space<hbm>>
      %dma_wait3A_336 = tpu.memref_squeeze %dma_wait3A_335 : memref<1x100x100xf32, #tpu.memory_space<hbm>> -> memref<100x100xf32, #tpu.memory_space<hbm>>
      %dma_wait3A_337 = arith.constant 0 : i32
      %dma_wait3A_338 = arith.constant 0 : i32
      %dma_wait3A_339 = tpu.memref_slice %arg4[%mul3A_0, %dma_wait3A_337, %dma_wait3A_338] : memref<4096x100x100xf32, #tpu.memory_space<hbm>> -> memref<1x100x100xf32, #tpu.memory_space<hbm>>
      %dma_wait3A_340 = tpu.memref_squeeze %dma_wait3A_339 : memref<1x100x100xf32, #tpu.memory_space<hbm>> -> memref<100x100xf32, #tpu.memory_space<hbm>>
      %dma_wait3A_341 = arith.constant 0 : i32
      %dma_wait3A_342 = arith.constant 0 : i32
      %dma_wait3A_343 = tpu.memref_slice %arg6[%dma_wait3A, %dma_wait3A_341, %dma_wait3A_342] : memref<8x100x100xf32, #tpu.memory_space<vmem>> -> memref<1x100x100xf32, #tpu.memory_space<vmem>>
      %dma_wait3A_344 = tpu.memref_squeeze %dma_wait3A_343 : memref<1x100x100xf32, #tpu.memory_space<vmem>> -> memref<100x100xf32, #tpu.memory_space<vmem>>
      tpu.wait_dma2 semaphore(%arg7 : memref<!tpu.dma_semaphore, #tpu.memory_space<semaphore_mem>>) src(%dma_wait3A_344 : memref<100x100xf32, #tpu.memory_space<vmem>>) dst(%dma_wait3A_340 : memref<100x100xf32, #tpu.memory_space<hbm>>)
    } else {
    }
    %gt3A_264 = arith.constant 3 : i32
    %gt3A_265 = arith.cmpi sgt, %scan3A_10#3, %gt3A_264 : i32
    %convert_element_type3A_266 = arith.extui %gt3A_265 : i1 to i32
    %cond3A_267 = arith.constant 0 : i32
    %cond3A_268 = arith.cmpi ne, %convert_element_type3A_266, %cond3A_267 : i32
    scf.if %cond3A_268 {
      %dma_wait3A = arith.constant 0 : i32
      %dma_wait3A_329 = arith.constant 0 : i32
      %dma_wait3A_330 = arith.constant 0 : i32
      %dma_wait3A_331 = tpu.memref_slice %arg6[%dma_wait3A, %dma_wait3A_329, %dma_wait3A_330] : memref<8x100x100xf32, #tpu.memory_space<vmem>> -> memref<1x100x100xf32, #tpu.memory_space<vmem>>
      %dma_wait3A_332 = tpu.memref_squeeze %dma_wait3A_331 : memref<1x100x100xf32, #tpu.memory_space<vmem>> -> memref<100x100xf32, #tpu.memory_space<vmem>>
      %dma_wait3A_333 = arith.constant 0 : i32
      %dma_wait3A_334 = arith.constant 0 : i32
      %dma_wait3A_335 = tpu.memref_slice %arg4[%mul3A_0, %dma_wait3A_333, %dma_wait3A_334] : memref<4096x100x100xf32, #tpu.memory_space<hbm>> -> memref<1x100x100xf32, #tpu.memory_space<hbm>>
      %dma_wait3A_336 = tpu.memref_squeeze %dma_wait3A_335 : memref<1x100x100xf32, #tpu.memory_space<hbm>> -> memref<100x100xf32, #tpu.memory_space<hbm>>
      %dma_wait3A_337 = arith.constant 0 : i32
      %dma_wait3A_338 = arith.constant 0 : i32
      %dma_wait3A_339 = tpu.memref_slice %arg4[%mul3A_0, %dma_wait3A_337, %dma_wait3A_338] : memref<4096x100x100xf32, #tpu.memory_space<hbm>> -> memref<1x100x100xf32, #tpu.memory_space<hbm>>
      %dma_wait3A_340 = tpu.memref_squeeze %dma_wait3A_339 : memref<1x100x100xf32, #tpu.memory_space<hbm>> -> memref<100x100xf32, #tpu.memory_space<hbm>>
      %dma_wait3A_341 = arith.constant 0 : i32
      %dma_wait3A_342 = arith.constant 0 : i32
      %dma_wait3A_343 = tpu.memref_slice %arg6[%dma_wait3A, %dma_wait3A_341, %dma_wait3A_342] : memref<8x100x100xf32, #tpu.memory_space<vmem>> -> memref<1x100x100xf32, #tpu.memory_space<vmem>>
      %dma_wait3A_344 = tpu.memref_squeeze %dma_wait3A_343 : memref<1x100x100xf32, #tpu.memory_space<vmem>> -> memref<100x100xf32, #tpu.memory_space<vmem>>
      tpu.wait_dma2 semaphore(%arg7 : memref<!tpu.dma_semaphore, #tpu.memory_space<semaphore_mem>>) src(%dma_wait3A_344 : memref<100x100xf32, #tpu.memory_space<vmem>>) dst(%dma_wait3A_340 : memref<100x100xf32, #tpu.memory_space<hbm>>)
    } else {
    }
    %gt3A_269 = arith.constant 4 : i32
    %gt3A_270 = arith.cmpi sgt, %scan3A_10#3, %gt3A_269 : i32
    %convert_element_type3A_271 = arith.extui %gt3A_270 : i1 to i32
    %cond3A_272 = arith.constant 0 : i32
    %cond3A_273 = arith.cmpi ne, %convert_element_type3A_271, %cond3A_272 : i32
    scf.if %cond3A_273 {
      %dma_wait3A = arith.constant 0 : i32
      %dma_wait3A_329 = arith.constant 0 : i32
      %dma_wait3A_330 = arith.constant 0 : i32
      %dma_wait3A_331 = tpu.memref_slice %arg6[%dma_wait3A, %dma_wait3A_329, %dma_wait3A_330] : memref<8x100x100xf32, #tpu.memory_space<vmem>> -> memref<1x100x100xf32, #tpu.memory_space<vmem>>
      %dma_wait3A_332 = tpu.memref_squeeze %dma_wait3A_331 : memref<1x100x100xf32, #tpu.memory_space<vmem>> -> memref<100x100xf32, #tpu.memory_space<vmem>>
      %dma_wait3A_333 = arith.constant 0 : i32
      %dma_wait3A_334 = arith.constant 0 : i32
      %dma_wait3A_335 = tpu.memref_slice %arg4[%mul3A_0, %dma_wait3A_333, %dma_wait3A_334] : memref<4096x100x100xf32, #tpu.memory_space<hbm>> -> memref<1x100x100xf32, #tpu.memory_space<hbm>>
      %dma_wait3A_336 = tpu.memref_squeeze %dma_wait3A_335 : memref<1x100x100xf32, #tpu.memory_space<hbm>> -> memref<100x100xf32, #tpu.memory_space<hbm>>
      %dma_wait3A_337 = arith.constant 0 : i32
      %dma_wait3A_338 = arith.constant 0 : i32
      %dma_wait3A_339 = tpu.memref_slice %arg4[%mul3A_0, %dma_wait3A_337, %dma_wait3A_338] : memref<4096x100x100xf32, #tpu.memory_space<hbm>> -> memref<1x100x100xf32, #tpu.memory_space<hbm>>
      %dma_wait3A_340 = tpu.memref_squeeze %dma_wait3A_339 : memref<1x100x100xf32, #tpu.memory_space<hbm>> -> memref<100x100xf32, #tpu.memory_space<hbm>>
      %dma_wait3A_341 = arith.constant 0 : i32
      %dma_wait3A_342 = arith.constant 0 : i32
      %dma_wait3A_343 = tpu.memref_slice %arg6[%dma_wait3A, %dma_wait3A_341, %dma_wait3A_342] : memref<8x100x100xf32, #tpu.memory_space<vmem>> -> memref<1x100x100xf32, #tpu.memory_space<vmem>>
      %dma_wait3A_344 = tpu.memref_squeeze %dma_wait3A_343 : memref<1x100x100xf32, #tpu.memory_space<vmem>> -> memref<100x100xf32, #tpu.memory_space<vmem>>
      tpu.wait_dma2 semaphore(%arg7 : memref<!tpu.dma_semaphore, #tpu.memory_space<semaphore_mem>>) src(%dma_wait3A_344 : memref<100x100xf32, #tpu.memory_space<vmem>>) dst(%dma_wait3A_340 : memref<100x100xf32, #tpu.memory_space<hbm>>)
    } else {
    }
    %gt3A_274 = arith.constant 5 : i32
    %gt3A_275 = arith.cmpi sgt, %scan3A_10#3, %gt3A_274 : i32
    %convert_element_type3A_276 = arith.extui %gt3A_275 : i1 to i32
    %cond3A_277 = arith.constant 0 : i32
    %cond3A_278 = arith.cmpi ne, %convert_element_type3A_276, %cond3A_277 : i32
    scf.if %cond3A_278 {
      %dma_wait3A = arith.constant 0 : i32
      %dma_wait3A_329 = arith.constant 0 : i32
      %dma_wait3A_330 = arith.constant 0 : i32
      %dma_wait3A_331 = tpu.memref_slice %arg6[%dma_wait3A, %dma_wait3A_329, %dma_wait3A_330] : memref<8x100x100xf32, #tpu.memory_space<vmem>> -> memref<1x100x100xf32, #tpu.memory_space<vmem>>
      %dma_wait3A_332 = tpu.memref_squeeze %dma_wait3A_331 : memref<1x100x100xf32, #tpu.memory_space<vmem>> -> memref<100x100xf32, #tpu.memory_space<vmem>>
      %dma_wait3A_333 = arith.constant 0 : i32
      %dma_wait3A_334 = arith.constant 0 : i32
      %dma_wait3A_335 = tpu.memref_slice %arg4[%mul3A_0, %dma_wait3A_333, %dma_wait3A_334] : memref<4096x100x100xf32, #tpu.memory_space<hbm>> -> memref<1x100x100xf32, #tpu.memory_space<hbm>>
      %dma_wait3A_336 = tpu.memref_squeeze %dma_wait3A_335 : memref<1x100x100xf32, #tpu.memory_space<hbm>> -> memref<100x100xf32, #tpu.memory_space<hbm>>
      %dma_wait3A_337 = arith.constant 0 : i32
      %dma_wait3A_338 = arith.constant 0 : i32
      %dma_wait3A_339 = tpu.memref_slice %arg4[%mul3A_0, %dma_wait3A_337, %dma_wait3A_338] : memref<4096x100x100xf32, #tpu.memory_space<hbm>> -> memref<1x100x100xf32, #tpu.memory_space<hbm>>
      %dma_wait3A_340 = tpu.memref_squeeze %dma_wait3A_339 : memref<1x100x100xf32, #tpu.memory_space<hbm>> -> memref<100x100xf32, #tpu.memory_space<hbm>>
      %dma_wait3A_341 = arith.constant 0 : i32
      %dma_wait3A_342 = arith.constant 0 : i32
      %dma_wait3A_343 = tpu.memref_slice %arg6[%dma_wait3A, %dma_wait3A_341, %dma_wait3A_342] : memref<8x100x100xf32, #tpu.memory_space<vmem>> -> memref<1x100x100xf32, #tpu.memory_space<vmem>>
      %dma_wait3A_344 = tpu.memref_squeeze %dma_wait3A_343 : memref<1x100x100xf32, #tpu.memory_space<vmem>> -> memref<100x100xf32, #tpu.memory_space<vmem>>
      tpu.wait_dma2 semaphore(%arg7 : memref<!tpu.dma_semaphore, #tpu.memory_space<semaphore_mem>>) src(%dma_wait3A_344 : memref<100x100xf32, #tpu.memory_space<vmem>>) dst(%dma_wait3A_340 : memref<100x100xf32, #tpu.memory_space<hbm>>)
    } else {
    }
    %gt3A_279 = arith.constant 6 : i32
    %gt3A_280 = arith.cmpi sgt, %scan3A_10#3, %gt3A_279 : i32
    %convert_element_type3A_281 = arith.extui %gt3A_280 : i1 to i32
    %cond3A_282 = arith.constant 0 : i32
    %cond3A_283 = arith.cmpi ne, %convert_element_type3A_281, %cond3A_282 : i32
    scf.if %cond3A_283 {
      %dma_wait3A = arith.constant 0 : i32
      %dma_wait3A_329 = arith.constant 0 : i32
      %dma_wait3A_330 = arith.constant 0 : i32
      %dma_wait3A_331 = tpu.memref_slice %arg6[%dma_wait3A, %dma_wait3A_329, %dma_wait3A_330] : memref<8x100x100xf32, #tpu.memory_space<vmem>> -> memref<1x100x100xf32, #tpu.memory_space<vmem>>
      %dma_wait3A_332 = tpu.memref_squeeze %dma_wait3A_331 : memref<1x100x100xf32, #tpu.memory_space<vmem>> -> memref<100x100xf32, #tpu.memory_space<vmem>>
      %dma_wait3A_333 = arith.constant 0 : i32
      %dma_wait3A_334 = arith.constant 0 : i32
      %dma_wait3A_335 = tpu.memref_slice %arg4[%mul3A_0, %dma_wait3A_333, %dma_wait3A_334] : memref<4096x100x100xf32, #tpu.memory_space<hbm>> -> memref<1x100x100xf32, #tpu.memory_space<hbm>>
      %dma_wait3A_336 = tpu.memref_squeeze %dma_wait3A_335 : memref<1x100x100xf32, #tpu.memory_space<hbm>> -> memref<100x100xf32, #tpu.memory_space<hbm>>
      %dma_wait3A_337 = arith.constant 0 : i32
      %dma_wait3A_338 = arith.constant 0 : i32
      %dma_wait3A_339 = tpu.memref_slice %arg4[%mul3A_0, %dma_wait3A_337, %dma_wait3A_338] : memref<4096x100x100xf32, #tpu.memory_space<hbm>> -> memref<1x100x100xf32, #tpu.memory_space<hbm>>
      %dma_wait3A_340 = tpu.memref_squeeze %dma_wait3A_339 : memref<1x100x100xf32, #tpu.memory_space<hbm>> -> memref<100x100xf32, #tpu.memory_space<hbm>>
      %dma_wait3A_341 = arith.constant 0 : i32
      %dma_wait3A_342 = arith.constant 0 : i32
      %dma_wait3A_343 = tpu.memref_slice %arg6[%dma_wait3A, %dma_wait3A_341, %dma_wait3A_342] : memref<8x100x100xf32, #tpu.memory_space<vmem>> -> memref<1x100x100xf32, #tpu.memory_space<vmem>>
      %dma_wait3A_344 = tpu.memref_squeeze %dma_wait3A_343 : memref<1x100x100xf32, #tpu.memory_space<vmem>> -> memref<100x100xf32, #tpu.memory_space<vmem>>
      tpu.wait_dma2 semaphore(%arg7 : memref<!tpu.dma_semaphore, #tpu.memory_space<semaphore_mem>>) src(%dma_wait3A_344 : memref<100x100xf32, #tpu.memory_space<vmem>>) dst(%dma_wait3A_340 : memref<100x100xf32, #tpu.memory_space<hbm>>)
    } else {
    }
    %gt3A_284 = arith.constant 7 : i32
    %gt3A_285 = arith.cmpi sgt, %scan3A_10#3, %gt3A_284 : i32
    %convert_element_type3A_286 = arith.extui %gt3A_285 : i1 to i32
    %cond3A_287 = arith.constant 0 : i32
    %cond3A_288 = arith.cmpi ne, %convert_element_type3A_286, %cond3A_287 : i32
    scf.if %cond3A_288 {
      %dma_wait3A = arith.constant 0 : i32
      %dma_wait3A_329 = arith.constant 0 : i32
      %dma_wait3A_330 = arith.constant 0 : i32
      %dma_wait3A_331 = tpu.memref_slice %arg6[%dma_wait3A, %dma_wait3A_329, %dma_wait3A_330] : memref<8x100x100xf32, #tpu.memory_space<vmem>> -> memref<1x100x100xf32, #tpu.memory_space<vmem>>
      %dma_wait3A_332 = tpu.memref_squeeze %dma_wait3A_331 : memref<1x100x100xf32, #tpu.memory_space<vmem>> -> memref<100x100xf32, #tpu.memory_space<vmem>>
      %dma_wait3A_333 = arith.constant 0 : i32
      %dma_wait3A_334 = arith.constant 0 : i32
      %dma_wait3A_335 = tpu.memref_slice %arg4[%mul3A_0, %dma_wait3A_333, %dma_wait3A_334] : memref<4096x100x100xf32, #tpu.memory_space<hbm>> -> memref<1x100x100xf32, #tpu.memory_space<hbm>>
      %dma_wait3A_336 = tpu.memref_squeeze %dma_wait3A_335 : memref<1x100x100xf32, #tpu.memory_space<hbm>> -> memref<100x100xf32, #tpu.memory_space<hbm>>
      %dma_wait3A_337 = arith.constant 0 : i32
      %dma_wait3A_338 = arith.constant 0 : i32
      %dma_wait3A_339 = tpu.memref_slice %arg4[%mul3A_0, %dma_wait3A_337, %dma_wait3A_338] : memref<4096x100x100xf32, #tpu.memory_space<hbm>> -> memref<1x100x100xf32, #tpu.memory_space<hbm>>
      %dma_wait3A_340 = tpu.memref_squeeze %dma_wait3A_339 : memref<1x100x100xf32, #tpu.memory_space<hbm>> -> memref<100x100xf32, #tpu.memory_space<hbm>>
      %dma_wait3A_341 = arith.constant 0 : i32
      %dma_wait3A_342 = arith.constant 0 : i32
      %dma_wait3A_343 = tpu.memref_slice %arg6[%dma_wait3A, %dma_wait3A_341, %dma_wait3A_342] : memref<8x100x100xf32, #tpu.memory_space<vmem>> -> memref<1x100x100xf32, #tpu.memory_space<vmem>>
      %dma_wait3A_344 = tpu.memref_squeeze %dma_wait3A_343 : memref<1x100x100xf32, #tpu.memory_space<vmem>> -> memref<100x100xf32, #tpu.memory_space<vmem>>
      tpu.wait_dma2 semaphore(%arg7 : memref<!tpu.dma_semaphore, #tpu.memory_space<semaphore_mem>>) src(%dma_wait3A_344 : memref<100x100xf32, #tpu.memory_space<vmem>>) dst(%dma_wait3A_340 : memref<100x100xf32, #tpu.memory_space<hbm>>)
    } else {
    }
    %gt3A_289 = arith.constant 8 : i32
    %gt3A_290 = arith.cmpi sgt, %scan3A_10#3, %gt3A_289 : i32
    %convert_element_type3A_291 = arith.extui %gt3A_290 : i1 to i32
    %cond3A_292 = arith.constant 0 : i32
    %cond3A_293 = arith.cmpi ne, %convert_element_type3A_291, %cond3A_292 : i32
    scf.if %cond3A_293 {
      %dma_wait3A = arith.constant 0 : i32
      %dma_wait3A_329 = arith.constant 0 : i32
      %dma_wait3A_330 = arith.constant 0 : i32
      %dma_wait3A_331 = tpu.memref_slice %arg6[%dma_wait3A, %dma_wait3A_329, %dma_wait3A_330] : memref<8x100x100xf32, #tpu.memory_space<vmem>> -> memref<1x100x100xf32, #tpu.memory_space<vmem>>
      %dma_wait3A_332 = tpu.memref_squeeze %dma_wait3A_331 : memref<1x100x100xf32, #tpu.memory_space<vmem>> -> memref<100x100xf32, #tpu.memory_space<vmem>>
      %dma_wait3A_333 = arith.constant 0 : i32
      %dma_wait3A_334 = arith.constant 0 : i32
      %dma_wait3A_335 = tpu.memref_slice %arg4[%mul3A_0, %dma_wait3A_333, %dma_wait3A_334] : memref<4096x100x100xf32, #tpu.memory_space<hbm>> -> memref<1x100x100xf32, #tpu.memory_space<hbm>>
      %dma_wait3A_336 = tpu.memref_squeeze %dma_wait3A_335 : memref<1x100x100xf32, #tpu.memory_space<hbm>> -> memref<100x100xf32, #tpu.memory_space<hbm>>
      %dma_wait3A_337 = arith.constant 0 : i32
      %dma_wait3A_338 = arith.constant 0 : i32
      %dma_wait3A_339 = tpu.memref_slice %arg4[%mul3A_0, %dma_wait3A_337, %dma_wait3A_338] : memref<4096x100x100xf32, #tpu.memory_space<hbm>> -> memref<1x100x100xf32, #tpu.memory_space<hbm>>
      %dma_wait3A_340 = tpu.memref_squeeze %dma_wait3A_339 : memref<1x100x100xf32, #tpu.memory_space<hbm>> -> memref<100x100xf32, #tpu.memory_space<hbm>>
      %dma_wait3A_341 = arith.constant 0 : i32
      %dma_wait3A_342 = arith.constant 0 : i32
      %dma_wait3A_343 = tpu.memref_slice %arg6[%dma_wait3A, %dma_wait3A_341, %dma_wait3A_342] : memref<8x100x100xf32, #tpu.memory_space<vmem>> -> memref<1x100x100xf32, #tpu.memory_space<vmem>>
      %dma_wait3A_344 = tpu.memref_squeeze %dma_wait3A_343 : memref<1x100x100xf32, #tpu.memory_space<vmem>> -> memref<100x100xf32, #tpu.memory_space<vmem>>
      tpu.wait_dma2 semaphore(%arg7 : memref<!tpu.dma_semaphore, #tpu.memory_space<semaphore_mem>>) src(%dma_wait3A_344 : memref<100x100xf32, #tpu.memory_space<vmem>>) dst(%dma_wait3A_340 : memref<100x100xf32, #tpu.memory_space<hbm>>)
    } else {
    }
    %gt3A_294 = arith.constant 9 : i32
    %gt3A_295 = arith.cmpi sgt, %scan3A_10#3, %gt3A_294 : i32
    %convert_element_type3A_296 = arith.extui %gt3A_295 : i1 to i32
    %cond3A_297 = arith.constant 0 : i32
    %cond3A_298 = arith.cmpi ne, %convert_element_type3A_296, %cond3A_297 : i32
    scf.if %cond3A_298 {
      %dma_wait3A = arith.constant 0 : i32
      %dma_wait3A_329 = arith.constant 0 : i32
      %dma_wait3A_330 = arith.constant 0 : i32
      %dma_wait3A_331 = tpu.memref_slice %arg6[%dma_wait3A, %dma_wait3A_329, %dma_wait3A_330] : memref<8x100x100xf32, #tpu.memory_space<vmem>> -> memref<1x100x100xf32, #tpu.memory_space<vmem>>
      %dma_wait3A_332 = tpu.memref_squeeze %dma_wait3A_331 : memref<1x100x100xf32, #tpu.memory_space<vmem>> -> memref<100x100xf32, #tpu.memory_space<vmem>>
      %dma_wait3A_333 = arith.constant 0 : i32
      %dma_wait3A_334 = arith.constant 0 : i32
      %dma_wait3A_335 = tpu.memref_slice %arg4[%mul3A_0, %dma_wait3A_333, %dma_wait3A_334] : memref<4096x100x100xf32, #tpu.memory_space<hbm>> -> memref<1x100x100xf32, #tpu.memory_space<hbm>>
      %dma_wait3A_336 = tpu.memref_squeeze %dma_wait3A_335 : memref<1x100x100xf32, #tpu.memory_space<hbm>> -> memref<100x100xf32, #tpu.memory_space<hbm>>
      %dma_wait3A_337 = arith.constant 0 : i32
      %dma_wait3A_338 = arith.constant 0 : i32
      %dma_wait3A_339 = tpu.memref_slice %arg4[%mul3A_0, %dma_wait3A_337, %dma_wait3A_338] : memref<4096x100x100xf32, #tpu.memory_space<hbm>> -> memref<1x100x100xf32, #tpu.memory_space<hbm>>
      %dma_wait3A_340 = tpu.memref_squeeze %dma_wait3A_339 : memref<1x100x100xf32, #tpu.memory_space<hbm>> -> memref<100x100xf32, #tpu.memory_space<hbm>>
      %dma_wait3A_341 = arith.constant 0 : i32
      %dma_wait3A_342 = arith.constant 0 : i32
      %dma_wait3A_343 = tpu.memref_slice %arg6[%dma_wait3A, %dma_wait3A_341, %dma_wait3A_342] : memref<8x100x100xf32, #tpu.memory_space<vmem>> -> memref<1x100x100xf32, #tpu.memory_space<vmem>>
      %dma_wait3A_344 = tpu.memref_squeeze %dma_wait3A_343 : memref<1x100x100xf32, #tpu.memory_space<vmem>> -> memref<100x100xf32, #tpu.memory_space<vmem>>
      tpu.wait_dma2 semaphore(%arg7 : memref<!tpu.dma_semaphore, #tpu.memory_space<semaphore_mem>>) src(%dma_wait3A_344 : memref<100x100xf32, #tpu.memory_space<vmem>>) dst(%dma_wait3A_340 : memref<100x100xf32, #tpu.memory_space<hbm>>)
    } else {
    }
    %gt3A_299 = arith.constant 10 : i32
    %gt3A_300 = arith.cmpi sgt, %scan3A_10#3, %gt3A_299 : i32
    %convert_element_type3A_301 = arith.extui %gt3A_300 : i1 to i32
    %cond3A_302 = arith.constant 0 : i32
    %cond3A_303 = arith.cmpi ne, %convert_element_type3A_301, %cond3A_302 : i32
    scf.if %cond3A_303 {
      %dma_wait3A = arith.constant 0 : i32
      %dma_wait3A_329 = arith.constant 0 : i32
      %dma_wait3A_330 = arith.constant 0 : i32
      %dma_wait3A_331 = tpu.memref_slice %arg6[%dma_wait3A, %dma_wait3A_329, %dma_wait3A_330] : memref<8x100x100xf32, #tpu.memory_space<vmem>> -> memref<1x100x100xf32, #tpu.memory_space<vmem>>
      %dma_wait3A_332 = tpu.memref_squeeze %dma_wait3A_331 : memref<1x100x100xf32, #tpu.memory_space<vmem>> -> memref<100x100xf32, #tpu.memory_space<vmem>>
      %dma_wait3A_333 = arith.constant 0 : i32
      %dma_wait3A_334 = arith.constant 0 : i32
      %dma_wait3A_335 = tpu.memref_slice %arg4[%mul3A_0, %dma_wait3A_333, %dma_wait3A_334] : memref<4096x100x100xf32, #tpu.memory_space<hbm>> -> memref<1x100x100xf32, #tpu.memory_space<hbm>>
      %dma_wait3A_336 = tpu.memref_squeeze %dma_wait3A_335 : memref<1x100x100xf32, #tpu.memory_space<hbm>> -> memref<100x100xf32, #tpu.memory_space<hbm>>
      %dma_wait3A_337 = arith.constant 0 : i32
      %dma_wait3A_338 = arith.constant 0 : i32
      %dma_wait3A_339 = tpu.memref_slice %arg4[%mul3A_0, %dma_wait3A_337, %dma_wait3A_338] : memref<4096x100x100xf32, #tpu.memory_space<hbm>> -> memref<1x100x100xf32, #tpu.memory_space<hbm>>
      %dma_wait3A_340 = tpu.memref_squeeze %dma_wait3A_339 : memref<1x100x100xf32, #tpu.memory_space<hbm>> -> memref<100x100xf32, #tpu.memory_space<hbm>>
      %dma_wait3A_341 = arith.constant 0 : i32
      %dma_wait3A_342 = arith.constant 0 : i32
      %dma_wait3A_343 = tpu.memref_slice %arg6[%dma_wait3A, %dma_wait3A_341, %dma_wait3A_342] : memref<8x100x100xf32, #tpu.memory_space<vmem>> -> memref<1x100x100xf32, #tpu.memory_space<vmem>>
      %dma_wait3A_344 = tpu.memref_squeeze %dma_wait3A_343 : memref<1x100x100xf32, #tpu.memory_space<vmem>> -> memref<100x100xf32, #tpu.memory_space<vmem>>
      tpu.wait_dma2 semaphore(%arg7 : memref<!tpu.dma_semaphore, #tpu.memory_space<semaphore_mem>>) src(%dma_wait3A_344 : memref<100x100xf32, #tpu.memory_space<vmem>>) dst(%dma_wait3A_340 : memref<100x100xf32, #tpu.memory_space<hbm>>)
    } else {
    }
    %gt3A_304 = arith.constant 11 : i32
    %gt3A_305 = arith.cmpi sgt, %scan3A_10#3, %gt3A_304 : i32
    %convert_element_type3A_306 = arith.extui %gt3A_305 : i1 to i32
    %cond3A_307 = arith.constant 0 : i32
    %cond3A_308 = arith.cmpi ne, %convert_element_type3A_306, %cond3A_307 : i32
    scf.if %cond3A_308 {
      %dma_wait3A = arith.constant 0 : i32
      %dma_wait3A_329 = arith.constant 0 : i32
      %dma_wait3A_330 = arith.constant 0 : i32
      %dma_wait3A_331 = tpu.memref_slice %arg6[%dma_wait3A, %dma_wait3A_329, %dma_wait3A_330] : memref<8x100x100xf32, #tpu.memory_space<vmem>> -> memref<1x100x100xf32, #tpu.memory_space<vmem>>
      %dma_wait3A_332 = tpu.memref_squeeze %dma_wait3A_331 : memref<1x100x100xf32, #tpu.memory_space<vmem>> -> memref<100x100xf32, #tpu.memory_space<vmem>>
      %dma_wait3A_333 = arith.constant 0 : i32
      %dma_wait3A_334 = arith.constant 0 : i32
      %dma_wait3A_335 = tpu.memref_slice %arg4[%mul3A_0, %dma_wait3A_333, %dma_wait3A_334] : memref<4096x100x100xf32, #tpu.memory_space<hbm>> -> memref<1x100x100xf32, #tpu.memory_space<hbm>>
      %dma_wait3A_336 = tpu.memref_squeeze %dma_wait3A_335 : memref<1x100x100xf32, #tpu.memory_space<hbm>> -> memref<100x100xf32, #tpu.memory_space<hbm>>
      %dma_wait3A_337 = arith.constant 0 : i32
      %dma_wait3A_338 = arith.constant 0 : i32
      %dma_wait3A_339 = tpu.memref_slice %arg4[%mul3A_0, %dma_wait3A_337, %dma_wait3A_338] : memref<4096x100x100xf32, #tpu.memory_space<hbm>> -> memref<1x100x100xf32, #tpu.memory_space<hbm>>
      %dma_wait3A_340 = tpu.memref_squeeze %dma_wait3A_339 : memref<1x100x100xf32, #tpu.memory_space<hbm>> -> memref<100x100xf32, #tpu.memory_space<hbm>>
      %dma_wait3A_341 = arith.constant 0 : i32
      %dma_wait3A_342 = arith.constant 0 : i32
      %dma_wait3A_343 = tpu.memref_slice %arg6[%dma_wait3A, %dma_wait3A_341, %dma_wait3A_342] : memref<8x100x100xf32, #tpu.memory_space<vmem>> -> memref<1x100x100xf32, #tpu.memory_space<vmem>>
      %dma_wait3A_344 = tpu.memref_squeeze %dma_wait3A_343 : memref<1x100x100xf32, #tpu.memory_space<vmem>> -> memref<100x100xf32, #tpu.memory_space<vmem>>
      tpu.wait_dma2 semaphore(%arg7 : memref<!tpu.dma_semaphore, #tpu.memory_space<semaphore_mem>>) src(%dma_wait3A_344 : memref<100x100xf32, #tpu.memory_space<vmem>>) dst(%dma_wait3A_340 : memref<100x100xf32, #tpu.memory_space<hbm>>)
    } else {
    }
    %gt3A_309 = arith.constant 12 : i32
    %gt3A_310 = arith.cmpi sgt, %scan3A_10#3, %gt3A_309 : i32
    %convert_element_type3A_311 = arith.extui %gt3A_310 : i1 to i32
    %cond3A_312 = arith.constant 0 : i32
    %cond3A_313 = arith.cmpi ne, %convert_element_type3A_311, %cond3A_312 : i32
    scf.if %cond3A_313 {
      %dma_wait3A = arith.constant 0 : i32
      %dma_wait3A_329 = arith.constant 0 : i32
      %dma_wait3A_330 = arith.constant 0 : i32
      %dma_wait3A_331 = tpu.memref_slice %arg6[%dma_wait3A, %dma_wait3A_329, %dma_wait3A_330] : memref<8x100x100xf32, #tpu.memory_space<vmem>> -> memref<1x100x100xf32, #tpu.memory_space<vmem>>
      %dma_wait3A_332 = tpu.memref_squeeze %dma_wait3A_331 : memref<1x100x100xf32, #tpu.memory_space<vmem>> -> memref<100x100xf32, #tpu.memory_space<vmem>>
      %dma_wait3A_333 = arith.constant 0 : i32
      %dma_wait3A_334 = arith.constant 0 : i32
      %dma_wait3A_335 = tpu.memref_slice %arg4[%mul3A_0, %dma_wait3A_333, %dma_wait3A_334] : memref<4096x100x100xf32, #tpu.memory_space<hbm>> -> memref<1x100x100xf32, #tpu.memory_space<hbm>>
      %dma_wait3A_336 = tpu.memref_squeeze %dma_wait3A_335 : memref<1x100x100xf32, #tpu.memory_space<hbm>> -> memref<100x100xf32, #tpu.memory_space<hbm>>
      %dma_wait3A_337 = arith.constant 0 : i32
      %dma_wait3A_338 = arith.constant 0 : i32
      %dma_wait3A_339 = tpu.memref_slice %arg4[%mul3A_0, %dma_wait3A_337, %dma_wait3A_338] : memref<4096x100x100xf32, #tpu.memory_space<hbm>> -> memref<1x100x100xf32, #tpu.memory_space<hbm>>
      %dma_wait3A_340 = tpu.memref_squeeze %dma_wait3A_339 : memref<1x100x100xf32, #tpu.memory_space<hbm>> -> memref<100x100xf32, #tpu.memory_space<hbm>>
      %dma_wait3A_341 = arith.constant 0 : i32
      %dma_wait3A_342 = arith.constant 0 : i32
      %dma_wait3A_343 = tpu.memref_slice %arg6[%dma_wait3A, %dma_wait3A_341, %dma_wait3A_342] : memref<8x100x100xf32, #tpu.memory_space<vmem>> -> memref<1x100x100xf32, #tpu.memory_space<vmem>>
      %dma_wait3A_344 = tpu.memref_squeeze %dma_wait3A_343 : memref<1x100x100xf32, #tpu.memory_space<vmem>> -> memref<100x100xf32, #tpu.memory_space<vmem>>
      tpu.wait_dma2 semaphore(%arg7 : memref<!tpu.dma_semaphore, #tpu.memory_space<semaphore_mem>>) src(%dma_wait3A_344 : memref<100x100xf32, #tpu.memory_space<vmem>>) dst(%dma_wait3A_340 : memref<100x100xf32, #tpu.memory_space<hbm>>)
    } else {
    }
    %gt3A_314 = arith.constant 13 : i32
    %gt3A_315 = arith.cmpi sgt, %scan3A_10#3, %gt3A_314 : i32
    %convert_element_type3A_316 = arith.extui %gt3A_315 : i1 to i32
    %cond3A_317 = arith.constant 0 : i32
    %cond3A_318 = arith.cmpi ne, %convert_element_type3A_316, %cond3A_317 : i32
    scf.if %cond3A_318 {
      %dma_wait3A = arith.constant 0 : i32
      %dma_wait3A_329 = arith.constant 0 : i32
      %dma_wait3A_330 = arith.constant 0 : i32
      %dma_wait3A_331 = tpu.memref_slice %arg6[%dma_wait3A, %dma_wait3A_329, %dma_wait3A_330] : memref<8x100x100xf32, #tpu.memory_space<vmem>> -> memref<1x100x100xf32, #tpu.memory_space<vmem>>
      %dma_wait3A_332 = tpu.memref_squeeze %dma_wait3A_331 : memref<1x100x100xf32, #tpu.memory_space<vmem>> -> memref<100x100xf32, #tpu.memory_space<vmem>>
      %dma_wait3A_333 = arith.constant 0 : i32
      %dma_wait3A_334 = arith.constant 0 : i32
      %dma_wait3A_335 = tpu.memref_slice %arg4[%mul3A_0, %dma_wait3A_333, %dma_wait3A_334] : memref<4096x100x100xf32, #tpu.memory_space<hbm>> -> memref<1x100x100xf32, #tpu.memory_space<hbm>>
      %dma_wait3A_336 = tpu.memref_squeeze %dma_wait3A_335 : memref<1x100x100xf32, #tpu.memory_space<hbm>> -> memref<100x100xf32, #tpu.memory_space<hbm>>
      %dma_wait3A_337 = arith.constant 0 : i32
      %dma_wait3A_338 = arith.constant 0 : i32
      %dma_wait3A_339 = tpu.memref_slice %arg4[%mul3A_0, %dma_wait3A_337, %dma_wait3A_338] : memref<4096x100x100xf32, #tpu.memory_space<hbm>> -> memref<1x100x100xf32, #tpu.memory_space<hbm>>
      %dma_wait3A_340 = tpu.memref_squeeze %dma_wait3A_339 : memref<1x100x100xf32, #tpu.memory_space<hbm>> -> memref<100x100xf32, #tpu.memory_space<hbm>>
      %dma_wait3A_341 = arith.constant 0 : i32
      %dma_wait3A_342 = arith.constant 0 : i32
      %dma_wait3A_343 = tpu.memref_slice %arg6[%dma_wait3A, %dma_wait3A_341, %dma_wait3A_342] : memref<8x100x100xf32, #tpu.memory_space<vmem>> -> memref<1x100x100xf32, #tpu.memory_space<vmem>>
      %dma_wait3A_344 = tpu.memref_squeeze %dma_wait3A_343 : memref<1x100x100xf32, #tpu.memory_space<vmem>> -> memref<100x100xf32, #tpu.memory_space<vmem>>
      tpu.wait_dma2 semaphore(%arg7 : memref<!tpu.dma_semaphore, #tpu.memory_space<semaphore_mem>>) src(%dma_wait3A_344 : memref<100x100xf32, #tpu.memory_space<vmem>>) dst(%dma_wait3A_340 : memref<100x100xf32, #tpu.memory_space<hbm>>)
    } else {
    }
    %gt3A_319 = arith.constant 14 : i32
    %gt3A_320 = arith.cmpi sgt, %scan3A_10#3, %gt3A_319 : i32
    %convert_element_type3A_321 = arith.extui %gt3A_320 : i1 to i32
    %cond3A_322 = arith.constant 0 : i32
    %cond3A_323 = arith.cmpi ne, %convert_element_type3A_321, %cond3A_322 : i32
    scf.if %cond3A_323 {
      %dma_wait3A = arith.constant 0 : i32
      %dma_wait3A_329 = arith.constant 0 : i32
      %dma_wait3A_330 = arith.constant 0 : i32
      %dma_wait3A_331 = tpu.memref_slice %arg6[%dma_wait3A, %dma_wait3A_329, %dma_wait3A_330] : memref<8x100x100xf32, #tpu.memory_space<vmem>> -> memref<1x100x100xf32, #tpu.memory_space<vmem>>
      %dma_wait3A_332 = tpu.memref_squeeze %dma_wait3A_331 : memref<1x100x100xf32, #tpu.memory_space<vmem>> -> memref<100x100xf32, #tpu.memory_space<vmem>>
      %dma_wait3A_333 = arith.constant 0 : i32
      %dma_wait3A_334 = arith.constant 0 : i32
      %dma_wait3A_335 = tpu.memref_slice %arg4[%mul3A_0, %dma_wait3A_333, %dma_wait3A_334] : memref<4096x100x100xf32, #tpu.memory_space<hbm>> -> memref<1x100x100xf32, #tpu.memory_space<hbm>>
      %dma_wait3A_336 = tpu.memref_squeeze %dma_wait3A_335 : memref<1x100x100xf32, #tpu.memory_space<hbm>> -> memref<100x100xf32, #tpu.memory_space<hbm>>
      %dma_wait3A_337 = arith.constant 0 : i32
      %dma_wait3A_338 = arith.constant 0 : i32
      %dma_wait3A_339 = tpu.memref_slice %arg4[%mul3A_0, %dma_wait3A_337, %dma_wait3A_338] : memref<4096x100x100xf32, #tpu.memory_space<hbm>> -> memref<1x100x100xf32, #tpu.memory_space<hbm>>
      %dma_wait3A_340 = tpu.memref_squeeze %dma_wait3A_339 : memref<1x100x100xf32, #tpu.memory_space<hbm>> -> memref<100x100xf32, #tpu.memory_space<hbm>>
      %dma_wait3A_341 = arith.constant 0 : i32
      %dma_wait3A_342 = arith.constant 0 : i32
      %dma_wait3A_343 = tpu.memref_slice %arg6[%dma_wait3A, %dma_wait3A_341, %dma_wait3A_342] : memref<8x100x100xf32, #tpu.memory_space<vmem>> -> memref<1x100x100xf32, #tpu.memory_space<vmem>>
      %dma_wait3A_344 = tpu.memref_squeeze %dma_wait3A_343 : memref<1x100x100xf32, #tpu.memory_space<vmem>> -> memref<100x100xf32, #tpu.memory_space<vmem>>
      tpu.wait_dma2 semaphore(%arg7 : memref<!tpu.dma_semaphore, #tpu.memory_space<semaphore_mem>>) src(%dma_wait3A_344 : memref<100x100xf32, #tpu.memory_space<vmem>>) dst(%dma_wait3A_340 : memref<100x100xf32, #tpu.memory_space<hbm>>)
    } else {
    }
    %gt3A_324 = arith.constant 15 : i32
    %gt3A_325 = arith.cmpi sgt, %scan3A_10#3, %gt3A_324 : i32
    %convert_element_type3A_326 = arith.extui %gt3A_325 : i1 to i32
    %cond3A_327 = arith.constant 0 : i32
    %cond3A_328 = arith.cmpi ne, %convert_element_type3A_326, %cond3A_327 : i32
    scf.if %cond3A_328 {
      %dma_wait3A = arith.constant 0 : i32
      %dma_wait3A_329 = arith.constant 0 : i32
      %dma_wait3A_330 = arith.constant 0 : i32
      %dma_wait3A_331 = tpu.memref_slice %arg6[%dma_wait3A, %dma_wait3A_329, %dma_wait3A_330] : memref<8x100x100xf32, #tpu.memory_space<vmem>> -> memref<1x100x100xf32, #tpu.memory_space<vmem>>
      %dma_wait3A_332 = tpu.memref_squeeze %dma_wait3A_331 : memref<1x100x100xf32, #tpu.memory_space<vmem>> -> memref<100x100xf32, #tpu.memory_space<vmem>>
      %dma_wait3A_333 = arith.constant 0 : i32
      %dma_wait3A_334 = arith.constant 0 : i32
      %dma_wait3A_335 = tpu.memref_slice %arg4[%mul3A_0, %dma_wait3A_333, %dma_wait3A_334] : memref<4096x100x100xf32, #tpu.memory_space<hbm>> -> memref<1x100x100xf32, #tpu.memory_space<hbm>>
      %dma_wait3A_336 = tpu.memref_squeeze %dma_wait3A_335 : memref<1x100x100xf32, #tpu.memory_space<hbm>> -> memref<100x100xf32, #tpu.memory_space<hbm>>
      %dma_wait3A_337 = arith.constant 0 : i32
      %dma_wait3A_338 = arith.constant 0 : i32
      %dma_wait3A_339 = tpu.memref_slice %arg4[%mul3A_0, %dma_wait3A_337, %dma_wait3A_338] : memref<4096x100x100xf32, #tpu.memory_space<hbm>> -> memref<1x100x100xf32, #tpu.memory_space<hbm>>
      %dma_wait3A_340 = tpu.memref_squeeze %dma_wait3A_339 : memref<1x100x100xf32, #tpu.memory_space<hbm>> -> memref<100x100xf32, #tpu.memory_space<hbm>>
      %dma_wait3A_341 = arith.constant 0 : i32
      %dma_wait3A_342 = arith.constant 0 : i32
      %dma_wait3A_343 = tpu.memref_slice %arg6[%dma_wait3A, %dma_wait3A_341, %dma_wait3A_342] : memref<8x100x100xf32, #tpu.memory_space<vmem>> -> memref<1x100x100xf32, #tpu.memory_space<vmem>>
      %dma_wait3A_344 = tpu.memref_squeeze %dma_wait3A_343 : memref<1x100x100xf32, #tpu.memory_space<vmem>> -> memref<100x100xf32, #tpu.memory_space<vmem>>
      tpu.wait_dma2 semaphore(%arg7 : memref<!tpu.dma_semaphore, #tpu.memory_space<semaphore_mem>>) src(%dma_wait3A_344 : memref<100x100xf32, #tpu.memory_space<vmem>>) dst(%dma_wait3A_340 : memref<100x100xf32, #tpu.memory_space<hbm>>)
    } else {
    }
    return
  }
}

module attributes {stable_mosaic.version = 14 : i64} {
  func.func @_table_body(%arg0: memref<1x100x100xi32, #tpu.memory_space<vmem>>, %arg1: memref<128x100x100xf32, #tpu.memory_space<vmem>>) attributes {dimension_semantics = [], scalar_prefetch = 0 : i64, scratch_operands = 0 : i64, tpu.core_type = #tpu.core_type<tc>} {
    %get3A = arith.constant 0 : index
    %get3A_0 = arith.constant 0 : index
    %get3A_1 = arith.constant 0 : index
    %get3A_2 = vector.load %arg0[%get3A, %get3A_0, %get3A_1] : memref<1x100x100xi32, #tpu.memory_space<vmem>>, vector<1x100x100xi32>
    %iota3A = tpu.iota {dimensions = array<i32: 0>} : vector<128x1x1xi32>
    %lt3A = vector.broadcast %get3A_2 : vector<1x100x100xi32> to vector<128x100x100xi32>
    %lt3A_3 = vector.broadcast %iota3A : vector<128x1x1xi32> to vector<128x100x100xi32>
    %lt3A_4 = arith.cmpi slt, %lt3A, %lt3A_3 : vector<128x100x100xi32>
    %convert_element_type3A = arith.extui %lt3A_4 : vector<128x100x100xi1> to vector<128x100x100xi32>
    %convert_element_type3A_5 = arith.sitofp %convert_element_type3A : vector<128x100x100xi32> to vector<128x100x100xf32>
    %swap3A = arith.constant 0 : index
    %swap3A_6 = arith.constant 0 : index
    %swap3A_7 = arith.constant 0 : index
    %swap3A_8 = vector.load %arg1[%swap3A, %swap3A_6, %swap3A_7] : memref<128x100x100xf32, #tpu.memory_space<vmem>>, vector<128x100x100xf32>
    tpu.vector_store %arg1[%swap3A, %swap3A_6, %swap3A_7], %convert_element_type3A_5 {strides = array<i32>} : memref<128x100x100xf32, #tpu.memory_space<vmem>>, vector<128x100x100xf32>,
    return
  }
}

</mosaic_0001>

<sc_bundles>
// kernel: kernel.4.cloned.1.call-start
scs
__scs_entry_jumppad:
0x0: {  	(pc) =	sbr.rel $0x88, $3  }
0x1: {  	(tag) =	ssettag $0x0;
	lr =	simm.s32 $0x1  }
0x2: {  	[smem:$0x3FA0] =	sst lr;
	_ =	strace $0xD0000000  }
0x3: {  	_ = 	snop  }
0x4: {  	_ = 	snop  }
0x5: {  	_ = 	snop  }
0x6: {  	_ = 	snop  }
0x7: {  	_ = 	snop  }
__scs_overlays_trampoline_lowered:
0x8: {  	[smem:$0x3FAF] =	sst s0  }
0x9: {  	[smem:$0x3FB0] =	sst s1  }
0xa: {  	[smem:$0x3FB1] =	sst s2  }
0xb: {  	[smem:$0x3FB2] =	sst s3  }
0xc: {  	[smem:$0x3FB3] =	sst s4  }
0xd: {  	[smem:$0x3FB4] =	sst s5  }
0xe: {  	[smem:$0x3FB5] =	sst s6  }
0xf: {  	[smem:$0x3FB6] =	sst s7  }
0x10: {  	[smem:$0x3FB7] =	sst s8  }
0x11: {  	[smem:$0x3FB8] =	sst s9;
	s0 =	simm.s32 @!p0 $0x0  }
0x12: {  	s1 =	sld [smem:$0x3F9E];
	s0 =	simm.s32 @p0 $0x1  }
0x13: {  	[smem:$0x3FB9] =	sst s0;
	s0 =	simm.s32 @!p1 $0x0  }
0x14: {  	s2 =	sld [smem:$0x3F9D];
	s0 =	simm.s32 @p1 $0x1  }
0x15: {  	[smem:$0x3FBA] =	sst s0;
	s0 =	simm.s32 @!p2 $0x0  }
0x16: {  	s3 =	sld [smem:$0x3FDB];
	s0 =	simm.s32 @p2 $0x1  }
0x17: {  	s4 =	simm.s32 $0x1BF5;
	[smem:$0x3FBC] =	sst s0  }
0x18: {  	s0 =	sld [smem:$0x3F9F];
	_ =	swait.ge [sflag:s4], $0x0  }
0x19: {  	s7 =	sld [smem:$0x3FA0]  }
0x1a: {  	s8 =	sadd.s32 $0xFFFFE003, lr  }
0x1b: {  	s9 =	sadd.s32 $0xFFFFFEF7, lr;
	s5 =	simm.s32 $0xFFFFFFFF;
	p2 =	slt.u32 s8, $0xFFFFF086  }
0x1c: {  	p1 =	slt.u32 s9, $0xF7A;
	s5 =	simm.s32 @!p2 $0x0  }
0x1d: {  	s5 =	simm.s32 @p1 $0x1;
	p0 =	seq.s32 s7, s2  }
0x1e: {  	s7 =	smul.u32 @!p0 $0xF7A, s2;
	p2 =	seq.s32 @!p0 s5, $0x0  }
0x1f: {  	s9 =	smul.u32 $0xF7A, s1;
	s8 =	simm.s32 @!p0 $0x1BF5;
	p2 =	por !p2, p0  }
0x20: {  	[sflag:s8] =	ssyncset.s32 @!p0 $0xFFFFF086;
	s6 =	sadd.s32 @!p0 s3, s7;
	s7 =	simm.s32 @!p0 $0x108  }
0x21: {  	s3 =	sadd.s32 s3, s9;
	s6 =	sadd.s32 @!p0 $0x88, s6;
	s7 =	simm.s32 @p2 $0x1082  }
0x22: {  	[simem:s7], [sflag:s8] =	dma.local @!p0 [hbm:s6], $0xF7A  }
0x23: {  	s9 =	sor.u32 $0xD0000000, s2;
	s6 =	simm.s32 $0x108;
	_ =	swait.ge @!p0 [sflag:s8], $0x0  }
0x24: {  	s3 =	sadd.s32 $0x88, s3;
	s6 =	simm.s32 @!p1 $0x1082;
	[sflag:s4] =	ssyncset.s32 $0xFFFFF086  }
0x25: {  	[simem:s6], [sflag:s4] =	dma.local [hbm:s3], $0xF7A  }
0x26: {  	[smem:$0x3FA0] =	sst s1;
	(tag) =	ssettag s2;
	_ =	strace s9  }
0x27: {  	s1 =	sld [smem:$0x3FB0]  }
0x28: {  	s2 =	sld [smem:$0x3FB1]  }
0x29: {  	s4 =	sld [smem:$0x3FB3]  }
0x2a: {  	p0 =	seq.s32 s5, $0x0;
	s5 =	sld [smem:$0x3FB4]  }
0x2b: {  	s6 =	sld [smem:$0x3FB5]  }
0x2c: {  	s7 =	sld [smem:$0x3FB6]  }
0x2d: {  	s3 =	simm.s32 $0x108;
	s8 =	sld [smem:$0x3FB7]  }
0x2e: {  	s3 =	simm.s32 @!p0 $0x1082;
	s9 =	sld [smem:$0x3FB8]  }
0x2f: {  	lr =	sadd.s32 s0, s3;
	s0 =	sld [smem:$0x3FAF]  }
0x30: {  	s3 =	sld [smem:$0x3FB2]  }
0x31: {  	[smem:$0x3FBB] =	sst s10  }
0x32: {  	s10 =	sld [smem:$0x3FB9];
	_ =	sdelay $0x3  }
0x33: {  	p0 =	seq.s32 s10, $0x1;
	s10 =	sld [smem:$0x3FBB];
	_ =	sdelay $0x3  }
0x34: {  	[smem:$0x3FBB] =	sst s10  }
0x35: {  	s10 =	sld [smem:$0x3FBA];
	_ =	sdelay $0x3  }
0x36: {  	p1 =	seq.s32 s10, $0x1;
	s10 =	sld [smem:$0x3FBB];
	_ =	sdelay $0x3  }
0x37: {  	[smem:$0x3FBB] =	sst s10  }
0x38: {  	s10 =	sld [smem:$0x3FBC]  }
0x39: {  	_ = 	snop;
	(pc) =	sbr.ind lr, $3  }
0x3a: {  	_ = 	snop  }
0x3b: {  	_ = 	snop  }
0x3c: {  	p2 =	seq.s32 s10, $0x1;
	s10 =	sld [smem:$0x3FBB]  }
0x3d: {  	_ =	shalt  }
0x3e: {  	_ =	shalt  }
0x3f: {  	_ =	shalt  }
0x40: {  	_ =	shalt  }
0x41: {  	_ =	shalt  }
0x42: {  	_ =	shalt  }
0x43: {  	_ =	shalt  }
0x44: {  	_ =	shalt  }
0x45: {  	_ =	shalt  }
0x46: {  	_ =	shalt  }
0x47: {  	_ =	shalt  }
0x48: {  	_ =	shalt  }
0x49: {  	_ =	shalt  }
0x4a: {  	_ =	shalt  }
0x4b: {  	_ =	shalt  }
0x4c: {  	_ =	shalt  }
0x4d: {  	_ =	shalt  }
0x4e: {  	_ =	shalt  }
0x4f: {  	_ =	shalt  }
0x50: {  	_ =	shalt  }
0x51: {  	_ =	shalt  }
0x52: {  	_ =	shalt  }
0x53: {  	_ =	shalt  }
0x54: {  	_ =	shalt  }
0x55: {  	_ =	shalt  }
0x56: {  	_ =	shalt  }
0x57: {  	_ =	shalt  }
0x58: {  	_ =	shalt  }
0x59: {  	_ =	shalt  }
0x5a: {  	_ =	shalt  }
0x5b: {  	_ =	shalt  }
0x5c: {  	_ =	shalt  }
0x5d: {  	_ =	shalt  }
0x5e: {  	_ =	shalt  }
0x5f: {  	_ =	shalt  }
0x60: {  	_ =	shalt  }
0x61: {  	_ =	shalt  }
0x62: {  	_ =	shalt  }
0x63: {  	_ =	shalt  }
0x64: {  	_ =	shalt  }
0x65: {  	_ =	shalt  }
0x66: {  	_ =	shalt  }
0x67: {  	_ =	shalt  }
0x68: {  	_ =	shalt  }
0x69: {  	_ =	shalt  }
0x6a: {  	_ =	shalt  }
0x6b: {  	_ =	shalt  }
0x6c: {  	_ =	shalt  }
0x6d: {  	_ =	shalt  }
0x6e: {  	_ =	shalt  }
0x6f: {  	_ =	shalt  }
0x70: {  	_ =	shalt  }
0x71: {  	_ =	shalt  }
0x72: {  	_ =	shalt  }
0x73: {  	_ =	shalt  }
0x74: {  	_ =	shalt  }
0x75: {  	_ =	shalt  }
0x76: {  	_ =	shalt  }
0x77: {  	_ =	shalt  }
0x78: {  	_ =	shalt  }
0x79: {  	_ =	shalt  }
0x7a: {  	_ =	shalt  }
0x7b: {  	_ =	shalt  }
0x7c: {  	_ =	shalt  }
0x7d: {  	_ =	shalt  }
0x7e: {  	_ =	shalt  }
0x7f: {  	_ =	shalt  }
0x80: {  	_ =	shalt  }
0x81: {  	_ =	shalt  }
0x82: {  	_ =	shalt  }
0x83: {  	_ =	shalt  }
0x84: {  	_ =	shalt  }
0x85: {  	_ =	shalt  }
0x86: {  	_ =	shalt  }
0x87: {  	_ =	shalt  }
.Lfunc_end0:
.L_simem_size_0:
called_computation_lowered:
.L_overlay_start_0:
0x88: {  	s2 =	sld [smem:$0x3FD9]  }
0x89: {  	s3 =	sld [smem:$0x3FFE];
	_ =	sdelay $0x1  }
0x8a: {  	s1 =	srdreg.scid  }
0x8b: {  	s0 =	sand.u32 $0x1, s1  }
0x8c: {  	s17 =	sshll.u32 s0, $0xA;
	s2 =	sadd.s32 s3, s2  }
0x8d: {  	s2 =	sadd.s32 s2, s17  }
0x8e: {  	[smem:$0x3FC7] =	sst s2  }
0x8f: {  	_ = 	snop  }
0x90: {  	s2 =	sld [smem:$0x3FC9]  }
0x91: {  	s18 =	sld [smem:$0x3FD0];
	(tm) =	ssettm $0x1  }
0x92: {  	s4 =	sld [smem:$0x3FFB];
	_ =	sdelay $0x3  }
0x93: {  	_ =	strace s4  }
0x94: {  	s4 =	sld [smem:$0x3FFC];
	_ =	sdelay $0x3  }
0x95: {  	_ =	strace s4  }
0x96: {  	s4 =	sld [smem:$0x3FFD];
	_ =	sdelay $0x3  }
0x97: {  	_ =	strace s4  }
0x98: {  	_ =	strace $0x8FFFFFFF  }
0x99: {  	s19 =	sld [smem:$0x3FDB];
	_ =	sdelay $0x1  }
0x9a: {  	s5 =	simm.s32 $_scs_section_size  }
0x9b: {  	s6 =	simm.s32 $_size__tile_overlayer_lowered;
	s7 =	simm.s32 $_tile_overlayer_lowered  }
0x9c: {  	s22 =	simm.s32 $0x1BFF;
	s21 =	sshll.u32 s7, $0x1;
	s4 =	sadd.s32 s5, s19  }
0x9d: {  	s8 =	simm.s32 $0x0;
	s20 =	sshll.u32 s6, $0x1;
	s6 =	sadd.s32 s21, s4  }
0x9e: {  	[timem:s8], [sflag:s22] =	dma.local [hbm:s6], s20  }
0x9f: {  	_ =	swait.ge [sflag:s22], s20  }
0xa0: {  	s5 =	ssub.s32 $0x0, s20;
	[sflag:s22] =	ssyncset.done $0x0  }
0xa1: {  	[sflag:s22] =	ssyncadd.s32 s5;
	_ =	sdelay $0x1  }
0xa2: {  	s23 =	simm.s32 $0x1B8B  }
0xa3: {  	_ =	swait.ge [sflag:s23], $0x1  }
0xa4: {  	[sflag:s23] =	ssyncset.done $0x0  }
0xa5: {  	s25 =	simm.s32 $0x1B8E;
	s24 =	sld [smem:$0x3FFE];
	[sflag:s23] =	ssyncadd.s32 $0xFFFFFFFF  }
0xa6: {  	s26 =	simm.s32 $execute0_lowered;
	[smem:$0x3FD2] =	sst s25  }
0xa7: {  	s6 =	sshll.u32 s26, $0x1;
	_ =	strace $0x80000046;
	[dreg:$0x1] =	wrdreg $0xFFFFFFFF  }
0xa8: {  	s28 =	simm.s32 $_size_execute0_lowered;
	s4 =	sadd.s32 s4, s6;
	[dreg:$0x0] =	wrdreg $0x0  }
0xa9: {  	s6 =	sshll.u32 s28, $0x1;
	[dreg:$0x2] =	wrdreg s4  }
0xaa: {  	[dreg:$0x3] =	wrdreg s6  }
0xab: {  	[dreg:$0x4] =	wrdreg $0xC0  }
0xac: {  	_ =	task [dreg:s8], $0x5FFFF  }
0xad: {  	[dreg:$0x1] =	wrdreg $0xFFFFFFFF  }
0xae: {  	[dreg:$0x0] =	wrdreg $0x60  }
0xaf: {  	[dreg:$0x2] =	wrdreg s18  }
0xb0: {  	[dreg:$0x3] =	wrdreg s2  }
0xb1: {  	[dreg:$0x4] =	wrdreg s24  }
0xb2: {  	[dreg:$0x5] =	wrdreg $0x9  }
0xb3: {  	_ =	task.clear_ibuf [dreg:s8], $0x6FFFF;
	_ =	strace $0x90000046  }
0xb4: {  	s29 =	simm.s32 $0x9;
	_ =	strace $0x80000048  }
0xb5: {  	_ =	swait.ge [sflag:s29], $0x1  }
0xb6: {  	[sflag:s29] =	ssyncadd.s32 $0xFFFFFFFF  }
0xb7: {  	_ =	strace $0x90000048  }
0xb8: {  	_ =	sfence  }
0xb9: {  	s30 =	sld [smem:$0x0];
	_ =	sdelay $0x2  }
0xba: {  	s31 =	sshll.u32 s1, $0xD;
	s1 =	sshrl.u32 s1, $0x2  }
0xbb: {  	s3 =	sand.u32 $0x4000, s31;
	s1 =	sadd.s32 s1, s30  }
0xbc: {  	s0 =	sor.u32 s3, s0;
	s1 =	sshll.u32 s1, $0x11  }
0xbd: {  	s0 =	sor.u32 s1, s0  }
0xbe: {  	s0 =	sadd.s32 $0x8F2B, s0  }
0xbf: {  	[sflag:s0] =	ssyncadd.remote.s32 $0x1  }
0xc0: {  	_ =	sfence.sel $0xFFFF  }
0xc1: {  	[dreg:$0x0] =	wrdreg $0xFFFFFFFF;
	(pc) =	sbr.abs _section_cstart, $3  }
0xc2: {  	[dreg:$0x1] =	wrdreg $0xFFFFFFFF  }
0xc3: {  	_ =	task.clear_ibuf [dreg:s8], $0x2FFFF;
	_ =	strace $0x9FFFFFFF  }
0xc4: {  	(tm) =	ssettm $0x7FFFFFFF  }
0xc5: {  	_ =	shalt  }
tec
execute0_lowered:
.L_overlay_start_1:
0x0: {  	(tag) =	ssettag $0x1  }
0x1: {  	s0 =	rddreg [dreg:$0x0]  }
0x2: {  	s2 =	rddreg [dreg:$0x1]  }
0x3: {  	s3 =	rddreg [dreg:$0x2]  }
0x4: {  	s1 =	simm.s32 $0x0;
	s4 =	srdreg.scid;
	s9 =	stileid.u32  }
0x5: {  	s21 =	simm.s32 $0x10C00;
	s22 =	simm.s32 $0x14000;
	s23 =	simm.s32 $0x17400  }
0x6: {  	s24 =	simm.s32 $0x2;
	s25 =	simm.s32 $0x1;
	s26 =	simm.s32 $0x0  }
0x7: {  	[smem:$0x7FF] =	sst s1;
	s4 =	sand.u32 $0x1, s4;
	s8 =	smul.u32 $0x3400, s9  }
0x8: {  	s5 =	smul.u32 $0x340000, s4;
	s6 =	ssub.s32 $0x2, s4;
	_ =	strace $0x80000047  }
0x9: {  	s31 =	sshll.u32 s4, $0x8;
	s7 =	sshrl.u32 s6, $0x1;
	s4 =	sadd.s32 s0, s8  }
.Ltmp0:
0xa: {  	s15 =	sadd.s32 s5, s3;
	s7 =	ssub.s32 s6, s7;
	(pc) =	sbr.rel .LBB2_1-.Ltmp0, $4  }
0xb: {  	s3 =	sshll.u32 s9, $0x3;
	s5 =	sadd.s32 s2, s31;
	s8 =	sadd.s32 $0x680, s4  }
0xc: {  	s9 =	sadd.s32 $0xD00, s4;
	s10 =	sadd.s32 $0x1380, s4;
	s11 =	sadd.s32 $0x1A00, s4  }
0xd: {  	s12 =	sadd.s32 $0x2080, s4;
	s13 =	sadd.s32 $0x2700, s4;
	s14 =	sadd.s32 $0x2D80, s4  }
0xe: {  	s6 =	sadd.s32 $0x8, s3;
	s7 =	smax.u32 s7, $0x1;
	s15 =	sadd.s32 $0x800, s15  }
.LBB2_13:
0xf: {  	s26 =	sadd.s32 $0x1, s26  }
0x10: {  	p0 =	sne.s32 s26, s7  }
.Ltmp1:
0x11: {  	_ = 	snop;
	(pc) =	sbr.rel @!p0 .LBB2_14-.Ltmp1, $1  }
0x12: {  	_ =	sdelay $0x3  }
.LBB2_1:
0x13: {  	s0 =	simm.s32 $0x800  }
0x14: {  	[tilespmem:s0], [sflag:$0x2] =	stream.linear.gather [hbm4b:s4+s1], $0x3200, $0x38;
	[tilespmem:$0x1A800] =	vst v63  }
0x15: {  	s18 =	simm.s32 $0x3C00  }
0x16: {  	[tilespmem:s18], [sflag:$0x2] =	stream.linear.gather [hbm4b:s8+s1], $0x3200, $0x38;
	[tilespmem:$0x1A800] =	vst v63  }
0x17: {  	s19 =	simm.s32 $0x7000  }
0x18: {  	[tilespmem:s19], [sflag:$0x2] =	stream.linear.gather [hbm4b:s9+s1], $0x3200, $0x38;
	[tilespmem:$0x1A800] =	vst v63  }
0x19: {  	s20 =	simm.s32 $0xA400  }
0x1a: {  	[tilespmem:s20], [sflag:$0x2] =	stream.linear.gather [hbm4b:s10+s1], $0x3200, $0x38;
	[tilespmem:$0x1A800] =	vst v63  }
0x1b: {  	s30 =	simm.s32 $0xD800  }
0x1c: {  	[tilespmem:s30], [sflag:$0x2] =	stream.linear.gather [hbm4b:s11+s1], $0x3200, $0x38;
	[tilespmem:$0x1A800] =	vst v63  }
0x1d: {  	_ = 	snop  }
0x1e: {  	[tilespmem:s21], [sflag:$0x2] =	stream.linear.gather [hbm4b:s12+s1], $0x3200, $0x38;
	[tilespmem:$0x1A800] =	vst v63  }
0x1f: {  	_ = 	snop  }
0x20: {  	[tilespmem:s22], [sflag:$0x2] =	stream.linear.gather [hbm4b:s13+s1], $0x3200, $0x38;
	[tilespmem:$0x1A800] =	vst v63  }
0x21: {  	_ = 	snop  }
0x22: {  	[tilespmem:s23], [sflag:$0x2] =	stream.linear.gather [hbm4b:s14+s1], $0x3200, $0x38;
	[tilespmem:$0x1A800] =	vst v63  }
0x23: {  	_ =	swait.ge [sflag:s24], $0x19000  }
0x24: {  	[sflag:s24] =	ssyncset.done $0x0  }
.Ltmp2:
0x25: {  	[sflag:s24] =	ssyncadd.s32 $0xFFFE7000;
	(pc) =	sbr.rel .LBB2_2-.Ltmp2, $4  }
0x26: {  	[tilespmem:s1], [sflag:$0x2] =	stream.linear.gather [hbm4b:s5+s1], $0x800, $0x38;
	[tilespmem:$0x1A800] =	vst v63  }
0x27: {  	s31 =	simm.s32 $0x0;
	s28 =	simm.s32 $0x0;
	_ =	swait.ge [sflag:s24], $0x800  }
0x28: {  	s16 =	simm.s32 $0x0;
	s29 =	simm.s32 $0x0;
	[sflag:s24] =	ssyncset.done $0x0  }
0x29: {  	s2 =	simm.s32 $0x0;
	s0 =	simm.s32 $0x0;
	[sflag:s24] =	ssyncadd.s32 $0xFFFFF800  }
.LBB2_4:
0x2a: {  	s17 =	sld [smem:$0x7EF]  }
0x2b: {  	s19 =	sld [smem:$0x7F0]  }
0x2c: {  	s20 =	sld [smem:$0x7F1]  }
0x2d: {  	s2 =	simm.s32 $0x1;
	p2 =	seq.s32 s17, $0x1  }
0x2e: {  	s17 =	simm.s32 $0x1;
	s2 =	simm.s32 @!p2 $0x0;
	p2 =	seq.s32 s19, $0x1  }
0x2f: {  	s17 =	simm.s32 @!p2 $0x0;
	p2 =	seq.s32 s20, $0x1;
	s20 =	sld [smem:$0x7F2]  }
0x30: {  	_ = 	snop  }
0x31: {  	s18 =	simm.s32 $0x1  }
0x32: {  	s18 =	simm.s32 @!p2 $0x0;
	p2 =	seq.s32 s20, $0x1;
	s20 =	sld [smem:$0x7F3]  }
0x33: {  	_ = 	snop  }
0x34: {  	s2 =	sadd.s32 s17, s2;
	s17 =	simm.s32 $0x1  }
0x35: {  	s17 =	simm.s32 @!p2 $0x0;
	p2 =	seq.s32 s20, $0x1;
	s20 =	sld [smem:$0x7F4]  }
0x36: {  	_ = 	snop  }
0x37: {  	s19 =	simm.s32 $0x1  }
0x38: {  	s19 =	simm.s32 @!p2 $0x0;
	p2 =	seq.s32 s20, $0x1;
	s20 =	sld [smem:$0x7F5]  }
0x39: {  	s2 =	sadd.s32 s18, s2  }
0x3a: {  	s2 =	sadd.s32 s17, s2;
	s17 =	simm.s32 $0x1  }
0x3b: {  	s17 =	simm.s32 @!p2 $0x0;
	p2 =	seq.s32 s20, $0x1;
	s20 =	sld [smem:$0x7F6]  }
0x3c: {  	_ = 	snop  }
0x3d: {  	s18 =	simm.s32 $0x1  }
0x3e: {  	s18 =	simm.s32 @!p2 $0x0;
	p2 =	seq.s32 s20, $0x1;
	s20 =	sld [smem:$0x7F7]  }
0x3f: {  	s2 =	sadd.s32 s19, s2  }
0x40: {  	s2 =	sadd.s32 s17, s2;
	s17 =	simm.s32 $0x1  }
0x41: {  	s17 =	simm.s32 @!p2 $0x0;
	p2 =	seq.s32 s20, $0x1;
	s20 =	sld [smem:$0x7F8]  }
0x42: {  	_ = 	snop  }
0x43: {  	s19 =	simm.s32 $0x1  }
0x44: {  	s19 =	simm.s32 @!p2 $0x0;
	p2 =	seq.s32 s20, $0x1;
	s20 =	sld [smem:$0x7F9]  }
0x45: {  	s2 =	sadd.s32 s18, s2  }
0x46: {  	s2 =	sadd.s32 s17, s2;
	s17 =	simm.s32 $0x1  }
0x47: {  	s17 =	simm.s32 @!p2 $0x0;
	p2 =	seq.s32 s20, $0x1;
	s20 =	sld [smem:$0x7FA]  }
0x48: {  	_ = 	snop  }
0x49: {  	s18 =	simm.s32 $0x1;
	s2 =	sadd.s32 s19, s2  }
0x4a: {  	s18 =	simm.s32 @!p2 $0x0;
	p2 =	seq.s32 s20, $0x1;
	s20 =	sld [smem:$0x7FB]  }
0x4b: {  	s2 =	sadd.s32 s17, s2  }
0x4c: {  	s17 =	simm.s32 $0x1;
	s2 =	sadd.s32 s18, s2;
	s18 =	simm.s32 $0x1  }
0x4d: {  	s17 =	simm.s32 @!p2 $0x0;
	p2 =	seq.s32 s20, $0x1;
	s20 =	sld [smem:$0x7FD]  }
0x4e: {  	s0 =	sadd.s32 $0x6800, s0;
	s19 =	simm.s32 $0x1;
	s18 =	simm.s32 @!p0 $0x0  }
0x4f: {  	p0 =	sne.s32 s0, $0x340000;
	s2 =	sadd.s32 s17, s2;
	s17 =	simm.s32 $0x1  }
.Ltmp3:
0x50: {  	s19 =	simm.s32 @!p2 $0x0;
	p2 =	seq.s32 s20, $0x1;
	(pc) =	sbr.rel @!p0 .LBB2_5-.Ltmp3, $4  }
0x51: {  	s2 =	sadd.s32 s19, s2;
	s17 =	simm.s32 @!p2 $0x0  }
0x52: {  	s2 =	sadd.s32 s17, s2;
	s17 =	simm.s32 $0x1  }
0x53: {  	s2 =	sadd.s32 s18, s2;
	s17 =	simm.s32 @!p1 $0x0  }
0x54: {  	s31 =	sadd.s32 $0x10, s31;
	s28 =	sadd.s32 s17, s2;
	s2 =	smov.u32 s30  }
.LBB2_2:
0x55: {  	v0 =	vld [tilespmem:s31+$0x0];
	_ =	sdelay $0x4  }
0x56: {  	(v2sf) =	vpush v0, $0x0;
	_ =	sdelay $0x2  }
0x57: {  	(v2sf) =	vpush v0, $0x1;
	_ =	sdelay $0xb  }
0x58: {  	s30 =	spop (v2sf)  }
0x59: {  	(v2sf) =	vpush v0, $0x2;
	p0 =	sgt.s32 s30, $0x0  }
0x5a: {  	s30 =	simm.s32 @!p0 $0x0  }
0x5b: {  	s17 =	spop (v2sf);
	s30 =	smin.u32 s30, $0x7F  }
0x5c: {  	(v2sf) =	vpush v0, $0x3;
	p2 =	sgt.s32 s17, $0x0;
	p4 =	sge.u32 s30, s3;
	p1 =	slt.u32 s30, s6  }
0x5d: {  	s17 =	simm.s32 @!p2 $0x0;
	p0 =	por !p4, !p1  }
0x5e: {  	s17 =	smin.u32 s17, $0x7F;
	p2 =	por !p0, !p0  }
0x5f: {  	p5 =	sge.u32 s17, s3;
	p6 =	slt.u32 s17, s6;
	s30 =	ssub.s32 @p2 s30, s3  }
0x60: {  	p0 =	por !p5, !p6;
	s30 =	smul.u32 @p2 $0xD000, s30  }
0x61: {  	p0 =	por !p0, !p0;
	s18 =	sadd.s32 @p2 s0, s15  }
0x62: {  	s19 =	simm.s32 @p2 $0x0;
	s17 =	ssub.s32 @p0 s17, s3;
	s30 =	sshrl.u32 @p2 s30, $0x2  }
0x63: {  	s20 =	simm.s32 @!p2 $0x0;
	s17 =	smul.u32 @p0 $0xD000, s17;
	s30 =	sadd.s32 @p2 $0x800, s30  }
0x64: {  	[hbm4b:s18+s19] =	stream.linear.scatter @p2 [tilespmem:s30], [sflag:$0x1], $0x3200, $0x38;
	[tilespmem:$0x1A800] =	vst v63  }
0x65: {  	s20 =	simm.s32 @p2 $0x1;
	s17 =	sshrl.u32 @p0 s17, $0x2;
	s18 =	sadd.s32 @p0 s0, s15  }
0x66: {  	s17 =	sadd.s32 @p0 $0x800, s17;
	s19 =	simm.s32 @p0 $0x0;
	s18 =	sadd.s32 @p0 $0x680, s18  }
0x67: {  	[hbm4b:s18+s19] =	stream.linear.scatter @p0 [tilespmem:s17], [sflag:$0x1], $0x3200, $0x38;
	[tilespmem:$0x1A800] =	vst v63  }
0x68: {  	[smem:$0x7EF] =	sst s20;
	s20 =	simm.s32 @!p0 $0x0;
	s17 =	spop (v2sf)  }
0x69: {  	s20 =	simm.s32 @p0 $0x1;
	(v2sf) =	vpush v0, $0x4;
	p0 =	sgt.s32 s17, $0x0  }
0x6a: {  	s17 =	simm.s32 @!p0 $0x0  }
0x6b: {  	s18 =	spop (v2sf);
	s17 =	smin.u32 s17, $0x7F  }
0x6c: {  	(v2sf) =	vpush v0, $0x5;
	p2 =	sgt.s32 s18, $0x0;
	p3 =	sge.u32 s17, s3;
	p4 =	slt.u32 s17, s6  }
0x6d: {  	s18 =	simm.s32 @!p2 $0x0;
	p0 =	por !p3, !p4  }
0x6e: {  	s18 =	smin.u32 s18, $0x7F;
	p2 =	por !p0, !p0  }
0x6f: {  	p5 =	sge.u32 s18, s3;
	p6 =	slt.u32 s18, s6;
	s17 =	ssub.s32 @p2 s17, s3  }
0x70: {  	[smem:$0x7F0] =	sst s20;
	p0 =	por !p5, !p6;
	s17 =	smul.u32 @p2 $0xD000, s17  }
0x71: {  	s19 =	sadd.s32 @p2 s0, s15;
	p0 =	por !p0, !p0;
	s30 =	simm.s32 @p2 $0x0  }
0x72: {  	s20 =	simm.s32 @!p2 $0x0;
	s18 =	ssub.s32 @p0 s18, s3;
	s17 =	sshrl.u32 @p2 s17, $0x2  }
0x73: {  	s19 =	sadd.s32 @p2 $0xD00, s19;
	s18 =	smul.u32 @p0 $0xD000, s18;
	s17 =	sadd.s32 @p2 $0x800, s17  }
0x74: {  	[hbm4b:s19+s30] =	stream.linear.scatter @p2 [tilespmem:s17], [sflag:$0x1], $0x3200, $0x38;
	[tilespmem:$0x1A800] =	vst v63  }
0x75: {  	s20 =	simm.s32 @p2 $0x1;
	s18 =	sshrl.u32 @p0 s18, $0x2;
	s17 =	sadd.s32 @p0 s0, s15  }
0x76: {  	s18 =	sadd.s32 @p0 $0x800, s18;
	s19 =	simm.s32 @p0 $0x0;
	s17 =	sadd.s32 @p0 $0x1380, s17  }
0x77: {  	[hbm4b:s17+s19] =	stream.linear.scatter @p0 [tilespmem:s18], [sflag:$0x1], $0x3200, $0x38;
	[tilespmem:$0x1A800] =	vst v63  }
0x78: {  	[smem:$0x7F1] =	sst s20;
	s20 =	simm.s32 @!p0 $0x0;
	s17 =	spop (v2sf)  }
0x79: {  	s20 =	simm.s32 @p0 $0x1;
	(v2sf) =	vpush v0, $0x6;
	p0 =	sgt.s32 s17, $0x0  }
0x7a: {  	s17 =	simm.s32 @!p0 $0x0  }
0x7b: {  	s18 =	spop (v2sf);
	s17 =	smin.u32 s17, $0x7F  }
0x7c: {  	p2 =	sgt.s32 s18, $0x0;
	p3 =	sge.u32 s17, s3;
	p4 =	slt.u32 s17, s6  }
0x7d: {  	s18 =	simm.s32 @!p2 $0x0;
	p0 =	por !p3, !p4  }
0x7e: {  	(v2sf) =	vpush v0, $0x7;
	s18 =	smin.u32 s18, $0x7F;
	p2 =	por !p0, !p0  }
0x7f: {  	p5 =	sge.u32 s18, s3;
	p6 =	slt.u32 s18, s6;
	s17 =	ssub.s32 @p2 s17, s3  }
0x80: {  	[smem:$0x7F2] =	sst s20;
	p0 =	por !p5, !p6;
	s17 =	smul.u32 @p2 $0xD000, s17  }
0x81: {  	s19 =	sadd.s32 @p2 s0, s15;
	p0 =	por !p0, !p0;
	s30 =	simm.s32 @p2 $0x0  }
0x82: {  	s20 =	simm.s32 @!p2 $0x0;
	s18 =	ssub.s32 @p0 s18, s3;
	s17 =	sshrl.u32 @p2 s17, $0x2  }
0x83: {  	s19 =	sadd.s32 @p2 $0x1A00, s19;
	s18 =	smul.u32 @p0 $0xD000, s18;
	s17 =	sadd.s32 @p2 $0x800, s17  }
0x84: {  	[hbm4b:s19+s30] =	stream.linear.scatter @p2 [tilespmem:s17], [sflag:$0x1], $0x3200, $0x38;
	[tilespmem:$0x1A800] =	vst v63  }
0x85: {  	s20 =	simm.s32 @p2 $0x1;
	s18 =	sshrl.u32 @p0 s18, $0x2;
	s17 =	sadd.s32 @p0 s0, s15  }
0x86: {  	s18 =	sadd.s32 @p0 $0x800, s18;
	s19 =	simm.s32 @p0 $0x0;
	s17 =	sadd.s32 @p0 $0x2080, s17  }
0x87: {  	[hbm4b:s17+s19] =	stream.linear.scatter @p0 [tilespmem:s18], [sflag:$0x1], $0x3200, $0x38;
	[tilespmem:$0x1A800] =	vst v63  }
0x88: {  	[smem:$0x7F3] =	sst s20;
	s20 =	simm.s32 @!p0 $0x0;
	s17 =	spop (v2sf);
	(v2sf) =	vpush v0, $0x8  }
0x89: {  	s20 =	simm.s32 @p0 $0x1;
	p0 =	sgt.s32 s17, $0x0  }
0x8a: {  	s17 =	simm.s32 @!p0 $0x0  }
0x8b: {  	s17 =	smin.u32 s17, $0x7F  }
0x8c: {  	p3 =	sge.u32 s17, s3;
	p4 =	slt.u32 s17, s6  }
0x8d: {  	s18 =	spop (v2sf);
	(v2sf) =	vpush v0, $0x9;
	p0 =	por !p3, !p4  }
0x8e: {  	(v2sf) =	vpush v0, $0xA;
	p2 =	por !p0, !p0;
	p0 =	sgt.s32 s18, $0x0  }
0x8f: {  	[smem:$0x7F4] =	sst s20;
	s18 =	simm.s32 @!p0 $0x0;
	s17 =	ssub.s32 @p2 s17, s3  }
0x90: {  	s19 =	sadd.s32 @p2 s0, s15;
	s17 =	smul.u32 @p2 $0xD000, s17;
	s18 =	smin.u32 s18, $0x7F  }
0x91: {  	s30 =	simm.s32 @p2 $0x0;
	p5 =	sge.u32 s18, s3;
	p6 =	slt.u32 s18, s6  }
0x92: {  	s20 =	simm.s32 @!p2 $0x0;
	p0 =	por !p5, !p6;
	s17 =	sshrl.u32 @p2 s17, $0x2  }
0x93: {  	s19 =	sadd.s32 @p2 $0x2700, s19;
	s17 =	sadd.s32 @p2 $0x800, s17;
	p1 =	por !p0, !p0  }
0x94: {  	[hbm4b:s19+s30] =	stream.linear.scatter @p2 [tilespmem:s17], [sflag:$0x1], $0x3200, $0x38;
	[tilespmem:$0x1A800] =	vst v63  }
0x95: {  	s20 =	simm.s32 @p2 $0x1;
	s17 =	ssub.s32 @p1 s18, s3  }
0x96: {  	[smem:$0x7F5] =	sst s20;
	s17 =	smul.u32 @p1 $0xD000, s17  }
0x97: {  	s19 =	sadd.s32 @p1 s0, s15;
	s30 =	simm.s32 @p1 $0x0;
	s18 =	spop (v2sf)  }
0x98: {  	s20 =	simm.s32 @!p1 $0x0;
	s17 =	sshrl.u32 @p1 s17, $0x2;
	p0 =	sgt.s32 s18, $0x0  }
0x99: {  	s19 =	sadd.s32 @p1 $0x2D80, s19;
	s17 =	sadd.s32 @p1 $0x800, s17;
	s18 =	simm.s32 @!p0 $0x0  }
0x9a: {  	[hbm4b:s19+s30] =	stream.linear.scatter @p1 [tilespmem:s17], [sflag:$0x1], $0x3200, $0x38;
	[tilespmem:$0x1A800] =	vst v63  }
0x9b: {  	s20 =	simm.s32 @p1 $0x1;
	s17 =	smin.u32 s18, $0x7F  }
0x9c: {  	s18 =	spop (v2sf);
	p3 =	sge.u32 s17, s3;
	p4 =	slt.u32 s17, s6  }
0x9d: {  	[smem:$0x7F6] =	sst s20;
	(v2sf) =	vpush v0, $0xB;
	s19 =	spop (v2sf);
	p0 =	por !p3, !p4  }
0x9e: {  	(v2sf) =	vpush v0, $0xC;
	p1 =	sgt.s32 s19, $0x0;
	p2 =	por !p0, !p0;
	p0 =	sgt.s32 s18, $0x0  }
0x9f: {  	(v2sf) =	vpush v0, $0xD;
	[smem:$0x7FC] =	sst s1;
	s19 =	simm.s32 @!p1 $0x0;
	s18 =	simm.s32 @!p0 $0x0  }
0xa0: {  	s17 =	ssub.s32 @p2 s17, s3;
	s30 =	sadd.s32 @p2 s0, s15;
	s20 =	simm.s32 @p2 $0x0  }
0xa1: {  	s1 =	simm.s32 @!p2 $0x0;
	s17 =	smul.u32 @p2 $0xD000, s17;
	s18 =	smin.u32 s18, $0x7F  }
0xa2: {  	s30 =	sadd.s32 @p2 $0x3400, s30;
	s1 =	simm.s32 @p2 $0x1;
	p5 =	sge.u32 s18, s3  }
0xa3: {  	p6 =	slt.u32 s18, s6;
	[smem:$0x7F7] =	sst s1;
	s17 =	sshrl.u32 @p2 s17, $0x2  }
0xa4: {  	p0 =	por !p5, !p6;
	s1 =	sld [smem:$0x7FC];
	s17 =	sadd.s32 @p2 $0x800, s17  }
0xa5: {  	[hbm4b:s30+s20] =	stream.linear.scatter @p2 [tilespmem:s17], [sflag:$0x1], $0x3200, $0x38;
	[tilespmem:$0x1A800] =	vst v63  }
0xa6: {  	p2 =	por !p0, !p0;
	s17 =	smin.u32 s19, $0x7F  }
0xa7: {  	s18 =	ssub.s32 @p2 s18, s3;
	p3 =	sge.u32 s17, s3  }
0xa8: {  	p4 =	slt.u32 s17, s6;
	s19 =	sadd.s32 @p2 s0, s15;
	s20 =	simm.s32 @p2 $0x0  }
0xa9: {  	s30 =	simm.s32 @!p2 $0x0;
	p0 =	por !p3, !p4;
	s18 =	smul.u32 @p2 $0xD000, s18  }
0xaa: {  	s19 =	sadd.s32 @p2 $0x3A80, s19;
	s30 =	simm.s32 @p2 $0x1;
	p0 =	por !p0, !p0  }
0xab: {  	[smem:$0x7F8] =	sst s30;
	s18 =	sshrl.u32 @p2 s18, $0x2;
	s17 =	ssub.s32 @p0 s17, s3  }
0xac: {  	s30 =	simm.s32 @!p0 $0x0;
	s18 =	sadd.s32 @p2 $0x800, s18;
	s17 =	smul.u32 @p0 $0xD000, s17  }
0xad: {  	[hbm4b:s19+s20] =	stream.linear.scatter @p2 [tilespmem:s18], [sflag:$0x1], $0x3200, $0x38;
	[tilespmem:$0x1A800] =	vst v63  }
0xae: {  	s18 =	sadd.s32 @p0 s0, s15;
	s19 =	spop (v2sf);
	s17 =	sshrl.u32 @p0 s17, $0x2  }
0xaf: {  	s20 =	simm.s32 @p0 $0x0;
	s18 =	sadd.s32 @p0 $0x4100, s18;
	s17 =	sadd.s32 @p0 $0x800, s17  }
0xb0: {  	(v2sf) =	vpush v0, $0xE;
	[hbm4b:s18+s20] =	stream.linear.scatter @p0 [tilespmem:s17], [sflag:$0x1], $0x3200, $0x38;
	[tilespmem:$0x1A800] =	vst v63  }
0xb1: {  	s30 =	simm.s32 @p0 $0x1;
	s17 =	spop (v2sf);
	p0 =	sgt.s32 s19, $0x0  }
0xb2: {  	[smem:$0x7F9] =	sst s30;
	s19 =	simm.s32 @!p0 $0x0;
	p0 =	sgt.s32 s17, $0x0  }
0xb3: {  	s17 =	simm.s32 @!p0 $0x0;
	s18 =	smin.u32 s19, $0x7F;
	s19 =	spop (v2sf)  }
0xb4: {  	(v2sf) =	vpush v0, $0xF;
	[smem:$0x7FC] =	sst s1;
	p5 =	sge.u32 s18, s3;
	p6 =	slt.u32 s18, s6  }
0xb5: {  	p2 =	sgt.s32 s19, $0x0;
	s17 =	smin.u32 s17, $0x7F;
	p0 =	por !p5, !p6  }
0xb6: {  	s19 =	simm.s32 @!p2 $0x0;
	p2 =	sge.u32 s17, s3;
	p4 =	slt.u32 s17, s6  }
0xb7: {  	p3 =	por !p0, !p0;
	p1 =	por !p2, !p4;
	s19 =	smin.u32 s19, $0x7F  }
0xb8: {  	s18 =	ssub.s32 @p3 s18, s3;
	p5 =	sge.u32 s19, s3;
	p6 =	slt.u32 s19, s6  }
0xb9: {  	s20 =	sadd.s32 @p3 s0, s15;
	p1 =	por !p1, !p1;
	s1 =	simm.s32 @!p3 $0x0  }
0xba: {  	s30 =	simm.s32 @p3 $0x0;
	s18 =	smul.u32 @p3 $0xD000, s18;
	s1 =	simm.s32 @p3 $0x1  }
0xbb: {  	p0 =	por !p5, !p6;
	s20 =	sadd.s32 @p3 $0x4780, s20;
	[smem:$0x7FA] =	sst s1  }
0xbc: {  	s17 =	ssub.s32 @p1 s17, s3;
	s18 =	sshrl.u32 @p3 s18, $0x2;
	s1 =	sld [smem:$0x7FC]  }
0xbd: {  	s17 =	smul.u32 @p1 $0xD000, s17;
	p2 =	por !p0, !p0;
	s18 =	sadd.s32 @p3 $0x800, s18  }
0xbe: {  	[hbm4b:s20+s30] =	stream.linear.scatter @p3 [tilespmem:s18], [sflag:$0x1], $0x3200, $0x38;
	[tilespmem:$0x1A800] =	vst v63  }
0xbf: {  	s18 =	spop (v2sf);
	[smem:$0x7FC] =	sst s1;
	s1 =	simm.s32 @!p1 $0x0  }
0xc0: {  	s17 =	sshrl.u32 @p1 s17, $0x2;
	s20 =	sadd.s32 @p1 s0, s15;
	s1 =	simm.s32 @p1 $0x1  }
0xc1: {  	s17 =	sadd.s32 @p1 $0x800, s17;
	s30 =	simm.s32 @p1 $0x0;
	[smem:$0x7FB] =	sst s1  }
0xc2: {  	s20 =	sadd.s32 @p1 $0x4E00, s20;
	p0 =	sgt.s32 s18, $0x0;
	s1 =	sld [smem:$0x7FC]  }
0xc3: {  	[hbm4b:s20+s30] =	stream.linear.scatter @p1 [tilespmem:s17], [sflag:$0x1], $0x3200, $0x38;
	[tilespmem:$0x1A800] =	vst v63  }
0xc4: {  	s18 =	simm.s32 @!p0 $0x0;
	s17 =	ssub.s32 @p2 s19, s3  }
0xc5: {  	s18 =	smin.u32 s18, $0x7F;
	s19 =	spop (v2sf);
	s20 =	sadd.s32 @p2 s0, s15  }
0xc6: {  	s30 =	simm.s32 @p2 $0x0;
	s17 =	smul.u32 @p2 $0xD000, s17;
	p3 =	sge.u32 s18, s3  }
0xc7: {  	p4 =	slt.u32 s18, s6;
	[smem:$0x7FC] =	sst s1;
	s1 =	simm.s32 @!p2 $0x0  }
0xc8: {  	p1 =	sgt.s32 s19, $0x0;
	s20 =	sadd.s32 @p2 $0x5480, s20;
	s1 =	simm.s32 @p2 $0x1  }
0xc9: {  	p0 =	por !p3, !p4;
	s17 =	sshrl.u32 @p2 s17, $0x2;
	[smem:$0x7FD] =	sst s1  }
0xca: {  	s19 =	simm.s32 @!p1 $0x0;
	s17 =	sadd.s32 @p2 $0x800, s17;
	s1 =	sld [smem:$0x7FC]  }
0xcb: {  	[hbm4b:s20+s30] =	stream.linear.scatter @p2 [tilespmem:s17], [sflag:$0x1], $0x3200, $0x38;
	[tilespmem:$0x1A800] =	vst v63  }
0xcc: {  	p0 =	por !p0, !p0;
	s17 =	smin.u32 s19, $0x7F  }
0xcd: {  	s18 =	ssub.s32 @p0 s18, s3;
	p5 =	sge.u32 s17, s3;
	p6 =	slt.u32 s17, s6  }
0xce: {  	s18 =	smul.u32 @p0 $0xD000, s18;
	p1 =	por !p5, !p6  }
0xcf: {  	s19 =	sadd.s32 @p0 s0, s15;
	p1 =	por !p1, !p1  }
0xd0: {  	s20 =	simm.s32 @p0 $0x0;
	s18 =	sshrl.u32 @p0 s18, $0x2;
	s17 =	ssub.s32 @p1 s17, s3  }
0xd1: {  	s19 =	sadd.s32 @p0 $0x5B00, s19;
	s18 =	sadd.s32 @p0 $0x800, s18;
	s17 =	smul.u32 @p1 $0xD000, s17  }
0xd2: {  	[hbm4b:s19+s20] =	stream.linear.scatter @p0 [tilespmem:s18], [sflag:$0x1], $0x3200, $0x38;
	[tilespmem:$0x1A800] =	vst v63  }
0xd3: {  	p2 =	slt.s32 s2, $0x1;
	s18 =	sadd.s32 @p1 s0, s15;
	s17 =	sshrl.u32 @p1 s17, $0x2  }
0xd4: {  	s19 =	simm.s32 @p1 $0x0;
	s18 =	sadd.s32 @p1 $0x6180, s18;
	s17 =	sadd.s32 @p1 $0x800, s17  }
0xd5: {  	[hbm4b:s18+s19] =	stream.linear.scatter @p1 [tilespmem:s17], [sflag:$0x1], $0x3200, $0x38;
	[tilespmem:$0x1A800] =	vst v63  }
0xd6: {  	s17 =	simm.s32 @!p2 $0x1  }
0xd7: {  	p3 =	seq.s32 @!p2 s2, $0x1;
	_ =	swait.ge @!p2 [sflag:s17], $0x3200  }
0xd8: {  	p3 =	por p2, p3;
	[sflag:s17] =	ssyncset.done @!p2 $0x0  }
0xd9: {  	[sflag:s17] =	ssyncadd.s32 @!p2 $0xFFFFCE00;
	s17 =	simm.s32 @!p3 $0x1  }
0xda: {  	p2 =	slt.u32 @!p3 s2, $0x3;
	_ =	swait.ge @!p3 [sflag:s17], $0x3200  }
0xdb: {  	p2 =	por p3, p2;
	[sflag:s17] =	ssyncset.done @!p3 $0x0  }
0xdc: {  	[sflag:s17] =	ssyncadd.s32 @!p3 $0xFFFFCE00;
	s17 =	simm.s32 @!p2 $0x1  }
0xdd: {  	p3 =	seq.s32 @!p2 s2, $0x3;
	_ =	swait.ge @!p2 [sflag:s17], $0x3200  }
0xde: {  	p3 =	por p2, p3;
	[sflag:s17] =	ssyncset.done @!p2 $0x0  }
0xdf: {  	[sflag:s17] =	ssyncadd.s32 @!p2 $0xFFFFCE00;
	s17 =	simm.s32 @!p3 $0x1  }
0xe0: {  	p2 =	slt.u32 @!p3 s2, $0x5;
	_ =	swait.ge @!p3 [sflag:s17], $0x3200  }
0xe1: {  	p2 =	por p3, p2;
	[sflag:s17] =	ssyncset.done @!p3 $0x0  }
0xe2: {  	[sflag:s17] =	ssyncadd.s32 @!p3 $0xFFFFCE00;
	s17 =	simm.s32 @!p2 $0x1  }
0xe3: {  	p3 =	seq.s32 @!p2 s2, $0x5;
	_ =	swait.ge @!p2 [sflag:s17], $0x3200  }
0xe4: {  	p3 =	por p2, p3;
	[sflag:s17] =	ssyncset.done @!p2 $0x0  }
0xe5: {  	[sflag:s17] =	ssyncadd.s32 @!p2 $0xFFFFCE00;
	s17 =	simm.s32 @!p3 $0x1  }
0xe6: {  	p2 =	slt.u32 @!p3 s2, $0x7;
	_ =	swait.ge @!p3 [sflag:s17], $0x3200  }
0xe7: {  	p2 =	por p3, p2;
	[sflag:s17] =	ssyncset.done @!p3 $0x0  }
0xe8: {  	[sflag:s17] =	ssyncadd.s32 @!p3 $0xFFFFCE00;
	s17 =	simm.s32 @!p2 $0x1  }
0xe9: {  	p3 =	seq.s32 @!p2 s2, $0x7;
	_ =	swait.ge @!p2 [sflag:s17], $0x3200  }
0xea: {  	p3 =	por p2, p3;
	[sflag:s17] =	ssyncset.done @!p2 $0x0  }
0xeb: {  	[sflag:s17] =	ssyncadd.s32 @!p2 $0xFFFFCE00;
	s17 =	simm.s32 @!p3 $0x1  }
0xec: {  	p2 =	slt.u32 @!p3 s2, $0x9;
	_ =	swait.ge @!p3 [sflag:s17], $0x3200  }
0xed: {  	p2 =	por p3, p2;
	[sflag:s17] =	ssyncset.done @!p3 $0x0  }
0xee: {  	[sflag:s17] =	ssyncadd.s32 @!p3 $0xFFFFCE00;
	s17 =	simm.s32 @!p2 $0x1  }
0xef: {  	p3 =	seq.s32 @!p2 s2, $0x9;
	_ =	swait.ge @!p2 [sflag:s17], $0x3200  }
0xf0: {  	p3 =	por p2, p3;
	[sflag:s17] =	ssyncset.done @!p2 $0x0  }
0xf1: {  	[sflag:s17] =	ssyncadd.s32 @!p2 $0xFFFFCE00;
	p2 =	slt.u32 @!p3 s2, $0xB  }
0xf2: {  	p2 =	por p3, p2  }
.Ltmp4:
0xf3: {  	_ = 	snop;
	(pc) =	sbr.rel @p2 .LBB2_4-.Ltmp4, $4  }
0xf4: {  	s17 =	simm.s32 @!p3 $0x1  }
0xf5: {  	_ =	swait.ge @!p3 [sflag:s17], $0x3200  }
0xf6: {  	s30 =	smov.u32 s29;
	[sflag:s17] =	ssyncset.done @!p3 $0x0  }
0xf7: {  	s29 =	smov.u32 s16;
	s16 =	smov.u32 s28;
	[sflag:s17] =	ssyncadd.s32 @!p3 $0xFFFFCE00  }
0xf8: {  	p2 =	seq.s32 s2, $0xB  }
0xf9: {  	p3 =	slt.u32 @!p2 s2, $0xD  }
0xfa: {  	p4 =	por p3, p2  }
0xfb: {  	s17 =	simm.s32 @!p3 $0x0;
	p6 =	seq.s32 @!p4 s2, $0xD  }
0xfc: {  	_ =	swait.ge [sflag:s25], $0x3200;
	s17 =	simm.s32 @p3 $0x1;
	s18 =	simm.s32 @!p6 $0x0  }
0xfd: {  	[sflag:s25] =	ssyncset.done $0x0;
	[smem:$0x7EE] =	sst s17;
	s18 =	simm.s32 @p6 $0x1  }
0xfe: {  	[sflag:s25] =	ssyncadd.s32 $0xFFFFCE00;
	s17 =	simm.s32 @!p2 $0x1;
	[smem:$0x7ED] =	sst s18  }
0xff: {  	p5 =	por @!p2 p6, p3;
	s18 =	simm.s32 @!p0 $0x0;
	_ =	swait.ge @!p2 [sflag:s17], $0x3200  }
0x100: {  	p5 =	por p5, p2;
	s18 =	simm.s32 @p0 $0x1;
	[sflag:s17] =	ssyncset.done @!p2 $0x0  }
0x101: {  	[smem:$0x7EC] =	sst s18;
	[sflag:s17] =	ssyncadd.s32 @!p2 $0xFFFFCE00;
	s17 =	simm.s32 @!p4 $0x1  }
0x102: {  	p0 =	slt.u32 @!p5 s2, $0xF;
	_ =	swait.ge @!p4 [sflag:s17], $0x3200  }
0x103: {  	p6 =	por @!p4 p0, p6;
	[sflag:s17] =	ssyncset.done @!p4 $0x0  }
0x104: {  	p6 =	por @!p2 p6, p3;
	[sflag:s17] =	ssyncadd.s32 @!p4 $0xFFFFCE00;
	s17 =	simm.s32 @!p5 $0x1  }
0x105: {  	p6 =	por p6, p2;
	_ =	swait.ge @!p5 [sflag:s17], $0x3200  }
0x106: {  	p3 =	seq.s32 @!p6 s2, $0xF;
	[sflag:s17] =	ssyncset.done @!p5 $0x0  }
0x107: {  	s2 =	simm.s32 @!p6 $0x1;
	s19 =	sld [smem:$0x7EC];
	[sflag:s17] =	ssyncadd.s32 @!p5 $0xFFFFCE00  }
0x108: {  	s20 =	sld [smem:$0x7ED];
	_ =	swait.ge @!p6 [sflag:s2], $0x3200  }
0x109: {  	s28 =	sld [smem:$0x7EE];
	_ =	sdelay $0x1  }
0x10a: {  	p3 =	por @!p5 p3, p0;
	p5 =	seq.s32 s20, $0x1  }
0x10b: {  	p3 =	por @!p4 p3, p5;
	p4 =	seq.s32 s28, $0x1  }
0x10c: {  	p3 =	por @!p2 p3, p4  }
.Ltmp5:
0x10d: {  	[sflag:s2] =	ssyncset.done @!p6 $0x0;
	p2 =	por p3, p2;
	(pc) =	sbr.rel .LBB2_4-.Ltmp5, $4  }
0x10e: {  	[sflag:s2] =	ssyncadd.s32 @!p6 $0xFFFFCE00;
	s2 =	simm.s32 @!p2 $0x1  }
0x10f: {  	_ =	swait.ge @!p2 [sflag:s2], $0x3200  }
0x110: {  	[sflag:s2] =	ssyncset.done @!p2 $0x0  }
0x111: {  	p0 =	seq.s32 s19, $0x1;
	[sflag:s2] =	ssyncadd.s32 @!p2 $0xFFFFCE00  }
.LBB2_5:
0x112: {  	p0 =	seq.s32 s30, $0x0  }
0x113: {  	s0 =	simm.s32 @!p0 $0x1  }
0x114: {  	p1 =	seq.s32 @!p0 s30, $0x1;
	_ =	swait.ge @!p0 [sflag:s0], $0x3200  }
0x115: {  	p1 =	por p0, p1;
	[sflag:s0] =	ssyncset.done @!p0 $0x0  }
0x116: {  	[sflag:s0] =	ssyncadd.s32 @!p0 $0xFFFFCE00;
	s0 =	simm.s32 @!p1 $0x1  }
0x117: {  	p0 =	slt.u32 @!p1 s30, $0x3;
	_ =	swait.ge @!p1 [sflag:s0], $0x3200  }
0x118: {  	p0 =	por p1, p0;
	[sflag:s0] =	ssyncset.done @!p1 $0x0  }
0x119: {  	[sflag:s0] =	ssyncadd.s32 @!p1 $0xFFFFCE00;
	s0 =	simm.s32 @!p0 $0x1  }
0x11a: {  	p1 =	seq.s32 @!p0 s30, $0x3;
	_ =	swait.ge @!p0 [sflag:s0], $0x3200  }
0x11b: {  	p1 =	por p0, p1;
	[sflag:s0] =	ssyncset.done @!p0 $0x0  }
0x11c: {  	[sflag:s0] =	ssyncadd.s32 @!p0 $0xFFFFCE00;
	s0 =	simm.s32 @!p1 $0x1  }
0x11d: {  	p0 =	slt.u32 @!p1 s30, $0x5;
	_ =	swait.ge @!p1 [sflag:s0], $0x3200  }
0x11e: {  	p0 =	por p1, p0;
	[sflag:s0] =	ssyncset.done @!p1 $0x0  }
0x11f: {  	[sflag:s0] =	ssyncadd.s32 @!p1 $0xFFFFCE00;
	s0 =	simm.s32 @!p0 $0x1  }
0x120: {  	p1 =	seq.s32 @!p0 s30, $0x5;
	_ =	swait.ge @!p0 [sflag:s0], $0x3200  }
0x121: {  	p1 =	por p0, p1;
	[sflag:s0] =	ssyncset.done @!p0 $0x0  }
0x122: {  	[sflag:s0] =	ssyncadd.s32 @!p0 $0xFFFFCE00;
	s0 =	simm.s32 @!p1 $0x1  }
0x123: {  	p0 =	slt.u32 @!p1 s30, $0x7;
	_ =	swait.ge @!p1 [sflag:s0], $0x3200  }
0x124: {  	p0 =	por p1, p0;
	[sflag:s0] =	ssyncset.done @!p1 $0x0  }
0x125: {  	[sflag:s0] =	ssyncadd.s32 @!p1 $0xFFFFCE00;
	s0 =	simm.s32 @!p0 $0x1  }
0x126: {  	p1 =	seq.s32 @!p0 s30, $0x7;
	_ =	swait.ge @!p0 [sflag:s0], $0x3200  }
0x127: {  	p1 =	por p0, p1;
	[sflag:s0] =	ssyncset.done @!p0 $0x0  }
0x128: {  	[sflag:s0] =	ssyncadd.s32 @!p0 $0xFFFFCE00;
	s0 =	simm.s32 @!p1 $0x1  }
0x129: {  	p0 =	slt.u32 @!p1 s30, $0x9;
	_ =	swait.ge @!p1 [sflag:s0], $0x3200  }
0x12a: {  	p0 =	por p1, p0;
	[sflag:s0] =	ssyncset.done @!p1 $0x0  }
0x12b: {  	[sflag:s0] =	ssyncadd.s32 @!p1 $0xFFFFCE00;
	s0 =	simm.s32 @!p0 $0x1  }
0x12c: {  	p1 =	seq.s32 @!p0 s30, $0x9;
	_ =	swait.ge @!p0 [sflag:s0], $0x3200  }
0x12d: {  	p1 =	por p0, p1;
	[sflag:s0] =	ssyncset.done @!p0 $0x0  }
0x12e: {  	[sflag:s0] =	ssyncadd.s32 @!p0 $0xFFFFCE00;
	p0 =	slt.u32 @!p1 s30, $0xB  }
0x12f: {  	p0 =	por p1, p0  }
.Ltmp6:
0x130: {  	_ = 	snop;
	(pc) =	sbr.rel @p0 .LBB2_7-.Ltmp6, $4  }
0x131: {  	s0 =	simm.s32 @!p1 $0x1  }
0x132: {  	_ =	swait.ge @!p1 [sflag:s0], $0x3200  }
0x133: {  	[sflag:s0] =	ssyncset.done @!p1 $0x0  }
0x134: {  	[sflag:s0] =	ssyncadd.s32 @!p1 $0xFFFFCE00  }
0x135: {  	p0 =	seq.s32 s30, $0xB  }
0x136: {  	p1 =	slt.u32 @!p0 s30, $0xD  }
0x137: {  	p2 =	por p1, p0  }
0x138: {  	_ =	swait.ge [sflag:s25], $0x3200;
	p3 =	seq.s32 @!p2 s30, $0xD  }
0x139: {  	[sflag:s25] =	ssyncset.done $0x0;
	s2 =	simm.s32 @!p3 $0x0;
	p4 =	por @!p0 p3, p1  }
0x13a: {  	s0 =	simm.s32 @!p0 $0x1;
	s2 =	simm.s32 @p3 $0x1;
	p4 =	por p4, p0  }
0x13b: {  	[sflag:s25] =	ssyncadd.s32 $0xFFFFCE00;
	[smem:$0x7EB] =	sst s2;
	p5 =	slt.u32 @!p4 s30, $0xF  }
0x13c: {  	_ =	swait.ge @!p0 [sflag:s0], $0x3200;
	s2 =	simm.s32 @!p5 $0x0  }
0x13d: {  	[sflag:s0] =	ssyncset.done @!p0 $0x0;
	s2 =	simm.s32 @p5 $0x1  }
0x13e: {  	[sflag:s0] =	ssyncadd.s32 @!p0 $0xFFFFCE00;
	s0 =	simm.s32 @!p2 $0x1;
	[smem:$0x7EA] =	sst s2  }
0x13f: {  	_ =	swait.ge @!p2 [sflag:s0], $0x3200  }
0x140: {  	p6 =	por @!p2 p5, p3;
	[sflag:s0] =	ssyncset.done @!p2 $0x0  }
0x141: {  	p6 =	por @!p0 p6, p1;
	[sflag:s0] =	ssyncadd.s32 @!p2 $0xFFFFCE00;
	s0 =	simm.s32 @!p4 $0x1  }
0x142: {  	p6 =	por p6, p0;
	_ =	swait.ge @!p4 [sflag:s0], $0x3200  }
0x143: {  	p5 =	seq.s32 @!p6 s30, $0xF;
	s30 =	sld [smem:$0x7EA]  }
0x144: {  	s31 =	sld [smem:$0x7EB];
	_ =	sdelay $0x1  }
0x145: {  	p3 =	seq.s32 s30, $0x1  }
0x146: {  	[sflag:s0] =	ssyncset.done @!p4 $0x0;
	p5 =	por @!p4 p5, p3;
	p3 =	seq.s32 s31, $0x1  }
0x147: {  	[sflag:s0] =	ssyncadd.s32 @!p4 $0xFFFFCE00;
	s0 =	simm.s32 @!p6 $0x1;
	p2 =	por @!p2 p5, p3  }
0x148: {  	_ =	swait.ge @!p6 [sflag:s0], $0x3200;
	p1 =	por @!p0 p2, p1  }
0x149: {  	[sflag:s0] =	ssyncset.done @!p6 $0x0;
	p0 =	por p1, p0  }
0x14a: {  	[sflag:s0] =	ssyncadd.s32 @!p6 $0xFFFFCE00;
	s0 =	simm.s32 @!p0 $0x1  }
0x14b: {  	_ =	swait.ge @!p0 [sflag:s0], $0x3200  }
0x14c: {  	[sflag:s0] =	ssyncset.done @!p0 $0x0  }
0x14d: {  	[sflag:s0] =	ssyncadd.s32 @!p0 $0xFFFFCE00  }
.LBB2_7:
0x14e: {  	p0 =	seq.s32 s29, $0x0  }
0x14f: {  	s0 =	simm.s32 @!p0 $0x1  }
0x150: {  	p1 =	seq.s32 @!p0 s29, $0x1;
	_ =	swait.ge @!p0 [sflag:s0], $0x3200  }
0x151: {  	p1 =	por p0, p1;
	[sflag:s0] =	ssyncset.done @!p0 $0x0  }
0x152: {  	[sflag:s0] =	ssyncadd.s32 @!p0 $0xFFFFCE00;
	s0 =	simm.s32 @!p1 $0x1  }
0x153: {  	p0 =	slt.u32 @!p1 s29, $0x3;
	_ =	swait.ge @!p1 [sflag:s0], $0x3200  }
0x154: {  	p0 =	por p1, p0;
	[sflag:s0] =	ssyncset.done @!p1 $0x0  }
0x155: {  	[sflag:s0] =	ssyncadd.s32 @!p1 $0xFFFFCE00;
	s0 =	simm.s32 @!p0 $0x1  }
0x156: {  	p1 =	seq.s32 @!p0 s29, $0x3;
	_ =	swait.ge @!p0 [sflag:s0], $0x3200  }
0x157: {  	p1 =	por p0, p1;
	[sflag:s0] =	ssyncset.done @!p0 $0x0  }
0x158: {  	[sflag:s0] =	ssyncadd.s32 @!p0 $0xFFFFCE00;
	s0 =	simm.s32 @!p1 $0x1  }
0x159: {  	p0 =	slt.u32 @!p1 s29, $0x5;
	_ =	swait.ge @!p1 [sflag:s0], $0x3200  }
0x15a: {  	p0 =	por p1, p0;
	[sflag:s0] =	ssyncset.done @!p1 $0x0  }
0x15b: {  	[sflag:s0] =	ssyncadd.s32 @!p1 $0xFFFFCE00;
	s0 =	simm.s32 @!p0 $0x1  }
0x15c: {  	p1 =	seq.s32 @!p0 s29, $0x5;
	_ =	swait.ge @!p0 [sflag:s0], $0x3200  }
0x15d: {  	p1 =	por p0, p1;
	[sflag:s0] =	ssyncset.done @!p0 $0x0  }
0x15e: {  	[sflag:s0] =	ssyncadd.s32 @!p0 $0xFFFFCE00;
	s0 =	simm.s32 @!p1 $0x1  }
0x15f: {  	p0 =	slt.u32 @!p1 s29, $0x7;
	_ =	swait.ge @!p1 [sflag:s0], $0x3200  }
0x160: {  	p0 =	por p1, p0;
	[sflag:s0] =	ssyncset.done @!p1 $0x0  }
0x161: {  	[sflag:s0] =	ssyncadd.s32 @!p1 $0xFFFFCE00;
	s0 =	simm.s32 @!p0 $0x1  }
0x162: {  	p1 =	seq.s32 @!p0 s29, $0x7;
	_ =	swait.ge @!p0 [sflag:s0], $0x3200  }
0x163: {  	p1 =	por p0, p1;
	[sflag:s0] =	ssyncset.done @!p0 $0x0  }
0x164: {  	[sflag:s0] =	ssyncadd.s32 @!p0 $0xFFFFCE00;
	s0 =	simm.s32 @!p1 $0x1  }
0x165: {  	p0 =	slt.u32 @!p1 s29, $0x9;
	_ =	swait.ge @!p1 [sflag:s0], $0x3200  }
0x166: {  	p0 =	por p1, p0;
	[sflag:s0] =	ssyncset.done @!p1 $0x0  }
0x167: {  	[sflag:s0] =	ssyncadd.s32 @!p1 $0xFFFFCE00;
	s0 =	simm.s32 @!p0 $0x1  }
0x168: {  	p1 =	seq.s32 @!p0 s29, $0x9;
	_ =	swait.ge @!p0 [sflag:s0], $0x3200  }
0x169: {  	p1 =	por p0, p1;
	[sflag:s0] =	ssyncset.done @!p0 $0x0  }
0x16a: {  	[sflag:s0] =	ssyncadd.s32 @!p0 $0xFFFFCE00;
	p0 =	slt.u32 @!p1 s29, $0xB  }
0x16b: {  	p0 =	por p1, p0  }
.Ltmp7:
0x16c: {  	_ = 	snop;
	(pc) =	sbr.rel @p0 .LBB2_9-.Ltmp7, $4  }
0x16d: {  	s0 =	simm.s32 @!p1 $0x1  }
0x16e: {  	_ =	swait.ge @!p1 [sflag:s0], $0x3200  }
0x16f: {  	[sflag:s0] =	ssyncset.done @!p1 $0x0  }
0x170: {  	[sflag:s0] =	ssyncadd.s32 @!p1 $0xFFFFCE00  }
0x171: {  	p0 =	seq.s32 s29, $0xB  }
0x172: {  	p1 =	slt.u32 @!p0 s29, $0xD  }
0x173: {  	p2 =	por p1, p0  }
0x174: {  	_ =	swait.ge [sflag:s25], $0x3200;
	p3 =	seq.s32 @!p2 s29, $0xD  }
0x175: {  	[sflag:s25] =	ssyncset.done $0x0;
	s2 =	simm.s32 @!p3 $0x0;
	p4 =	por @!p0 p3, p1  }
0x176: {  	s0 =	simm.s32 @!p0 $0x1;
	s2 =	simm.s32 @p3 $0x1;
	p4 =	por p4, p0  }
0x177: {  	[sflag:s25] =	ssyncadd.s32 $0xFFFFCE00;
	[smem:$0x7E9] =	sst s2;
	p5 =	slt.u32 @!p4 s29, $0xF  }
0x178: {  	_ =	swait.ge @!p0 [sflag:s0], $0x3200;
	s2 =	simm.s32 @!p5 $0x0  }
0x179: {  	[sflag:s0] =	ssyncset.done @!p0 $0x0;
	s2 =	simm.s32 @p5 $0x1  }
0x17a: {  	[sflag:s0] =	ssyncadd.s32 @!p0 $0xFFFFCE00;
	s0 =	simm.s32 @!p2 $0x1;
	[smem:$0x7E8] =	sst s2  }
0x17b: {  	_ =	swait.ge @!p2 [sflag:s0], $0x3200  }
0x17c: {  	[sflag:s0] =	ssyncset.done @!p2 $0x0  }
0x17d: {  	[sflag:s0] =	ssyncadd.s32 @!p2 $0xFFFFCE00;
	s0 =	simm.s32 @!p4 $0x1  }
0x17e: {  	_ =	swait.ge @!p4 [sflag:s0], $0x3200  }
0x17f: {  	p6 =	por @!p2 p5, p3;
	s30 =	sld [smem:$0x7E8]  }
0x180: {  	p6 =	por @!p0 p6, p1;
	s31 =	sld [smem:$0x7E9]  }
0x181: {  	p6 =	por p6, p0  }
0x182: {  	p5 =	seq.s32 @!p6 s29, $0xF;
	p3 =	seq.s32 s30, $0x1  }
0x183: {  	[sflag:s0] =	ssyncset.done @!p4 $0x0;
	p5 =	por @!p4 p5, p3;
	p3 =	seq.s32 s31, $0x1  }
0x184: {  	[sflag:s0] =	ssyncadd.s32 @!p4 $0xFFFFCE00;
	s0 =	simm.s32 @!p6 $0x1;
	p2 =	por @!p2 p5, p3  }
0x185: {  	_ =	swait.ge @!p6 [sflag:s0], $0x3200;
	p1 =	por @!p0 p2, p1  }
0x186: {  	[sflag:s0] =	ssyncset.done @!p6 $0x0;
	p0 =	por p1, p0  }
0x187: {  	[sflag:s0] =	ssyncadd.s32 @!p6 $0xFFFFCE00;
	s0 =	simm.s32 @!p0 $0x1  }
0x188: {  	_ =	swait.ge @!p0 [sflag:s0], $0x3200  }
0x189: {  	[sflag:s0] =	ssyncset.done @!p0 $0x0  }
0x18a: {  	[sflag:s0] =	ssyncadd.s32 @!p0 $0xFFFFCE00  }
.LBB2_9:
0x18b: {  	p0 =	seq.s32 s16, $0x0  }
0x18c: {  	s0 =	simm.s32 @!p0 $0x1  }
0x18d: {  	p1 =	seq.s32 @!p0 s16, $0x1;
	_ =	swait.ge @!p0 [sflag:s0], $0x3200  }
0x18e: {  	p1 =	por p0, p1;
	[sflag:s0] =	ssyncset.done @!p0 $0x0  }
0x18f: {  	[sflag:s0] =	ssyncadd.s32 @!p0 $0xFFFFCE00;
	s0 =	simm.s32 @!p1 $0x1  }
0x190: {  	p0 =	slt.u32 @!p1 s16, $0x3;
	_ =	swait.ge @!p1 [sflag:s0], $0x3200  }
0x191: {  	p0 =	por p1, p0;
	[sflag:s0] =	ssyncset.done @!p1 $0x0  }
0x192: {  	[sflag:s0] =	ssyncadd.s32 @!p1 $0xFFFFCE00;
	s0 =	simm.s32 @!p0 $0x1  }
0x193: {  	p1 =	seq.s32 @!p0 s16, $0x3;
	_ =	swait.ge @!p0 [sflag:s0], $0x3200  }
0x194: {  	p1 =	por p0, p1;
	[sflag:s0] =	ssyncset.done @!p0 $0x0  }
0x195: {  	[sflag:s0] =	ssyncadd.s32 @!p0 $0xFFFFCE00;
	s0 =	simm.s32 @!p1 $0x1  }
0x196: {  	p0 =	slt.u32 @!p1 s16, $0x5;
	_ =	swait.ge @!p1 [sflag:s0], $0x3200  }
0x197: {  	p0 =	por p1, p0;
	[sflag:s0] =	ssyncset.done @!p1 $0x0  }
0x198: {  	[sflag:s0] =	ssyncadd.s32 @!p1 $0xFFFFCE00;
	s0 =	simm.s32 @!p0 $0x1  }
0x199: {  	p1 =	seq.s32 @!p0 s16, $0x5;
	_ =	swait.ge @!p0 [sflag:s0], $0x3200  }
0x19a: {  	p1 =	por p0, p1;
	[sflag:s0] =	ssyncset.done @!p0 $0x0  }
0x19b: {  	[sflag:s0] =	ssyncadd.s32 @!p0 $0xFFFFCE00;
	s0 =	simm.s32 @!p1 $0x1  }
0x19c: {  	p0 =	slt.u32 @!p1 s16, $0x7;
	_ =	swait.ge @!p1 [sflag:s0], $0x3200  }
0x19d: {  	p0 =	por p1, p0;
	[sflag:s0] =	ssyncset.done @!p1 $0x0  }
0x19e: {  	[sflag:s0] =	ssyncadd.s32 @!p1 $0xFFFFCE00;
	s0 =	simm.s32 @!p0 $0x1  }
0x19f: {  	p1 =	seq.s32 @!p0 s16, $0x7;
	_ =	swait.ge @!p0 [sflag:s0], $0x3200  }
0x1a0: {  	p1 =	por p0, p1;
	[sflag:s0] =	ssyncset.done @!p0 $0x0  }
0x1a1: {  	[sflag:s0] =	ssyncadd.s32 @!p0 $0xFFFFCE00;
	s0 =	simm.s32 @!p1 $0x1  }
0x1a2: {  	p0 =	slt.u32 @!p1 s16, $0x9;
	_ =	swait.ge @!p1 [sflag:s0], $0x3200  }
0x1a3: {  	p0 =	por p1, p0;
	[sflag:s0] =	ssyncset.done @!p1 $0x0  }
0x1a4: {  	[sflag:s0] =	ssyncadd.s32 @!p1 $0xFFFFCE00;
	s0 =	simm.s32 @!p0 $0x1  }
0x1a5: {  	p1 =	seq.s32 @!p0 s16, $0x9;
	_ =	swait.ge @!p0 [sflag:s0], $0x3200  }
0x1a6: {  	p1 =	por p0, p1;
	[sflag:s0] =	ssyncset.done @!p0 $0x0  }
0x1a7: {  	[sflag:s0] =	ssyncadd.s32 @!p0 $0xFFFFCE00;
	p0 =	slt.u32 @!p1 s16, $0xB  }
0x1a8: {  	p0 =	por p1, p0  }
.Ltmp8:
0x1a9: {  	_ = 	snop;
	(pc) =	sbr.rel @p0 .LBB2_11-.Ltmp8, $4  }
0x1aa: {  	s0 =	simm.s32 @!p1 $0x1  }
0x1ab: {  	_ =	swait.ge @!p1 [sflag:s0], $0x3200  }
0x1ac: {  	[sflag:s0] =	ssyncset.done @!p1 $0x0  }
0x1ad: {  	[sflag:s0] =	ssyncadd.s32 @!p1 $0xFFFFCE00  }
0x1ae: {  	p0 =	seq.s32 s16, $0xB  }
0x1af: {  	p1 =	slt.u32 @!p0 s16, $0xD  }
0x1b0: {  	p2 =	por p1, p0  }
0x1b1: {  	_ =	swait.ge [sflag:s25], $0x3200;
	p3 =	seq.s32 @!p2 s16, $0xD  }
0x1b2: {  	[sflag:s25] =	ssyncset.done $0x0;
	s2 =	simm.s32 @!p3 $0x0;
	p4 =	por @!p0 p3, p1  }
0x1b3: {  	s0 =	simm.s32 @!p0 $0x1;
	s2 =	simm.s32 @p3 $0x1;
	p4 =	por p4, p0  }
0x1b4: {  	[sflag:s25] =	ssyncadd.s32 $0xFFFFCE00;
	[smem:$0x7E7] =	sst s2;
	p5 =	slt.u32 @!p4 s16, $0xF  }
0x1b5: {  	_ =	swait.ge @!p0 [sflag:s0], $0x3200;
	s2 =	simm.s32 @!p5 $0x0  }
0x1b6: {  	[sflag:s0] =	ssyncset.done @!p0 $0x0;
	s2 =	simm.s32 @p5 $0x1  }
0x1b7: {  	[sflag:s0] =	ssyncadd.s32 @!p0 $0xFFFFCE00;
	s0 =	simm.s32 @!p2 $0x1;
	[smem:$0x7E6] =	sst s2  }
0x1b8: {  	_ =	swait.ge @!p2 [sflag:s0], $0x3200  }
0x1b9: {  	[sflag:s0] =	ssyncset.done @!p2 $0x0  }
0x1ba: {  	[sflag:s0] =	ssyncadd.s32 @!p2 $0xFFFFCE00;
	s0 =	simm.s32 @!p4 $0x1  }
0x1bb: {  	_ =	swait.ge @!p4 [sflag:s0], $0x3200  }
0x1bc: {  	p6 =	por @!p2 p5, p3;
	s30 =	sld [smem:$0x7E6]  }
0x1bd: {  	p6 =	por @!p0 p6, p1;
	s31 =	sld [smem:$0x7E7]  }
0x1be: {  	p6 =	por p6, p0  }
0x1bf: {  	p5 =	seq.s32 @!p6 s16, $0xF;
	p3 =	seq.s32 s30, $0x1  }
0x1c0: {  	[sflag:s0] =	ssyncset.done @!p4 $0x0;
	p5 =	por @!p4 p5, p3;
	p3 =	seq.s32 s31, $0x1  }
0x1c1: {  	[sflag:s0] =	ssyncadd.s32 @!p4 $0xFFFFCE00;
	s0 =	simm.s32 @!p6 $0x1;
	p2 =	por @!p2 p5, p3  }
0x1c2: {  	_ =	swait.ge @!p6 [sflag:s0], $0x3200;
	p1 =	por @!p0 p2, p1  }
0x1c3: {  	[sflag:s0] =	ssyncset.done @!p6 $0x0;
	p0 =	por p1, p0  }
0x1c4: {  	[sflag:s0] =	ssyncadd.s32 @!p6 $0xFFFFCE00;
	s0 =	simm.s32 @!p0 $0x1  }
0x1c5: {  	_ =	swait.ge @!p0 [sflag:s0], $0x3200  }
0x1c6: {  	[sflag:s0] =	ssyncset.done @!p0 $0x0  }
0x1c7: {  	[sflag:s0] =	ssyncadd.s32 @!p0 $0xFFFFCE00  }
.LBB2_11:
0x1c8: {  	p0 =	seq.s32 s28, $0x0  }
0x1c9: {  	s0 =	simm.s32 @!p0 $0x1  }
0x1ca: {  	p1 =	seq.s32 @!p0 s28, $0x1;
	_ =	swait.ge @!p0 [sflag:s0], $0x3200  }
0x1cb: {  	p1 =	por p0, p1;
	[sflag:s0] =	ssyncset.done @!p0 $0x0  }
0x1cc: {  	[sflag:s0] =	ssyncadd.s32 @!p0 $0xFFFFCE00;
	s0 =	simm.s32 @!p1 $0x1  }
0x1cd: {  	p0 =	slt.u32 @!p1 s28, $0x3;
	_ =	swait.ge @!p1 [sflag:s0], $0x3200  }
0x1ce: {  	p0 =	por p1, p0;
	[sflag:s0] =	ssyncset.done @!p1 $0x0  }
0x1cf: {  	[sflag:s0] =	ssyncadd.s32 @!p1 $0xFFFFCE00;
	s0 =	simm.s32 @!p0 $0x1  }
0x1d0: {  	p1 =	seq.s32 @!p0 s28, $0x3;
	_ =	swait.ge @!p0 [sflag:s0], $0x3200  }
0x1d1: {  	p1 =	por p0, p1;
	[sflag:s0] =	ssyncset.done @!p0 $0x0  }
0x1d2: {  	[sflag:s0] =	ssyncadd.s32 @!p0 $0xFFFFCE00;
	s0 =	simm.s32 @!p1 $0x1  }
0x1d3: {  	p0 =	slt.u32 @!p1 s28, $0x5;
	_ =	swait.ge @!p1 [sflag:s0], $0x3200  }
0x1d4: {  	p0 =	por p1, p0;
	[sflag:s0] =	ssyncset.done @!p1 $0x0  }
0x1d5: {  	[sflag:s0] =	ssyncadd.s32 @!p1 $0xFFFFCE00;
	s0 =	simm.s32 @!p0 $0x1  }
0x1d6: {  	p1 =	seq.s32 @!p0 s28, $0x5;
	_ =	swait.ge @!p0 [sflag:s0], $0x3200  }
0x1d7: {  	p1 =	por p0, p1;
	[sflag:s0] =	ssyncset.done @!p0 $0x0  }
0x1d8: {  	[sflag:s0] =	ssyncadd.s32 @!p0 $0xFFFFCE00;
	s0 =	simm.s32 @!p1 $0x1  }
0x1d9: {  	p0 =	slt.u32 @!p1 s28, $0x7;
	_ =	swait.ge @!p1 [sflag:s0], $0x3200  }
0x1da: {  	p0 =	por p1, p0;
	[sflag:s0] =	ssyncset.done @!p1 $0x0  }
0x1db: {  	[sflag:s0] =	ssyncadd.s32 @!p1 $0xFFFFCE00;
	s0 =	simm.s32 @!p0 $0x1  }
0x1dc: {  	p1 =	seq.s32 @!p0 s28, $0x7;
	_ =	swait.ge @!p0 [sflag:s0], $0x3200  }
0x1dd: {  	p1 =	por p0, p1;
	[sflag:s0] =	ssyncset.done @!p0 $0x0  }
0x1de: {  	[sflag:s0] =	ssyncadd.s32 @!p0 $0xFFFFCE00;
	s0 =	simm.s32 @!p1 $0x1  }
0x1df: {  	p0 =	slt.u32 @!p1 s28, $0x9;
	_ =	swait.ge @!p1 [sflag:s0], $0x3200  }
0x1e0: {  	p0 =	por p1, p0;
	[sflag:s0] =	ssyncset.done @!p1 $0x0  }
0x1e1: {  	[sflag:s0] =	ssyncadd.s32 @!p1 $0xFFFFCE00;
	s0 =	simm.s32 @!p0 $0x1  }
0x1e2: {  	p1 =	seq.s32 @!p0 s28, $0x9;
	_ =	swait.ge @!p0 [sflag:s0], $0x3200  }
0x1e3: {  	p1 =	por p0, p1;
	[sflag:s0] =	ssyncset.done @!p0 $0x0  }
0x1e4: {  	[sflag:s0] =	ssyncadd.s32 @!p0 $0xFFFFCE00;
	p0 =	slt.u32 @!p1 s28, $0xB  }
0x1e5: {  	p0 =	por p1, p0  }
.Ltmp9:
0x1e6: {  	_ = 	snop;
	(pc) =	sbr.rel @p0 .LBB2_13-.Ltmp9, $4  }
0x1e7: {  	s0 =	simm.s32 @!p1 $0x1  }
0x1e8: {  	_ =	swait.ge @!p1 [sflag:s0], $0x3200  }
0x1e9: {  	[sflag:s0] =	ssyncset.done @!p1 $0x0  }
0x1ea: {  	[sflag:s0] =	ssyncadd.s32 @!p1 $0xFFFFCE00  }
0x1eb: {  	p0 =	seq.s32 s28, $0xB  }
0x1ec: {  	p1 =	slt.u32 @!p0 s28, $0xD  }
0x1ed: {  	p2 =	por p1, p0  }
0x1ee: {  	_ =	swait.ge [sflag:s25], $0x3200;
	p3 =	seq.s32 @!p2 s28, $0xD  }
0x1ef: {  	[sflag:s25] =	ssyncset.done $0x0;
	s2 =	simm.s32 @!p3 $0x0;
	p4 =	por @!p0 p3, p1  }
0x1f0: {  	s0 =	simm.s32 @!p0 $0x1;
	s2 =	simm.s32 @p3 $0x1;
	p4 =	por p4, p0  }
0x1f1: {  	[sflag:s25] =	ssyncadd.s32 $0xFFFFCE00;
	[smem:$0x7E5] =	sst s2;
	p5 =	slt.u32 @!p4 s28, $0xF  }
0x1f2: {  	_ =	swait.ge @!p0 [sflag:s0], $0x3200;
	s2 =	simm.s32 @!p5 $0x0  }
0x1f3: {  	[sflag:s0] =	ssyncset.done @!p0 $0x0;
	s2 =	simm.s32 @p5 $0x1  }
0x1f4: {  	[sflag:s0] =	ssyncadd.s32 @!p0 $0xFFFFCE00;
	s0 =	simm.s32 @!p2 $0x1;
	[smem:$0x7E4] =	sst s2  }
0x1f5: {  	_ =	swait.ge @!p2 [sflag:s0], $0x3200  }
0x1f6: {  	[sflag:s0] =	ssyncset.done @!p2 $0x0  }
0x1f7: {  	[sflag:s0] =	ssyncadd.s32 @!p2 $0xFFFFCE00;
	s0 =	simm.s32 @!p4 $0x1  }
0x1f8: {  	_ =	swait.ge @!p4 [sflag:s0], $0x3200  }
0x1f9: {  	p6 =	por @!p2 p5, p3;
	s30 =	sld [smem:$0x7E4]  }
0x1fa: {  	p6 =	por @!p0 p6, p1;
	s31 =	sld [smem:$0x7E5]  }
0x1fb: {  	p6 =	por p6, p0  }
0x1fc: {  	p5 =	seq.s32 @!p6 s28, $0xF;
	p3 =	seq.s32 s30, $0x1  }
0x1fd: {  	[sflag:s0] =	ssyncset.done @!p4 $0x0;
	p5 =	por @!p4 p5, p3;
	p3 =	seq.s32 s31, $0x1  }
0x1fe: {  	[sflag:s0] =	ssyncadd.s32 @!p4 $0xFFFFCE00;
	s0 =	simm.s32 @!p6 $0x1;
	p2 =	por @!p2 p5, p3  }
0x1ff: {  	_ =	swait.ge @!p6 [sflag:s0], $0x3200;
	p1 =	por @!p0 p2, p1  }
.Ltmp10:
0x200: {  	[sflag:s0] =	ssyncset.done @!p6 $0x0;
	p0 =	por p1, p0;
	(pc) =	sbr.rel .LBB2_13-.Ltmp10, $4  }
0x201: {  	[sflag:s0] =	ssyncadd.s32 @!p6 $0xFFFFCE00;
	s0 =	simm.s32 @!p0 $0x1  }
0x202: {  	_ =	swait.ge @!p0 [sflag:s0], $0x3200  }
0x203: {  	[sflag:s0] =	ssyncset.done @!p0 $0x0  }
0x204: {  	[sflag:s0] =	ssyncadd.s32 @!p0 $0xFFFFCE00  }
.LBB2_14:
0x205: {  	_ =	sfence.sel $0x180000  }
0x206: {  	[bflag:$0x0] =	sbarrier.arrive $0xFFFF  }
0x207: {  	_ =	strace $0x90000047  }
0x208: {  	s0 =	stileid.u32;
	[bflag:$0x2] =	sbarrier.arrive $0xFFFF  }
0x209: {  	p0 =	sne.s32 s0, $0x0;
	s0 =	rddreg [dreg:$0x3]  }
0x20a: {  	s0 =	sadd.s32 @!p0 $0x100000, s0  }
0x20b: {  	[sflag:s0] =	ssyncadd.tile.s32 @!p0 $0x1;
	_ =	shalt  }
.Lfunc_end2:
_tile_overlayer_lowered:
.L_overlay_start_2:
0x20c: {  	(tag) =	ssettag $0x2  }
0x20d: {  	s0 =	rddreg [dreg:$0x0];
	s2 =	stileid.u32  }
0x20e: {  	s1 =	rddreg [dreg:$0x1];
	p0 =	sne.s32 s2, $0x0  }
0x20f: {  	s3 =	rddreg [dreg:$0x2];
	[bflag:$0x3] =	sbarrier.arrive $0xFFFF;
	s2 =	simm.s32 @!p0 $0x1C02  }
0x210: {  	[timem:s3], [sflag:s2] =	dma.local @!p0 [hbm:s0], s1  }
0x211: {  	s0 =	simm.s32 @!p0 $0x2  }
0x212: {  	_ =	swait.ge @!p0 [sflag:s0], s1  }
0x213: {  	s1 =	ssub.s32 @!p0 $0x0, s1;
	[sflag:s0] =	ssyncset.done @!p0 $0x0  }
0x214: {  	[sflag:s0] =	ssyncadd.s32 @!p0 s1  }
0x215: {  	[bflag:$0x3] =	sbarrier.arrive $0xFFFF  }
0x216: {  	_ =	shalt  }

</sc_bundles>
